<compile_context>
chip_gen: v7x
topology: tpu7x:2x2x1
jax: 0.10.2.dev20260603
libtpu: 0.0.44.dev20260713+nightly
codegen_flags: <defaults>
</compile_context>

<pallas_src>
import jax
import jax.numpy as jnp
from jax import lax
from jax.experimental import pallas as pl
from jax.experimental.pallas import tpu as pltpu
from jax.experimental.pallas import tpu_sc as plsc

L = 200
D = 32
LP = 208
NCHUNK = 2
CH = LP // NCHUNK


def _body(uid_hbm, ids_hbm, idsf_hbm, en_hbm, off_hbm, de_hbm, bias_hbm,
          uemb_hbm, rat_out, reg_out,
          idx_v, idxf_v, en_v, de_v, de1d_v, bias_v, uid_v, urow_v, off_v,
          rat_v, reg_v, red_v, hid_v, sem):
    c = lax.axis_index("c")
    s = lax.axis_index("s")

    @pl.when(jnp.logical_and(c == 0, s == 0))
    def _():
        pltpu.sync_copy(ids_hbm, idx_v)
        pltpu.sync_copy(idsf_hbm, idxf_v)
        pltpu.sync_copy(off_hbm, off_v)
        pltpu.sync_copy(uid_hbm, uid_v)

        def fetch_step(t, _):
            vec = idxf_v[pl.ds(t * 16, 16)]
            for l in range(16):
                row = vec[l]
                slot = t * 16 + l
                pltpu.async_copy(en_hbm.at[row], en_v.at[slot], sem)
                pltpu.async_copy(de_hbm.at[row], de_v.at[slot], sem)
                pltpu.async_copy(bias_hbm.at[row], bias_v.at[slot], sem)
            return 0

        lax.fori_loop(0, LP // 16, fetch_step, 0)
        uvec = uid_v[...]
        urow_desc = pltpu.async_copy(
            uemb_hbm.at[uvec[0]], urow_v.at[0], sem)

        pltpu.make_async_copy(en_hbm.at[pl.ds(0, LP)], en_v, sem).wait()
        pltpu.make_async_copy(de_hbm.at[pl.ds(0, LP)], de_v, sem).wait()
        pltpu.make_async_copy(bias_hbm.at[pl.ds(0, LP)], bias_v, sem).wait()
        urow_desc.wait()

        zero = jnp.zeros((16,), jnp.float32)
        iota = lax.iota(jnp.int32, 16)

        def enc_step(i, carry):
            h0, h1, sq = carry
            e0 = en_v[i, pl.ds(0, 16)]
            e1 = en_v[i, pl.ds(16, 16)]
            d0 = de_v[i, pl.ds(0, 16)]
            d1 = de_v[i, pl.ds(16, 16)]
            de1d_v[pl.ds(i * D, 16)] = d0
            de1d_v[pl.ds(i * D + 16, 16)] = d1
            return (h0 + e0, h1 + e1, sq + e0 * e0 + e1 * e1)

        h0, h1, sq_en = lax.fori_loop(0, L, enc_step, (zero, zero, zero))

        def pad_step(i, _):
            de1d_v[pl.ds(i * D, 16)] = de_v[i, pl.ds(0, 16)]
            de1d_v[pl.ds(i * D + 16, 16)] = de_v[i, pl.ds(16, 16)]
            return 0
        lax.fori_loop(L, LP, pad_step, 0)

        u0 = urow_v[0, pl.ds(0, 16)]
        u1 = urow_v[0, pl.ds(16, 16)]
        o0 = off_v[pl.ds(0, 16)]
        o1 = off_v[pl.ds(16, 16)]
        h0 = jnp.maximum(h0 + u0 + o0, 0.0)
        h1 = jnp.maximum(h1 + u1 + o1, 0.0)
        plsc.store_scatter(
            hid_v, [iota + jnp.full((16,), 1, jnp.int32)], h0)
        plsc.store_scatter(
            hid_v, [iota + jnp.full((16,), 17, jnp.int32)], h1)

        one = jnp.ones((16,), jnp.float32)
        onei = jnp.full((16,), 1, jnp.int32)
        lvec = jnp.full((16,), L, jnp.int32)

        def rate_step(t, carry):
            sqd, sqb = carry
            i0 = t * 16
            rows = jnp.full((16,), i0, jnp.int32) + iota
            addrm1 = rows * jnp.full((16,), D, jnp.int32) - onei
            maskf = jnp.where(rows < lvec, one, zero)
            zcol = jnp.minimum(rows, jnp.zeros((16,), jnp.int32))
            b = plsc.load_gather(bias_v, [rows, zcol])
            r = b
            for d in range(D):
                col = plsc.load_gather(
                    de1d_v, [addrm1 + jnp.full((16,), d + 1, jnp.int32)])
                hb = plsc.load_gather(
                    hid_v, [jnp.full((16,), d + 1, jnp.int32)])
                r = r + col * hb
                colm = col * maskf
                sqd = sqd + colm * colm
            bm = b * maskf
            rat_v[pl.ds(i0, 16)] = r
            return (sqd, sqb + bm * bm)

        sq_de, sq_b = lax.fori_loop(0, LP // 16, rate_step, (zero, zero))

        tot = sq_en + sq_de + sq_b + o0 * o0 + o1 * o1
        red_v[pl.ds(16, 16)] = zero
        red_v[pl.ds(0, 16)] = tot
        acc = tot
        for i in range(1, 16):
            acc = acc + red_v[pl.ds(i, 16)]
        reg_v[...] = acc * jnp.full((16,), 0.5, jnp.float32)

        pltpu.sync_copy(rat_v.at[pl.ds(0, L)], rat_out)
        pltpu.sync_copy(reg_v, reg_out)


@jax.jit
def _cdae_sc(user_id, ids2, ids_flat, en_embeddings, en_offset,
             de_embeddings, de_bias, user_embeddings):
    mesh = plsc.VectorSubcoreMesh(core_axis_name="c", subcore_axis_name="s")
    (en_embeddings, de_embeddings, de_bias, user_embeddings) = \
        lax.optimization_barrier(
            (en_embeddings, de_embeddings, de_bias, user_embeddings))
    return pl.kernel(
        _body,
        out_type=(
            jax.ShapeDtypeStruct((L,), jnp.float32),
            jax.ShapeDtypeStruct((16,), jnp.float32),
        ),
        mesh=mesh,
        compiler_params=pltpu.CompilerParams(
            use_tc_tiling_on_sc=True, needs_layout_passes=False),
        scratch_types=[
            pltpu.VMEM((NCHUNK, CH), jnp.int32),
            pltpu.VMEM((LP,), jnp.int32),
            pltpu.VMEM((LP, D), jnp.float32),
            pltpu.VMEM((LP, D), jnp.float32),
            pltpu.VMEM((LP * D,), jnp.float32),
            pltpu.VMEM((LP, 1), jnp.float32),
            pltpu.VMEM((16,), jnp.int32),
            pltpu.VMEM((1, D), jnp.float32),
            pltpu.VMEM((D,), jnp.float32),
            pltpu.VMEM((LP,), jnp.float32),
            pltpu.VMEM((16,), jnp.float32),
            pltpu.VMEM((32,), jnp.float32),
            pltpu.VMEM((48,), jnp.float32),
            pltpu.SemaphoreType.DMA,
        ],
    )(user_id, ids2, ids_flat, en_embeddings, en_offset, de_embeddings,
      de_bias, user_embeddings)


def kernel(user_id, item_ids, en_embeddings, en_offset, de_embeddings,
           de_bias, user_embeddings):
    ids = item_ids.astype(jnp.int32)
    ids_flat = jnp.concatenate([ids, jnp.zeros((LP - L,), jnp.int32)])
    ids2 = ids_flat.reshape(NCHUNK, CH)
    uid16 = jnp.full((16,), user_id[0], jnp.int32)
    ratings, reg_v = _cdae_sc(
        uid16, ids2, ids_flat, en_embeddings, en_offset,
        de_embeddings, de_bias, user_embeddings)
    return ratings, reg_v[0]

# --- scband reference (transcript-rebuilt; emitter-appended) ---
"""Pipeline reference for scband-cdae-63651415327107 (READ-ONLY COPY).

The authoritative reference and input builder live on the scoring server;
editing this copy changes nothing except your own understanding.
"""

import jax, jax.numpy as jnp
import numpy as np

NUM_USERS = 100000
NUM_ITEMS = 1000000
EMBED_DIM = 32
HIST_LEN = 200

def _l2(x):
    return 0.5 * jnp.sum(x.astype(jnp.float32) ** 2)

def setup_inputs(seed: int = 0) -> dict:
    key = jax.random.key(seed)
    k1, k2, k3, k4, k5, k6, k7 = jax.random.split(key, 7)
    user_id = jax.random.randint(k1, (1,), 0, NUM_USERS)
    item_ids = jax.random.randint(k2, (HIST_LEN,), 0, NUM_ITEMS)
    en_embeddings = jax.random.uniform(k3, (NUM_ITEMS, EMBED_DIM), dtype=jnp.float32, minval=-0.05, maxval=0.05)
    en_offset = jnp.zeros((EMBED_DIM,), dtype=jnp.float32)
    de_embeddings = jax.random.uniform(k4, (NUM_ITEMS, EMBED_DIM), dtype=jnp.float32, minval=-0.05, maxval=0.05)
    de_bias = jnp.zeros((NUM_ITEMS, 1), dtype=jnp.float32)
    user_embeddings = jax.random.uniform(k5, (NUM_USERS, EMBED_DIM), dtype=jnp.float32, minval=-0.05, maxval=0.05)
    return {
        'user_id': user_id,
        'item_ids': item_ids,
        'en_embeddings': en_embeddings,
        'en_offset': en_offset,
        'de_embeddings': de_embeddings,
        'de_bias': de_bias,
        'user_embeddings': user_embeddings,
    }

def reference(user_id, item_ids, en_embeddings, en_offset, de_embeddings, de_bias, user_embeddings):
    # _encoding (eval mode: dropout is identity -> corruption = ones)
    ones = jnp.ones(item_ids.shape, dtype=jnp.float32)
    corruption = ones.reshape(-1, 1)
    en_item_embs = jnp.take(en_embeddings, item_ids, axis=0)          # [L, d] gather
    hidden = (en_item_embs.T @ corruption).flatten()                    # [d]
    user_embs = jnp.take(user_embeddings, user_id, axis=0).flatten()    # [d] gather
    hidden = hidden + user_embs
    hidden = hidden + en_offset
    hidden = jax.nn.relu(hidden)                                        # hidden_act = relu
    weights = corruption.astype(bool).astype(jnp.float32) * en_item_embs
    reg_loss = _l2(weights) + _l2(en_offset)
    hidden = hidden.reshape(1, -1)
    # decoding
    de_item_embs = jnp.take(de_embeddings, item_ids, axis=0)            # [L, d] gather
    ratings = (hidden @ de_item_embs.T).flatten()                        # [L]
    de_b = jnp.take(de_bias, item_ids, axis=0).flatten()                # [L] gather
    ratings = ratings + de_b
    reg_loss = reg_loss + _l2(de_b) + _l2(de_item_embs)
    return ratings, reg_loss

if __name__ == "__main__":
    import jax
    _d = setup_inputs()
    print(jax.jit(kernel)(*tuple(_d.values())))

</pallas_src>

<mosaic_0001>
#map = affine_map<(d0, d1) -> (0)>
#map1 = affine_map<(d0, d1) -> (0, 0)>
module attributes {stable_mosaic.version = 14 : i64} {
  func.func @_body(%arg0: i32, %arg1: i32, %arg2: memref<16xi32, #tpu.memory_space<hbm>>, %arg3: memref<2x104xi32, #tpu.memory_space<hbm>>, %arg4: memref<208xi32, #tpu.memory_space<hbm>>, %arg5: memref<1000000x32xf32, #tpu.memory_space<hbm>>, %arg6: memref<32xf32, #tpu.memory_space<hbm>>, %arg7: memref<1000000x32xf32, #tpu.memory_space<hbm>>, %arg8: memref<1000000x1xf32, #tpu.memory_space<hbm>>, %arg9: memref<100000x32xf32, #tpu.memory_space<hbm>>, %arg10: memref<200xf32, #tpu.memory_space<hbm>>, %arg11: memref<16xf32, #tpu.memory_space<hbm>>, %arg12: memref<2x104xi32, #tpu.memory_space<vmem>>, %arg13: memref<208xi32, #tpu.memory_space<vmem>>, %arg14: memref<208x32xf32, #tpu.memory_space<vmem>>, %arg15: memref<208x32xf32, #tpu.memory_space<vmem>>, %arg16: memref<6656xf32, #tpu.memory_space<vmem>>, %arg17: memref<208x1xf32, #tpu.memory_space<vmem>>, %arg18: memref<16xi32, #tpu.memory_space<vmem>>, %arg19: memref<1x32xf32, #tpu.memory_space<vmem>>, %arg20: memref<32xf32, #tpu.memory_space<vmem>>, %arg21: memref<208xf32, #tpu.memory_space<vmem>>, %arg22: memref<16xf32, #tpu.memory_space<vmem>>, %arg23: memref<32xf32, #tpu.memory_space<vmem>>, %arg24: memref<48xf32, #tpu.memory_space<vmem>>, %arg25: memref<!tpu.dma_semaphore, #tpu.memory_space<semaphore_mem>>) attributes {dimension_semantics = [#tpu.dimension_semantics<core_parallel>, #tpu.dimension_semantics<subcore_parallel>], iteration_bounds = array<i64: 2, 16>, scalar_prefetch = 0 : i64, scratch_operands = 14 : i64, tpu.core_type = #tpu.core_type<sc_vector_subcore>, window_params = [{transform_indices = #map}, {transform_indices = #map1}, {transform_indices = #map}, {transform_indices = #map1}, {transform_indices = #map}, {transform_indices = #map1}, {transform_indices = #map1}, {transform_indices = #map1}, {transform_indices = #map}, {transform_indices = #map}]} {
    %eq3A = arith.constant 0 : i32
    %eq3A_0 = arith.cmpi eq, %arg0, %eq3A : i32
    %eq3A_1 = arith.constant 0 : i32
    %eq3A_2 = arith.cmpi eq, %arg1, %eq3A_1 : i32
    %and3A = arith.andi %eq3A_0, %eq3A_2 : i1
    %convert_element_type3A = arith.extui %and3A : i1 to i32
    %cond3A = arith.constant 0 : i32
    %cond3A_3 = arith.cmpi ne, %convert_element_type3A, %cond3A : i32
    scf.if %cond3A_3 {
      "tpu.region"() ({
        %run_scoped3A = tpu.sem_alloc : memref<!tpu.dma_semaphore, #tpu.memory_space<semaphore_mem>>
        tpu.enqueue_dma source(%arg3 : memref<2x104xi32, #tpu.memory_space<hbm>>) target(%arg12 : memref<2x104xi32, #tpu.memory_space<vmem>>) target_semaphore(%run_scoped3A : memref<!tpu.dma_semaphore, #tpu.memory_space<semaphore_mem>>)
        tpu.wait_dma2 semaphore(%run_scoped3A : memref<!tpu.dma_semaphore, #tpu.memory_space<semaphore_mem>>) src(%arg3 : memref<2x104xi32, #tpu.memory_space<hbm>>) dst(%arg12 : memref<2x104xi32, #tpu.memory_space<vmem>>)
        tpu.yield
      }) : () -> ()
      "tpu.region"() ({
        %run_scoped3A = tpu.sem_alloc : memref<!tpu.dma_semaphore, #tpu.memory_space<semaphore_mem>>
        tpu.enqueue_dma source(%arg4 : memref<208xi32, #tpu.memory_space<hbm>>) target(%arg13 : memref<208xi32, #tpu.memory_space<vmem>>) target_semaphore(%run_scoped3A : memref<!tpu.dma_semaphore, #tpu.memory_space<semaphore_mem>>)
        tpu.wait_dma2 semaphore(%run_scoped3A : memref<!tpu.dma_semaphore, #tpu.memory_space<semaphore_mem>>) src(%arg4 : memref<208xi32, #tpu.memory_space<hbm>>) dst(%arg13 : memref<208xi32, #tpu.memory_space<vmem>>)
        tpu.yield
      }) : () -> ()
      "tpu.region"() ({
        %run_scoped3A = tpu.sem_alloc : memref<!tpu.dma_semaphore, #tpu.memory_space<semaphore_mem>>
        tpu.enqueue_dma source(%arg6 : memref<32xf32, #tpu.memory_space<hbm>>) target(%arg20 : memref<32xf32, #tpu.memory_space<vmem>>) target_semaphore(%run_scoped3A : memref<!tpu.dma_semaphore, #tpu.memory_space<semaphore_mem>>)
        tpu.wait_dma2 semaphore(%run_scoped3A : memref<!tpu.dma_semaphore, #tpu.memory_space<semaphore_mem>>) src(%arg6 : memref<32xf32, #tpu.memory_space<hbm>>) dst(%arg20 : memref<32xf32, #tpu.memory_space<vmem>>)
        tpu.yield
      }) : () -> ()
      "tpu.region"() ({
        %run_scoped3A = tpu.sem_alloc : memref<!tpu.dma_semaphore, #tpu.memory_space<semaphore_mem>>
        tpu.enqueue_dma source(%arg2 : memref<16xi32, #tpu.memory_space<hbm>>) target(%arg18 : memref<16xi32, #tpu.memory_space<vmem>>) target_semaphore(%run_scoped3A : memref<!tpu.dma_semaphore, #tpu.memory_space<semaphore_mem>>)
        tpu.wait_dma2 semaphore(%run_scoped3A : memref<!tpu.dma_semaphore, #tpu.memory_space<semaphore_mem>>) src(%arg2 : memref<16xi32, #tpu.memory_space<hbm>>) dst(%arg18 : memref<16xi32, #tpu.memory_space<vmem>>)
        tpu.yield
      }) : () -> ()
      %scan3A = arith.constant 0 : i32
      %scan3A_4 = arith.constant 0 : i32
      %scan3A_5 = arith.constant 13 : i32
      %scan3A_6 = arith.addi %scan3A_4, %scan3A_5 : i32
      %scan3A_7 = arith.constant 1 : i32
      %scan3A_8 = scf.for %scan3A_163 = %scan3A_4 to %scan3A_6 step %scan3A_7 iter_args(%scan3A_164 = %scan3A) -> (i32)  : i32 {
        %mul3A_165 = arith.constant 16 : i32
        %mul3A_166 = arith.muli %scan3A_163, %mul3A_165 : i32
        %get3A_167 = arith.index_cast %mul3A_166 : i32 to index
        %get3A_168 = tpu.vector_load %arg13[%get3A_167] {strides = array<i32>} : memref<208xi32, #tpu.memory_space<vmem>>, vector<16xi32>,
        %slice3A_169 = vector.extract_strided_slice %get3A_168 {offsets = [0], sizes = [1], strides = [1]} : vector<16xi32> to vector<1xi32>
        %squeeze3A_170 = vector.extract %slice3A_169[0] : i32 from vector<1xi32>
        %mul3A_171 = arith.constant 16 : i32
        %mul3A_172 = arith.muli %scan3A_163, %mul3A_171 : i32
        %add3A_173 = arith.constant 0 : i32
        %add3A_174 = arith.addi %mul3A_172, %add3A_173 : i32
        %dma_start3A_175 = arith.constant 0 : i32
        %dma_start3A_176 = tpu.memref_slice %arg14[%add3A_174, %dma_start3A_175] : memref<208x32xf32, #tpu.memory_space<vmem>> -> memref<1x32xf32, #tpu.memory_space<vmem>>
        %dma_start3A_177 = tpu.memref_squeeze %dma_start3A_176 : memref<1x32xf32, #tpu.memory_space<vmem>> -> memref<32xf32, #tpu.memory_space<vmem>>
        %dma_start3A_178 = arith.constant 0 : i32
        %dma_start3A_179 = tpu.memref_slice %arg5[%squeeze3A_170, %dma_start3A_178] : memref<1000000x32xf32, #tpu.memory_space<hbm>> -> memref<1x32xf32, #tpu.memory_space<hbm>>
        %dma_start3A_180 = tpu.memref_squeeze %dma_start3A_179 : memref<1x32xf32, #tpu.memory_space<hbm>> -> memref<32xf32, #tpu.memory_space<hbm>>
        %dma_start3A_181 = arith.constant 0 : i32
        %dma_start3A_182 = tpu.memref_slice %arg14[%add3A_174, %dma_start3A_181] : memref<208x32xf32, #tpu.memory_space<vmem>> -> memref<1x32xf32, #tpu.memory_space<vmem>>
        %dma_start3A_183 = tpu.memref_squeeze %dma_start3A_182 : memref<1x32xf32, #tpu.memory_space<vmem>> -> memref<32xf32, #tpu.memory_space<vmem>>
        %dma_start3A_184 = arith.constant 0 : i32
        %dma_start3A_185 = tpu.memref_slice %arg5[%squeeze3A_170, %dma_start3A_184] : memref<1000000x32xf32, #tpu.memory_space<hbm>> -> memref<1x32xf32, #tpu.memory_space<hbm>>
        %dma_start3A_186 = tpu.memref_squeeze %dma_start3A_185 : memref<1x32xf32, #tpu.memory_space<hbm>> -> memref<32xf32, #tpu.memory_space<hbm>>
        tpu.enqueue_dma source(%dma_start3A_186 : memref<32xf32, #tpu.memory_space<hbm>>) target(%dma_start3A_183 : memref<32xf32, #tpu.memory_space<vmem>>) target_semaphore(%arg25 : memref<!tpu.dma_semaphore, #tpu.memory_space<semaphore_mem>>)
        %dma_start3A_187 = arith.constant 0 : i32
        %dma_start3A_188 = tpu.memref_slice %arg15[%add3A_174, %dma_start3A_187] : memref<208x32xf32, #tpu.memory_space<vmem>> -> memref<1x32xf32, #tpu.memory_space<vmem>>
        %dma_start3A_189 = tpu.memref_squeeze %dma_start3A_188 : memref<1x32xf32, #tpu.memory_space<vmem>> -> memref<32xf32, #tpu.memory_space<vmem>>
        %dma_start3A_190 = arith.constant 0 : i32
        %dma_start3A_191 = tpu.memref_slice %arg7[%squeeze3A_170, %dma_start3A_190] : memref<1000000x32xf32, #tpu.memory_space<hbm>> -> memref<1x32xf32, #tpu.memory_space<hbm>>
        %dma_start3A_192 = tpu.memref_squeeze %dma_start3A_191 : memref<1x32xf32, #tpu.memory_space<hbm>> -> memref<32xf32, #tpu.memory_space<hbm>>
        %dma_start3A_193 = arith.constant 0 : i32
        %dma_start3A_194 = tpu.memref_slice %arg15[%add3A_174, %dma_start3A_193] : memref<208x32xf32, #tpu.memory_space<vmem>> -> memref<1x32xf32, #tpu.memory_space<vmem>>
        %dma_start3A_195 = tpu.memref_squeeze %dma_start3A_194 : memref<1x32xf32, #tpu.memory_space<vmem>> -> memref<32xf32, #tpu.memory_space<vmem>>
        %dma_start3A_196 = arith.constant 0 : i32
        %dma_start3A_197 = tpu.memref_slice %arg7[%squeeze3A_170, %dma_start3A_196] : memref<1000000x32xf32, #tpu.memory_space<hbm>> -> memref<1x32xf32, #tpu.memory_space<hbm>>
        %dma_start3A_198 = tpu.memref_squeeze %dma_start3A_197 : memref<1x32xf32, #tpu.memory_space<hbm>> -> memref<32xf32, #tpu.memory_space<hbm>>
        tpu.enqueue_dma source(%dma_start3A_198 : memref<32xf32, #tpu.memory_space<hbm>>) target(%dma_start3A_195 : memref<32xf32, #tpu.memory_space<vmem>>) target_semaphore(%arg25 : memref<!tpu.dma_semaphore, #tpu.memory_space<semaphore_mem>>)
        %dma_start3A_199 = arith.constant 0 : i32
        %dma_start3A_200 = tpu.memref_slice %arg17[%add3A_174, %dma_start3A_199] : memref<208x1xf32, #tpu.memory_space<vmem>> -> memref<1x1xf32, #tpu.memory_space<vmem>>
        %dma_start3A_201 = tpu.memref_squeeze %dma_start3A_200 : memref<1x1xf32, #tpu.memory_space<vmem>> -> memref<1xf32, #tpu.memory_space<vmem>>
        %dma_start3A_202 = arith.constant 0 : i32
        %dma_start3A_203 = tpu.memref_slice %arg8[%squeeze3A_170, %dma_start3A_202] : memref<1000000x1xf32, #tpu.memory_space<hbm>> -> memref<1x1xf32, #tpu.memory_space<hbm>>
        %dma_start3A_204 = tpu.memref_squeeze %dma_start3A_203 : memref<1x1xf32, #tpu.memory_space<hbm>> -> memref<1xf32, #tpu.memory_space<hbm>>
        %dma_start3A_205 = arith.constant 0 : i32
        %dma_start3A_206 = tpu.memref_slice %arg17[%add3A_174, %dma_start3A_205] : memref<208x1xf32, #tpu.memory_space<vmem>> -> memref<1x1xf32, #tpu.memory_space<vmem>>
        %dma_start3A_207 = tpu.memref_squeeze %dma_start3A_206 : memref<1x1xf32, #tpu.memory_space<vmem>> -> memref<1xf32, #tpu.memory_space<vmem>>
        %dma_start3A_208 = arith.constant 0 : i32
        %dma_start3A_209 = tpu.memref_slice %arg8[%squeeze3A_170, %dma_start3A_208] : memref<1000000x1xf32, #tpu.memory_space<hbm>> -> memref<1x1xf32, #tpu.memory_space<hbm>>
        %dma_start3A_210 = tpu.memref_squeeze %dma_start3A_209 : memref<1x1xf32, #tpu.memory_space<hbm>> -> memref<1xf32, #tpu.memory_space<hbm>>
        tpu.enqueue_dma source(%dma_start3A_210 : memref<1xf32, #tpu.memory_space<hbm>>) target(%dma_start3A_207 : memref<1xf32, #tpu.memory_space<vmem>>) target_semaphore(%arg25 : memref<!tpu.dma_semaphore, #tpu.memory_space<semaphore_mem>>)
        %slice3A_211 = vector.extract_strided_slice %get3A_168 {offsets = [1], sizes = [1], strides = [1]} : vector<16xi32> to vector<1xi32>
        %squeeze3A_212 = vector.extract %slice3A_211[0] : i32 from vector<1xi32>
        %mul3A_213 = arith.constant 16 : i32
        %mul3A_214 = arith.muli %scan3A_163, %mul3A_213 : i32
        %add3A_215 = arith.constant 1 : i32
        %add3A_216 = arith.addi %mul3A_214, %add3A_215 : i32
        %dma_start3A_217 = arith.constant 0 : i32
        %dma_start3A_218 = tpu.memref_slice %arg14[%add3A_216, %dma_start3A_217] : memref<208x32xf32, #tpu.memory_space<vmem>> -> memref<1x32xf32, #tpu.memory_space<vmem>>
        %dma_start3A_219 = tpu.memref_squeeze %dma_start3A_218 : memref<1x32xf32, #tpu.memory_space<vmem>> -> memref<32xf32, #tpu.memory_space<vmem>>
        %dma_start3A_220 = arith.constant 0 : i32
        %dma_start3A_221 = tpu.memref_slice %arg5[%squeeze3A_212, %dma_start3A_220] : memref<1000000x32xf32, #tpu.memory_space<hbm>> -> memref<1x32xf32, #tpu.memory_space<hbm>>
        %dma_start3A_222 = tpu.memref_squeeze %dma_start3A_221 : memref<1x32xf32, #tpu.memory_space<hbm>> -> memref<32xf32, #tpu.memory_space<hbm>>
        %dma_start3A_223 = arith.constant 0 : i32
        %dma_start3A_224 = tpu.memref_slice %arg14[%add3A_216, %dma_start3A_223] : memref<208x32xf32, #tpu.memory_space<vmem>> -> memref<1x32xf32, #tpu.memory_space<vmem>>
        %dma_start3A_225 = tpu.memref_squeeze %dma_start3A_224 : memref<1x32xf32, #tpu.memory_space<vmem>> -> memref<32xf32, #tpu.memory_space<vmem>>
        %dma_start3A_226 = arith.constant 0 : i32
        %dma_start3A_227 = tpu.memref_slice %arg5[%squeeze3A_212, %dma_start3A_226] : memref<1000000x32xf32, #tpu.memory_space<hbm>> -> memref<1x32xf32, #tpu.memory_space<hbm>>
        %dma_start3A_228 = tpu.memref_squeeze %dma_start3A_227 : memref<1x32xf32, #tpu.memory_space<hbm>> -> memref<32xf32, #tpu.memory_space<hbm>>
        tpu.enqueue_dma source(%dma_start3A_228 : memref<32xf32, #tpu.memory_space<hbm>>) target(%dma_start3A_225 : memref<32xf32, #tpu.memory_space<vmem>>) target_semaphore(%arg25 : memref<!tpu.dma_semaphore, #tpu.memory_space<semaphore_mem>>)
        %dma_start3A_229 = arith.constant 0 : i32
        %dma_start3A_230 = tpu.memref_slice %arg15[%add3A_216, %dma_start3A_229] : memref<208x32xf32, #tpu.memory_space<vmem>> -> memref<1x32xf32, #tpu.memory_space<vmem>>
        %dma_start3A_231 = tpu.memref_squeeze %dma_start3A_230 : memref<1x32xf32, #tpu.memory_space<vmem>> -> memref<32xf32, #tpu.memory_space<vmem>>
        %dma_start3A_232 = arith.constant 0 : i32
        %dma_start3A_233 = tpu.memref_slice %arg7[%squeeze3A_212, %dma_start3A_232] : memref<1000000x32xf32, #tpu.memory_space<hbm>> -> memref<1x32xf32, #tpu.memory_space<hbm>>
        %dma_start3A_234 = tpu.memref_squeeze %dma_start3A_233 : memref<1x32xf32, #tpu.memory_space<hbm>> -> memref<32xf32, #tpu.memory_space<hbm>>
        %dma_start3A_235 = arith.constant 0 : i32
        %dma_start3A_236 = tpu.memref_slice %arg15[%add3A_216, %dma_start3A_235] : memref<208x32xf32, #tpu.memory_space<vmem>> -> memref<1x32xf32, #tpu.memory_space<vmem>>
        %dma_start3A_237 = tpu.memref_squeeze %dma_start3A_236 : memref<1x32xf32, #tpu.memory_space<vmem>> -> memref<32xf32, #tpu.memory_space<vmem>>
        %dma_start3A_238 = arith.constant 0 : i32
        %dma_start3A_239 = tpu.memref_slice %arg7[%squeeze3A_212, %dma_start3A_238] : memref<1000000x32xf32, #tpu.memory_space<hbm>> -> memref<1x32xf32, #tpu.memory_space<hbm>>
        %dma_start3A_240 = tpu.memref_squeeze %dma_start3A_239 : memref<1x32xf32, #tpu.memory_space<hbm>> -> memref<32xf32, #tpu.memory_space<hbm>>
        tpu.enqueue_dma source(%dma_start3A_240 : memref<32xf32, #tpu.memory_space<hbm>>) target(%dma_start3A_237 : memref<32xf32, #tpu.memory_space<vmem>>) target_semaphore(%arg25 : memref<!tpu.dma_semaphore, #tpu.memory_space<semaphore_mem>>)
        %dma_start3A_241 = arith.constant 0 : i32
        %dma_start3A_242 = tpu.memref_slice %arg17[%add3A_216, %dma_start3A_241] : memref<208x1xf32, #tpu.memory_space<vmem>> -> memref<1x1xf32, #tpu.memory_space<vmem>>
        %dma_start3A_243 = tpu.memref_squeeze %dma_start3A_242 : memref<1x1xf32, #tpu.memory_space<vmem>> -> memref<1xf32, #tpu.memory_space<vmem>>
        %dma_start3A_244 = arith.constant 0 : i32
        %dma_start3A_245 = tpu.memref_slice %arg8[%squeeze3A_212, %dma_start3A_244] : memref<1000000x1xf32, #tpu.memory_space<hbm>> -> memref<1x1xf32, #tpu.memory_space<hbm>>
        %dma_start3A_246 = tpu.memref_squeeze %dma_start3A_245 : memref<1x1xf32, #tpu.memory_space<hbm>> -> memref<1xf32, #tpu.memory_space<hbm>>
        %dma_start3A_247 = arith.constant 0 : i32
        %dma_start3A_248 = tpu.memref_slice %arg17[%add3A_216, %dma_start3A_247] : memref<208x1xf32, #tpu.memory_space<vmem>> -> memref<1x1xf32, #tpu.memory_space<vmem>>
        %dma_start3A_249 = tpu.memref_squeeze %dma_start3A_248 : memref<1x1xf32, #tpu.memory_space<vmem>> -> memref<1xf32, #tpu.memory_space<vmem>>
        %dma_start3A_250 = arith.constant 0 : i32
        %dma_start3A_251 = tpu.memref_slice %arg8[%squeeze3A_212, %dma_start3A_250] : memref<1000000x1xf32, #tpu.memory_space<hbm>> -> memref<1x1xf32, #tpu.memory_space<hbm>>
        %dma_start3A_252 = tpu.memref_squeeze %dma_start3A_251 : memref<1x1xf32, #tpu.memory_space<hbm>> -> memref<1xf32, #tpu.memory_space<hbm>>
        tpu.enqueue_dma source(%dma_start3A_252 : memref<1xf32, #tpu.memory_space<hbm>>) target(%dma_start3A_249 : memref<1xf32, #tpu.memory_space<vmem>>) target_semaphore(%arg25 : memref<!tpu.dma_semaphore, #tpu.memory_space<semaphore_mem>>)
        %slice3A_253 = vector.extract_strided_slice %get3A_168 {offsets = [2], sizes = [1], strides = [1]} : vector<16xi32> to vector<1xi32>
        %squeeze3A_254 = vector.extract %slice3A_253[0] : i32 from vector<1xi32>
        %mul3A_255 = arith.constant 16 : i32
        %mul3A_256 = arith.muli %scan3A_163, %mul3A_255 : i32
        %add3A_257 = arith.constant 2 : i32
        %add3A_258 = arith.addi %mul3A_256, %add3A_257 : i32
        %dma_start3A_259 = arith.constant 0 : i32
        %dma_start3A_260 = tpu.memref_slice %arg14[%add3A_258, %dma_start3A_259] : memref<208x32xf32, #tpu.memory_space<vmem>> -> memref<1x32xf32, #tpu.memory_space<vmem>>
        %dma_start3A_261 = tpu.memref_squeeze %dma_start3A_260 : memref<1x32xf32, #tpu.memory_space<vmem>> -> memref<32xf32, #tpu.memory_space<vmem>>
        %dma_start3A_262 = arith.constant 0 : i32
        %dma_start3A_263 = tpu.memref_slice %arg5[%squeeze3A_254, %dma_start3A_262] : memref<1000000x32xf32, #tpu.memory_space<hbm>> -> memref<1x32xf32, #tpu.memory_space<hbm>>
        %dma_start3A_264 = tpu.memref_squeeze %dma_start3A_263 : memref<1x32xf32, #tpu.memory_space<hbm>> -> memref<32xf32, #tpu.memory_space<hbm>>
        %dma_start3A_265 = arith.constant 0 : i32
        %dma_start3A_266 = tpu.memref_slice %arg14[%add3A_258, %dma_start3A_265] : memref<208x32xf32, #tpu.memory_space<vmem>> -> memref<1x32xf32, #tpu.memory_space<vmem>>
        %dma_start3A_267 = tpu.memref_squeeze %dma_start3A_266 : memref<1x32xf32, #tpu.memory_space<vmem>> -> memref<32xf32, #tpu.memory_space<vmem>>
        %dma_start3A_268 = arith.constant 0 : i32
        %dma_start3A_269 = tpu.memref_slice %arg5[%squeeze3A_254, %dma_start3A_268] : memref<1000000x32xf32, #tpu.memory_space<hbm>> -> memref<1x32xf32, #tpu.memory_space<hbm>>
        %dma_start3A_270 = tpu.memref_squeeze %dma_start3A_269 : memref<1x32xf32, #tpu.memory_space<hbm>> -> memref<32xf32, #tpu.memory_space<hbm>>
        tpu.enqueue_dma source(%dma_start3A_270 : memref<32xf32, #tpu.memory_space<hbm>>) target(%dma_start3A_267 : memref<32xf32, #tpu.memory_space<vmem>>) target_semaphore(%arg25 : memref<!tpu.dma_semaphore, #tpu.memory_space<semaphore_mem>>)
        %dma_start3A_271 = arith.constant 0 : i32
        %dma_start3A_272 = tpu.memref_slice %arg15[%add3A_258, %dma_start3A_271] : memref<208x32xf32, #tpu.memory_space<vmem>> -> memref<1x32xf32, #tpu.memory_space<vmem>>
        %dma_start3A_273 = tpu.memref_squeeze %dma_start3A_272 : memref<1x32xf32, #tpu.memory_space<vmem>> -> memref<32xf32, #tpu.memory_space<vmem>>
        %dma_start3A_274 = arith.constant 0 : i32
        %dma_start3A_275 = tpu.memref_slice %arg7[%squeeze3A_254, %dma_start3A_274] : memref<1000000x32xf32, #tpu.memory_space<hbm>> -> memref<1x32xf32, #tpu.memory_space<hbm>>
        %dma_start3A_276 = tpu.memref_squeeze %dma_start3A_275 : memref<1x32xf32, #tpu.memory_space<hbm>> -> memref<32xf32, #tpu.memory_space<hbm>>
        %dma_start3A_277 = arith.constant 0 : i32
        %dma_start3A_278 = tpu.memref_slice %arg15[%add3A_258, %dma_start3A_277] : memref<208x32xf32, #tpu.memory_space<vmem>> -> memref<1x32xf32, #tpu.memory_space<vmem>>
        %dma_start3A_279 = tpu.memref_squeeze %dma_start3A_278 : memref<1x32xf32, #tpu.memory_space<vmem>> -> memref<32xf32, #tpu.memory_space<vmem>>
        %dma_start3A_280 = arith.constant 0 : i32
        %dma_start3A_281 = tpu.memref_slice %arg7[%squeeze3A_254, %dma_start3A_280] : memref<1000000x32xf32, #tpu.memory_space<hbm>> -> memref<1x32xf32, #tpu.memory_space<hbm>>
        %dma_start3A_282 = tpu.memref_squeeze %dma_start3A_281 : memref<1x32xf32, #tpu.memory_space<hbm>> -> memref<32xf32, #tpu.memory_space<hbm>>
        tpu.enqueue_dma source(%dma_start3A_282 : memref<32xf32, #tpu.memory_space<hbm>>) target(%dma_start3A_279 : memref<32xf32, #tpu.memory_space<vmem>>) target_semaphore(%arg25 : memref<!tpu.dma_semaphore, #tpu.memory_space<semaphore_mem>>)
        %dma_start3A_283 = arith.constant 0 : i32
        %dma_start3A_284 = tpu.memref_slice %arg17[%add3A_258, %dma_start3A_283] : memref<208x1xf32, #tpu.memory_space<vmem>> -> memref<1x1xf32, #tpu.memory_space<vmem>>
        %dma_start3A_285 = tpu.memref_squeeze %dma_start3A_284 : memref<1x1xf32, #tpu.memory_space<vmem>> -> memref<1xf32, #tpu.memory_space<vmem>>
        %dma_start3A_286 = arith.constant 0 : i32
        %dma_start3A_287 = tpu.memref_slice %arg8[%squeeze3A_254, %dma_start3A_286] : memref<1000000x1xf32, #tpu.memory_space<hbm>> -> memref<1x1xf32, #tpu.memory_space<hbm>>
        %dma_start3A_288 = tpu.memref_squeeze %dma_start3A_287 : memref<1x1xf32, #tpu.memory_space<hbm>> -> memref<1xf32, #tpu.memory_space<hbm>>
        %dma_start3A_289 = arith.constant 0 : i32
        %dma_start3A_290 = tpu.memref_slice %arg17[%add3A_258, %dma_start3A_289] : memref<208x1xf32, #tpu.memory_space<vmem>> -> memref<1x1xf32, #tpu.memory_space<vmem>>
        %dma_start3A_291 = tpu.memref_squeeze %dma_start3A_290 : memref<1x1xf32, #tpu.memory_space<vmem>> -> memref<1xf32, #tpu.memory_space<vmem>>
        %dma_start3A_292 = arith.constant 0 : i32
        %dma_start3A_293 = tpu.memref_slice %arg8[%squeeze3A_254, %dma_start3A_292] : memref<1000000x1xf32, #tpu.memory_space<hbm>> -> memref<1x1xf32, #tpu.memory_space<hbm>>
        %dma_start3A_294 = tpu.memref_squeeze %dma_start3A_293 : memref<1x1xf32, #tpu.memory_space<hbm>> -> memref<1xf32, #tpu.memory_space<hbm>>
        tpu.enqueue_dma source(%dma_start3A_294 : memref<1xf32, #tpu.memory_space<hbm>>) target(%dma_start3A_291 : memref<1xf32, #tpu.memory_space<vmem>>) target_semaphore(%arg25 : memref<!tpu.dma_semaphore, #tpu.memory_space<semaphore_mem>>)
        %slice3A_295 = vector.extract_strided_slice %get3A_168 {offsets = [3], sizes = [1], strides = [1]} : vector<16xi32> to vector<1xi32>
        %squeeze3A_296 = vector.extract %slice3A_295[0] : i32 from vector<1xi32>
        %mul3A_297 = arith.constant 16 : i32
        %mul3A_298 = arith.muli %scan3A_163, %mul3A_297 : i32
        %add3A_299 = arith.constant 3 : i32
        %add3A_300 = arith.addi %mul3A_298, %add3A_299 : i32
        %dma_start3A_301 = arith.constant 0 : i32
        %dma_start3A_302 = tpu.memref_slice %arg14[%add3A_300, %dma_start3A_301] : memref<208x32xf32, #tpu.memory_space<vmem>> -> memref<1x32xf32, #tpu.memory_space<vmem>>
        %dma_start3A_303 = tpu.memref_squeeze %dma_start3A_302 : memref<1x32xf32, #tpu.memory_space<vmem>> -> memref<32xf32, #tpu.memory_space<vmem>>
        %dma_start3A_304 = arith.constant 0 : i32
        %dma_start3A_305 = tpu.memref_slice %arg5[%squeeze3A_296, %dma_start3A_304] : memref<1000000x32xf32, #tpu.memory_space<hbm>> -> memref<1x32xf32, #tpu.memory_space<hbm>>
        %dma_start3A_306 = tpu.memref_squeeze %dma_start3A_305 : memref<1x32xf32, #tpu.memory_space<hbm>> -> memref<32xf32, #tpu.memory_space<hbm>>
        %dma_start3A_307 = arith.constant 0 : i32
        %dma_start3A_308 = tpu.memref_slice %arg14[%add3A_300, %dma_start3A_307] : memref<208x32xf32, #tpu.memory_space<vmem>> -> memref<1x32xf32, #tpu.memory_space<vmem>>
        %dma_start3A_309 = tpu.memref_squeeze %dma_start3A_308 : memref<1x32xf32, #tpu.memory_space<vmem>> -> memref<32xf32, #tpu.memory_space<vmem>>
        %dma_start3A_310 = arith.constant 0 : i32
        %dma_start3A_311 = tpu.memref_slice %arg5[%squeeze3A_296, %dma_start3A_310] : memref<1000000x32xf32, #tpu.memory_space<hbm>> -> memref<1x32xf32, #tpu.memory_space<hbm>>
        %dma_start3A_312 = tpu.memref_squeeze %dma_start3A_311 : memref<1x32xf32, #tpu.memory_space<hbm>> -> memref<32xf32, #tpu.memory_space<hbm>>
        tpu.enqueue_dma source(%dma_start3A_312 : memref<32xf32, #tpu.memory_space<hbm>>) target(%dma_start3A_309 : memref<32xf32, #tpu.memory_space<vmem>>) target_semaphore(%arg25 : memref<!tpu.dma_semaphore, #tpu.memory_space<semaphore_mem>>)
        %dma_start3A_313 = arith.constant 0 : i32
        %dma_start3A_314 = tpu.memref_slice %arg15[%add3A_300, %dma_start3A_313] : memref<208x32xf32, #tpu.memory_space<vmem>> -> memref<1x32xf32, #tpu.memory_space<vmem>>
        %dma_start3A_315 = tpu.memref_squeeze %dma_start3A_314 : memref<1x32xf32, #tpu.memory_space<vmem>> -> memref<32xf32, #tpu.memory_space<vmem>>
        %dma_start3A_316 = arith.constant 0 : i32
        %dma_start3A_317 = tpu.memref_slice %arg7[%squeeze3A_296, %dma_start3A_316] : memref<1000000x32xf32, #tpu.memory_space<hbm>> -> memref<1x32xf32, #tpu.memory_space<hbm>>
        %dma_start3A_318 = tpu.memref_squeeze %dma_start3A_317 : memref<1x32xf32, #tpu.memory_space<hbm>> -> memref<32xf32, #tpu.memory_space<hbm>>
        %dma_start3A_319 = arith.constant 0 : i32
        %dma_start3A_320 = tpu.memref_slice %arg15[%add3A_300, %dma_start3A_319] : memref<208x32xf32, #tpu.memory_space<vmem>> -> memref<1x32xf32, #tpu.memory_space<vmem>>
        %dma_start3A_321 = tpu.memref_squeeze %dma_start3A_320 : memref<1x32xf32, #tpu.memory_space<vmem>> -> memref<32xf32, #tpu.memory_space<vmem>>
        %dma_start3A_322 = arith.constant 0 : i32
        %dma_start3A_323 = tpu.memref_slice %arg7[%squeeze3A_296, %dma_start3A_322] : memref<1000000x32xf32, #tpu.memory_space<hbm>> -> memref<1x32xf32, #tpu.memory_space<hbm>>
        %dma_start3A_324 = tpu.memref_squeeze %dma_start3A_323 : memref<1x32xf32, #tpu.memory_space<hbm>> -> memref<32xf32, #tpu.memory_space<hbm>>
        tpu.enqueue_dma source(%dma_start3A_324 : memref<32xf32, #tpu.memory_space<hbm>>) target(%dma_start3A_321 : memref<32xf32, #tpu.memory_space<vmem>>) target_semaphore(%arg25 : memref<!tpu.dma_semaphore, #tpu.memory_space<semaphore_mem>>)
        %dma_start3A_325 = arith.constant 0 : i32
        %dma_start3A_326 = tpu.memref_slice %arg17[%add3A_300, %dma_start3A_325] : memref<208x1xf32, #tpu.memory_space<vmem>> -> memref<1x1xf32, #tpu.memory_space<vmem>>
        %dma_start3A_327 = tpu.memref_squeeze %dma_start3A_326 : memref<1x1xf32, #tpu.memory_space<vmem>> -> memref<1xf32, #tpu.memory_space<vmem>>
        %dma_start3A_328 = arith.constant 0 : i32
        %dma_start3A_329 = tpu.memref_slice %arg8[%squeeze3A_296, %dma_start3A_328] : memref<1000000x1xf32, #tpu.memory_space<hbm>> -> memref<1x1xf32, #tpu.memory_space<hbm>>
        %dma_start3A_330 = tpu.memref_squeeze %dma_start3A_329 : memref<1x1xf32, #tpu.memory_space<hbm>> -> memref<1xf32, #tpu.memory_space<hbm>>
        %dma_start3A_331 = arith.constant 0 : i32
        %dma_start3A_332 = tpu.memref_slice %arg17[%add3A_300, %dma_start3A_331] : memref<208x1xf32, #tpu.memory_space<vmem>> -> memref<1x1xf32, #tpu.memory_space<vmem>>
        %dma_start3A_333 = tpu.memref_squeeze %dma_start3A_332 : memref<1x1xf32, #tpu.memory_space<vmem>> -> memref<1xf32, #tpu.memory_space<vmem>>
        %dma_start3A_334 = arith.constant 0 : i32
        %dma_start3A_335 = tpu.memref_slice %arg8[%squeeze3A_296, %dma_start3A_334] : memref<1000000x1xf32, #tpu.memory_space<hbm>> -> memref<1x1xf32, #tpu.memory_space<hbm>>
        %dma_start3A_336 = tpu.memref_squeeze %dma_start3A_335 : memref<1x1xf32, #tpu.memory_space<hbm>> -> memref<1xf32, #tpu.memory_space<hbm>>
        tpu.enqueue_dma source(%dma_start3A_336 : memref<1xf32, #tpu.memory_space<hbm>>) target(%dma_start3A_333 : memref<1xf32, #tpu.memory_space<vmem>>) target_semaphore(%arg25 : memref<!tpu.dma_semaphore, #tpu.memory_space<semaphore_mem>>)
        %slice3A_337 = vector.extract_strided_slice %get3A_168 {offsets = [4], sizes = [1], strides = [1]} : vector<16xi32> to vector<1xi32>
        %squeeze3A_338 = vector.extract %slice3A_337[0] : i32 from vector<1xi32>
        %mul3A_339 = arith.constant 16 : i32
        %mul3A_340 = arith.muli %scan3A_163, %mul3A_339 : i32
        %add3A_341 = arith.constant 4 : i32
        %add3A_342 = arith.addi %mul3A_340, %add3A_341 : i32
        %dma_start3A_343 = arith.constant 0 : i32
        %dma_start3A_344 = tpu.memref_slice %arg14[%add3A_342, %dma_start3A_343] : memref<208x32xf32, #tpu.memory_space<vmem>> -> memref<1x32xf32, #tpu.memory_space<vmem>>
        %dma_start3A_345 = tpu.memref_squeeze %dma_start3A_344 : memref<1x32xf32, #tpu.memory_space<vmem>> -> memref<32xf32, #tpu.memory_space<vmem>>
        %dma_start3A_346 = arith.constant 0 : i32
        %dma_start3A_347 = tpu.memref_slice %arg5[%squeeze3A_338, %dma_start3A_346] : memref<1000000x32xf32, #tpu.memory_space<hbm>> -> memref<1x32xf32, #tpu.memory_space<hbm>>
        %dma_start3A_348 = tpu.memref_squeeze %dma_start3A_347 : memref<1x32xf32, #tpu.memory_space<hbm>> -> memref<32xf32, #tpu.memory_space<hbm>>
        %dma_start3A_349 = arith.constant 0 : i32
        %dma_start3A_350 = tpu.memref_slice %arg14[%add3A_342, %dma_start3A_349] : memref<208x32xf32, #tpu.memory_space<vmem>> -> memref<1x32xf32, #tpu.memory_space<vmem>>
        %dma_start3A_351 = tpu.memref_squeeze %dma_start3A_350 : memref<1x32xf32, #tpu.memory_space<vmem>> -> memref<32xf32, #tpu.memory_space<vmem>>
        %dma_start3A_352 = arith.constant 0 : i32
        %dma_start3A_353 = tpu.memref_slice %arg5[%squeeze3A_338, %dma_start3A_352] : memref<1000000x32xf32, #tpu.memory_space<hbm>> -> memref<1x32xf32, #tpu.memory_space<hbm>>
        %dma_start3A_354 = tpu.memref_squeeze %dma_start3A_353 : memref<1x32xf32, #tpu.memory_space<hbm>> -> memref<32xf32, #tpu.memory_space<hbm>>
        tpu.enqueue_dma source(%dma_start3A_354 : memref<32xf32, #tpu.memory_space<hbm>>) target(%dma_start3A_351 : memref<32xf32, #tpu.memory_space<vmem>>) target_semaphore(%arg25 : memref<!tpu.dma_semaphore, #tpu.memory_space<semaphore_mem>>)
        %dma_start3A_355 = arith.constant 0 : i32
        %dma_start3A_356 = tpu.memref_slice %arg15[%add3A_342, %dma_start3A_355] : memref<208x32xf32, #tpu.memory_space<vmem>> -> memref<1x32xf32, #tpu.memory_space<vmem>>
        %dma_start3A_357 = tpu.memref_squeeze %dma_start3A_356 : memref<1x32xf32, #tpu.memory_space<vmem>> -> memref<32xf32, #tpu.memory_space<vmem>>
        %dma_start3A_358 = arith.constant 0 : i32
        %dma_start3A_359 = tpu.memref_slice %arg7[%squeeze3A_338, %dma_start3A_358] : memref<1000000x32xf32, #tpu.memory_space<hbm>> -> memref<1x32xf32, #tpu.memory_space<hbm>>
        %dma_start3A_360 = tpu.memref_squeeze %dma_start3A_359 : memref<1x32xf32, #tpu.memory_space<hbm>> -> memref<32xf32, #tpu.memory_space<hbm>>
        %dma_start3A_361 = arith.constant 0 : i32
        %dma_start3A_362 = tpu.memref_slice %arg15[%add3A_342, %dma_start3A_361] : memref<208x32xf32, #tpu.memory_space<vmem>> -> memref<1x32xf32, #tpu.memory_space<vmem>>
        %dma_start3A_363 = tpu.memref_squeeze %dma_start3A_362 : memref<1x32xf32, #tpu.memory_space<vmem>> -> memref<32xf32, #tpu.memory_space<vmem>>
        %dma_start3A_364 = arith.constant 0 : i32
        %dma_start3A_365 = tpu.memref_slice %arg7[%squeeze3A_338, %dma_start3A_364] : memref<1000000x32xf32, #tpu.memory_space<hbm>> -> memref<1x32xf32, #tpu.memory_space<hbm>>
        %dma_start3A_366 = tpu.memref_squeeze %dma_start3A_365 : memref<1x32xf32, #tpu.memory_space<hbm>> -> memref<32xf32, #tpu.memory_space<hbm>>
        tpu.enqueue_dma source(%dma_start3A_366 : memref<32xf32, #tpu.memory_space<hbm>>) target(%dma_start3A_363 : memref<32xf32, #tpu.memory_space<vmem>>) target_semaphore(%arg25 : memref<!tpu.dma_semaphore, #tpu.memory_space<semaphore_mem>>)
        %dma_start3A_367 = arith.constant 0 : i32
        %dma_start3A_368 = tpu.memref_slice %arg17[%add3A_342, %dma_start3A_367] : memref<208x1xf32, #tpu.memory_space<vmem>> -> memref<1x1xf32, #tpu.memory_space<vmem>>
        %dma_start3A_369 = tpu.memref_squeeze %dma_start3A_368 : memref<1x1xf32, #tpu.memory_space<vmem>> -> memref<1xf32, #tpu.memory_space<vmem>>
        %dma_start3A_370 = arith.constant 0 : i32
        %dma_start3A_371 = tpu.memref_slice %arg8[%squeeze3A_338, %dma_start3A_370] : memref<1000000x1xf32, #tpu.memory_space<hbm>> -> memref<1x1xf32, #tpu.memory_space<hbm>>
        %dma_start3A_372 = tpu.memref_squeeze %dma_start3A_371 : memref<1x1xf32, #tpu.memory_space<hbm>> -> memref<1xf32, #tpu.memory_space<hbm>>
        %dma_start3A_373 = arith.constant 0 : i32
        %dma_start3A_374 = tpu.memref_slice %arg17[%add3A_342, %dma_start3A_373] : memref<208x1xf32, #tpu.memory_space<vmem>> -> memref<1x1xf32, #tpu.memory_space<vmem>>
        %dma_start3A_375 = tpu.memref_squeeze %dma_start3A_374 : memref<1x1xf32, #tpu.memory_space<vmem>> -> memref<1xf32, #tpu.memory_space<vmem>>
        %dma_start3A_376 = arith.constant 0 : i32
        %dma_start3A_377 = tpu.memref_slice %arg8[%squeeze3A_338, %dma_start3A_376] : memref<1000000x1xf32, #tpu.memory_space<hbm>> -> memref<1x1xf32, #tpu.memory_space<hbm>>
        %dma_start3A_378 = tpu.memref_squeeze %dma_start3A_377 : memref<1x1xf32, #tpu.memory_space<hbm>> -> memref<1xf32, #tpu.memory_space<hbm>>
        tpu.enqueue_dma source(%dma_start3A_378 : memref<1xf32, #tpu.memory_space<hbm>>) target(%dma_start3A_375 : memref<1xf32, #tpu.memory_space<vmem>>) target_semaphore(%arg25 : memref<!tpu.dma_semaphore, #tpu.memory_space<semaphore_mem>>)
        %slice3A_379 = vector.extract_strided_slice %get3A_168 {offsets = [5], sizes = [1], strides = [1]} : vector<16xi32> to vector<1xi32>
        %squeeze3A_380 = vector.extract %slice3A_379[0] : i32 from vector<1xi32>
        %mul3A_381 = arith.constant 16 : i32
        %mul3A_382 = arith.muli %scan3A_163, %mul3A_381 : i32
        %add3A_383 = arith.constant 5 : i32
        %add3A_384 = arith.addi %mul3A_382, %add3A_383 : i32
        %dma_start3A_385 = arith.constant 0 : i32
        %dma_start3A_386 = tpu.memref_slice %arg14[%add3A_384, %dma_start3A_385] : memref<208x32xf32, #tpu.memory_space<vmem>> -> memref<1x32xf32, #tpu.memory_space<vmem>>
        %dma_start3A_387 = tpu.memref_squeeze %dma_start3A_386 : memref<1x32xf32, #tpu.memory_space<vmem>> -> memref<32xf32, #tpu.memory_space<vmem>>
        %dma_start3A_388 = arith.constant 0 : i32
        %dma_start3A_389 = tpu.memref_slice %arg5[%squeeze3A_380, %dma_start3A_388] : memref<1000000x32xf32, #tpu.memory_space<hbm>> -> memref<1x32xf32, #tpu.memory_space<hbm>>
        %dma_start3A_390 = tpu.memref_squeeze %dma_start3A_389 : memref<1x32xf32, #tpu.memory_space<hbm>> -> memref<32xf32, #tpu.memory_space<hbm>>
        %dma_start3A_391 = arith.constant 0 : i32
        %dma_start3A_392 = tpu.memref_slice %arg14[%add3A_384, %dma_start3A_391] : memref<208x32xf32, #tpu.memory_space<vmem>> -> memref<1x32xf32, #tpu.memory_space<vmem>>
        %dma_start3A_393 = tpu.memref_squeeze %dma_start3A_392 : memref<1x32xf32, #tpu.memory_space<vmem>> -> memref<32xf32, #tpu.memory_space<vmem>>
        %dma_start3A_394 = arith.constant 0 : i32
        %dma_start3A_395 = tpu.memref_slice %arg5[%squeeze3A_380, %dma_start3A_394] : memref<1000000x32xf32, #tpu.memory_space<hbm>> -> memref<1x32xf32, #tpu.memory_space<hbm>>
        %dma_start3A_396 = tpu.memref_squeeze %dma_start3A_395 : memref<1x32xf32, #tpu.memory_space<hbm>> -> memref<32xf32, #tpu.memory_space<hbm>>
        tpu.enqueue_dma source(%dma_start3A_396 : memref<32xf32, #tpu.memory_space<hbm>>) target(%dma_start3A_393 : memref<32xf32, #tpu.memory_space<vmem>>) target_semaphore(%arg25 : memref<!tpu.dma_semaphore, #tpu.memory_space<semaphore_mem>>)
        %dma_start3A_397 = arith.constant 0 : i32
        %dma_start3A_398 = tpu.memref_slice %arg15[%add3A_384, %dma_start3A_397] : memref<208x32xf32, #tpu.memory_space<vmem>> -> memref<1x32xf32, #tpu.memory_space<vmem>>
        %dma_start3A_399 = tpu.memref_squeeze %dma_start3A_398 : memref<1x32xf32, #tpu.memory_space<vmem>> -> memref<32xf32, #tpu.memory_space<vmem>>
        %dma_start3A_400 = arith.constant 0 : i32
        %dma_start3A_401 = tpu.memref_slice %arg7[%squeeze3A_380, %dma_start3A_400] : memref<1000000x32xf32, #tpu.memory_space<hbm>> -> memref<1x32xf32, #tpu.memory_space<hbm>>
        %dma_start3A_402 = tpu.memref_squeeze %dma_start3A_401 : memref<1x32xf32, #tpu.memory_space<hbm>> -> memref<32xf32, #tpu.memory_space<hbm>>
        %dma_start3A_403 = arith.constant 0 : i32
        %dma_start3A_404 = tpu.memref_slice %arg15[%add3A_384, %dma_start3A_403] : memref<208x32xf32, #tpu.memory_space<vmem>> -> memref<1x32xf32, #tpu.memory_space<vmem>>
        %dma_start3A_405 = tpu.memref_squeeze %dma_start3A_404 : memref<1x32xf32, #tpu.memory_space<vmem>> -> memref<32xf32, #tpu.memory_space<vmem>>
        %dma_start3A_406 = arith.constant 0 : i32
        %dma_start3A_407 = tpu.memref_slice %arg7[%squeeze3A_380, %dma_start3A_406] : memref<1000000x32xf32, #tpu.memory_space<hbm>> -> memref<1x32xf32, #tpu.memory_space<hbm>>
        %dma_start3A_408 = tpu.memref_squeeze %dma_start3A_407 : memref<1x32xf32, #tpu.memory_space<hbm>> -> memref<32xf32, #tpu.memory_space<hbm>>
        tpu.enqueue_dma source(%dma_start3A_408 : memref<32xf32, #tpu.memory_space<hbm>>) target(%dma_start3A_405 : memref<32xf32, #tpu.memory_space<vmem>>) target_semaphore(%arg25 : memref<!tpu.dma_semaphore, #tpu.memory_space<semaphore_mem>>)
        %dma_start3A_409 = arith.constant 0 : i32
        %dma_start3A_410 = tpu.memref_slice %arg17[%add3A_384, %dma_start3A_409] : memref<208x1xf32, #tpu.memory_space<vmem>> -> memref<1x1xf32, #tpu.memory_space<vmem>>
        %dma_start3A_411 = tpu.memref_squeeze %dma_start3A_410 : memref<1x1xf32, #tpu.memory_space<vmem>> -> memref<1xf32, #tpu.memory_space<vmem>>
        %dma_start3A_412 = arith.constant 0 : i32
        %dma_start3A_413 = tpu.memref_slice %arg8[%squeeze3A_380, %dma_start3A_412] : memref<1000000x1xf32, #tpu.memory_space<hbm>> -> memref<1x1xf32, #tpu.memory_space<hbm>>
        %dma_start3A_414 = tpu.memref_squeeze %dma_start3A_413 : memref<1x1xf32, #tpu.memory_space<hbm>> -> memref<1xf32, #tpu.memory_space<hbm>>
        %dma_start3A_415 = arith.constant 0 : i32
        %dma_start3A_416 = tpu.memref_slice %arg17[%add3A_384, %dma_start3A_415] : memref<208x1xf32, #tpu.memory_space<vmem>> -> memref<1x1xf32, #tpu.memory_space<vmem>>
        %dma_start3A_417 = tpu.memref_squeeze %dma_start3A_416 : memref<1x1xf32, #tpu.memory_space<vmem>> -> memref<1xf32, #tpu.memory_space<vmem>>
        %dma_start3A_418 = arith.constant 0 : i32
        %dma_start3A_419 = tpu.memref_slice %arg8[%squeeze3A_380, %dma_start3A_418] : memref<1000000x1xf32, #tpu.memory_space<hbm>> -> memref<1x1xf32, #tpu.memory_space<hbm>>
        %dma_start3A_420 = tpu.memref_squeeze %dma_start3A_419 : memref<1x1xf32, #tpu.memory_space<hbm>> -> memref<1xf32, #tpu.memory_space<hbm>>
        tpu.enqueue_dma source(%dma_start3A_420 : memref<1xf32, #tpu.memory_space<hbm>>) target(%dma_start3A_417 : memref<1xf32, #tpu.memory_space<vmem>>) target_semaphore(%arg25 : memref<!tpu.dma_semaphore, #tpu.memory_space<semaphore_mem>>)
        %slice3A_421 = vector.extract_strided_slice %get3A_168 {offsets = [6], sizes = [1], strides = [1]} : vector<16xi32> to vector<1xi32>
        %squeeze3A_422 = vector.extract %slice3A_421[0] : i32 from vector<1xi32>
        %mul3A_423 = arith.constant 16 : i32
        %mul3A_424 = arith.muli %scan3A_163, %mul3A_423 : i32
        %add3A_425 = arith.constant 6 : i32
        %add3A_426 = arith.addi %mul3A_424, %add3A_425 : i32
        %dma_start3A_427 = arith.constant 0 : i32
        %dma_start3A_428 = tpu.memref_slice %arg14[%add3A_426, %dma_start3A_427] : memref<208x32xf32, #tpu.memory_space<vmem>> -> memref<1x32xf32, #tpu.memory_space<vmem>>
        %dma_start3A_429 = tpu.memref_squeeze %dma_start3A_428 : memref<1x32xf32, #tpu.memory_space<vmem>> -> memref<32xf32, #tpu.memory_space<vmem>>
        %dma_start3A_430 = arith.constant 0 : i32
        %dma_start3A_431 = tpu.memref_slice %arg5[%squeeze3A_422, %dma_start3A_430] : memref<1000000x32xf32, #tpu.memory_space<hbm>> -> memref<1x32xf32, #tpu.memory_space<hbm>>
        %dma_start3A_432 = tpu.memref_squeeze %dma_start3A_431 : memref<1x32xf32, #tpu.memory_space<hbm>> -> memref<32xf32, #tpu.memory_space<hbm>>
        %dma_start3A_433 = arith.constant 0 : i32
        %dma_start3A_434 = tpu.memref_slice %arg14[%add3A_426, %dma_start3A_433] : memref<208x32xf32, #tpu.memory_space<vmem>> -> memref<1x32xf32, #tpu.memory_space<vmem>>
        %dma_start3A_435 = tpu.memref_squeeze %dma_start3A_434 : memref<1x32xf32, #tpu.memory_space<vmem>> -> memref<32xf32, #tpu.memory_space<vmem>>
        %dma_start3A_436 = arith.constant 0 : i32
        %dma_start3A_437 = tpu.memref_slice %arg5[%squeeze3A_422, %dma_start3A_436] : memref<1000000x32xf32, #tpu.memory_space<hbm>> -> memref<1x32xf32, #tpu.memory_space<hbm>>
        %dma_start3A_438 = tpu.memref_squeeze %dma_start3A_437 : memref<1x32xf32, #tpu.memory_space<hbm>> -> memref<32xf32, #tpu.memory_space<hbm>>
        tpu.enqueue_dma source(%dma_start3A_438 : memref<32xf32, #tpu.memory_space<hbm>>) target(%dma_start3A_435 : memref<32xf32, #tpu.memory_space<vmem>>) target_semaphore(%arg25 : memref<!tpu.dma_semaphore, #tpu.memory_space<semaphore_mem>>)
        %dma_start3A_439 = arith.constant 0 : i32
        %dma_start3A_440 = tpu.memref_slice %arg15[%add3A_426, %dma_start3A_439] : memref<208x32xf32, #tpu.memory_space<vmem>> -> memref<1x32xf32, #tpu.memory_space<vmem>>
        %dma_start3A_441 = tpu.memref_squeeze %dma_start3A_440 : memref<1x32xf32, #tpu.memory_space<vmem>> -> memref<32xf32, #tpu.memory_space<vmem>>
        %dma_start3A_442 = arith.constant 0 : i32
        %dma_start3A_443 = tpu.memref_slice %arg7[%squeeze3A_422, %dma_start3A_442] : memref<1000000x32xf32, #tpu.memory_space<hbm>> -> memref<1x32xf32, #tpu.memory_space<hbm>>
        %dma_start3A_444 = tpu.memref_squeeze %dma_start3A_443 : memref<1x32xf32, #tpu.memory_space<hbm>> -> memref<32xf32, #tpu.memory_space<hbm>>
        %dma_start3A_445 = arith.constant 0 : i32
        %dma_start3A_446 = tpu.memref_slice %arg15[%add3A_426, %dma_start3A_445] : memref<208x32xf32, #tpu.memory_space<vmem>> -> memref<1x32xf32, #tpu.memory_space<vmem>>
        %dma_start3A_447 = tpu.memref_squeeze %dma_start3A_446 : memref<1x32xf32, #tpu.memory_space<vmem>> -> memref<32xf32, #tpu.memory_space<vmem>>
        %dma_start3A_448 = arith.constant 0 : i32
        %dma_start3A_449 = tpu.memref_slice %arg7[%squeeze3A_422, %dma_start3A_448] : memref<1000000x32xf32, #tpu.memory_space<hbm>> -> memref<1x32xf32, #tpu.memory_space<hbm>>
        %dma_start3A_450 = tpu.memref_squeeze %dma_start3A_449 : memref<1x32xf32, #tpu.memory_space<hbm>> -> memref<32xf32, #tpu.memory_space<hbm>>
        tpu.enqueue_dma source(%dma_start3A_450 : memref<32xf32, #tpu.memory_space<hbm>>) target(%dma_start3A_447 : memref<32xf32, #tpu.memory_space<vmem>>) target_semaphore(%arg25 : memref<!tpu.dma_semaphore, #tpu.memory_space<semaphore_mem>>)
        %dma_start3A_451 = arith.constant 0 : i32
        %dma_start3A_452 = tpu.memref_slice %arg17[%add3A_426, %dma_start3A_451] : memref<208x1xf32, #tpu.memory_space<vmem>> -> memref<1x1xf32, #tpu.memory_space<vmem>>
        %dma_start3A_453 = tpu.memref_squeeze %dma_start3A_452 : memref<1x1xf32, #tpu.memory_space<vmem>> -> memref<1xf32, #tpu.memory_space<vmem>>
        %dma_start3A_454 = arith.constant 0 : i32
        %dma_start3A_455 = tpu.memref_slice %arg8[%squeeze3A_422, %dma_start3A_454] : memref<1000000x1xf32, #tpu.memory_space<hbm>> -> memref<1x1xf32, #tpu.memory_space<hbm>>
        %dma_start3A_456 = tpu.memref_squeeze %dma_start3A_455 : memref<1x1xf32, #tpu.memory_space<hbm>> -> memref<1xf32, #tpu.memory_space<hbm>>
        %dma_start3A_457 = arith.constant 0 : i32
        %dma_start3A_458 = tpu.memref_slice %arg17[%add3A_426, %dma_start3A_457] : memref<208x1xf32, #tpu.memory_space<vmem>> -> memref<1x1xf32, #tpu.memory_space<vmem>>
        %dma_start3A_459 = tpu.memref_squeeze %dma_start3A_458 : memref<1x1xf32, #tpu.memory_space<vmem>> -> memref<1xf32, #tpu.memory_space<vmem>>
        %dma_start3A_460 = arith.constant 0 : i32
        %dma_start3A_461 = tpu.memref_slice %arg8[%squeeze3A_422, %dma_start3A_460] : memref<1000000x1xf32, #tpu.memory_space<hbm>> -> memref<1x1xf32, #tpu.memory_space<hbm>>
        %dma_start3A_462 = tpu.memref_squeeze %dma_start3A_461 : memref<1x1xf32, #tpu.memory_space<hbm>> -> memref<1xf32, #tpu.memory_space<hbm>>
        tpu.enqueue_dma source(%dma_start3A_462 : memref<1xf32, #tpu.memory_space<hbm>>) target(%dma_start3A_459 : memref<1xf32, #tpu.memory_space<vmem>>) target_semaphore(%arg25 : memref<!tpu.dma_semaphore, #tpu.memory_space<semaphore_mem>>)
        %slice3A_463 = vector.extract_strided_slice %get3A_168 {offsets = [7], sizes = [1], strides = [1]} : vector<16xi32> to vector<1xi32>
        %squeeze3A_464 = vector.extract %slice3A_463[0] : i32 from vector<1xi32>
        %mul3A_465 = arith.constant 16 : i32
        %mul3A_466 = arith.muli %scan3A_163, %mul3A_465 : i32
        %add3A_467 = arith.constant 7 : i32
        %add3A_468 = arith.addi %mul3A_466, %add3A_467 : i32
        %dma_start3A_469 = arith.constant 0 : i32
        %dma_start3A_470 = tpu.memref_slice %arg14[%add3A_468, %dma_start3A_469] : memref<208x32xf32, #tpu.memory_space<vmem>> -> memref<1x32xf32, #tpu.memory_space<vmem>>
        %dma_start3A_471 = tpu.memref_squeeze %dma_start3A_470 : memref<1x32xf32, #tpu.memory_space<vmem>> -> memref<32xf32, #tpu.memory_space<vmem>>
        %dma_start3A_472 = arith.constant 0 : i32
        %dma_start3A_473 = tpu.memref_slice %arg5[%squeeze3A_464, %dma_start3A_472] : memref<1000000x32xf32, #tpu.memory_space<hbm>> -> memref<1x32xf32, #tpu.memory_space<hbm>>
        %dma_start3A_474 = tpu.memref_squeeze %dma_start3A_473 : memref<1x32xf32, #tpu.memory_space<hbm>> -> memref<32xf32, #tpu.memory_space<hbm>>
        %dma_start3A_475 = arith.constant 0 : i32
        %dma_start3A_476 = tpu.memref_slice %arg14[%add3A_468, %dma_start3A_475] : memref<208x32xf32, #tpu.memory_space<vmem>> -> memref<1x32xf32, #tpu.memory_space<vmem>>
        %dma_start3A_477 = tpu.memref_squeeze %dma_start3A_476 : memref<1x32xf32, #tpu.memory_space<vmem>> -> memref<32xf32, #tpu.memory_space<vmem>>
        %dma_start3A_478 = arith.constant 0 : i32
        %dma_start3A_479 = tpu.memref_slice %arg5[%squeeze3A_464, %dma_start3A_478] : memref<1000000x32xf32, #tpu.memory_space<hbm>> -> memref<1x32xf32, #tpu.memory_space<hbm>>
        %dma_start3A_480 = tpu.memref_squeeze %dma_start3A_479 : memref<1x32xf32, #tpu.memory_space<hbm>> -> memref<32xf32, #tpu.memory_space<hbm>>
        tpu.enqueue_dma source(%dma_start3A_480 : memref<32xf32, #tpu.memory_space<hbm>>) target(%dma_start3A_477 : memref<32xf32, #tpu.memory_space<vmem>>) target_semaphore(%arg25 : memref<!tpu.dma_semaphore, #tpu.memory_space<semaphore_mem>>)
        %dma_start3A_481 = arith.constant 0 : i32
        %dma_start3A_482 = tpu.memref_slice %arg15[%add3A_468, %dma_start3A_481] : memref<208x32xf32, #tpu.memory_space<vmem>> -> memref<1x32xf32, #tpu.memory_space<vmem>>
        %dma_start3A_483 = tpu.memref_squeeze %dma_start3A_482 : memref<1x32xf32, #tpu.memory_space<vmem>> -> memref<32xf32, #tpu.memory_space<vmem>>
        %dma_start3A_484 = arith.constant 0 : i32
        %dma_start3A_485 = tpu.memref_slice %arg7[%squeeze3A_464, %dma_start3A_484] : memref<1000000x32xf32, #tpu.memory_space<hbm>> -> memref<1x32xf32, #tpu.memory_space<hbm>>
        %dma_start3A_486 = tpu.memref_squeeze %dma_start3A_485 : memref<1x32xf32, #tpu.memory_space<hbm>> -> memref<32xf32, #tpu.memory_space<hbm>>
        %dma_start3A_487 = arith.constant 0 : i32
        %dma_start3A_488 = tpu.memref_slice %arg15[%add3A_468, %dma_start3A_487] : memref<208x32xf32, #tpu.memory_space<vmem>> -> memref<1x32xf32, #tpu.memory_space<vmem>>
        %dma_start3A_489 = tpu.memref_squeeze %dma_start3A_488 : memref<1x32xf32, #tpu.memory_space<vmem>> -> memref<32xf32, #tpu.memory_space<vmem>>
        %dma_start3A_490 = arith.constant 0 : i32
        %dma_start3A_491 = tpu.memref_slice %arg7[%squeeze3A_464, %dma_start3A_490] : memref<1000000x32xf32, #tpu.memory_space<hbm>> -> memref<1x32xf32, #tpu.memory_space<hbm>>
        %dma_start3A_492 = tpu.memref_squeeze %dma_start3A_491 : memref<1x32xf32, #tpu.memory_space<hbm>> -> memref<32xf32, #tpu.memory_space<hbm>>
        tpu.enqueue_dma source(%dma_start3A_492 : memref<32xf32, #tpu.memory_space<hbm>>) target(%dma_start3A_489 : memref<32xf32, #tpu.memory_space<vmem>>) target_semaphore(%arg25 : memref<!tpu.dma_semaphore, #tpu.memory_space<semaphore_mem>>)
        %dma_start3A_493 = arith.constant 0 : i32
        %dma_start3A_494 = tpu.memref_slice %arg17[%add3A_468, %dma_start3A_493] : memref<208x1xf32, #tpu.memory_space<vmem>> -> memref<1x1xf32, #tpu.memory_space<vmem>>
        %dma_start3A_495 = tpu.memref_squeeze %dma_start3A_494 : memref<1x1xf32, #tpu.memory_space<vmem>> -> memref<1xf32, #tpu.memory_space<vmem>>
        %dma_start3A_496 = arith.constant 0 : i32
        %dma_start3A_497 = tpu.memref_slice %arg8[%squeeze3A_464, %dma_start3A_496] : memref<1000000x1xf32, #tpu.memory_space<hbm>> -> memref<1x1xf32, #tpu.memory_space<hbm>>
        %dma_start3A_498 = tpu.memref_squeeze %dma_start3A_497 : memref<1x1xf32, #tpu.memory_space<hbm>> -> memref<1xf32, #tpu.memory_space<hbm>>
        %dma_start3A_499 = arith.constant 0 : i32
        %dma_start3A_500 = tpu.memref_slice %arg17[%add3A_468, %dma_start3A_499] : memref<208x1xf32, #tpu.memory_space<vmem>> -> memref<1x1xf32, #tpu.memory_space<vmem>>
        %dma_start3A_501 = tpu.memref_squeeze %dma_start3A_500 : memref<1x1xf32, #tpu.memory_space<vmem>> -> memref<1xf32, #tpu.memory_space<vmem>>
        %dma_start3A_502 = arith.constant 0 : i32
        %dma_start3A_503 = tpu.memref_slice %arg8[%squeeze3A_464, %dma_start3A_502] : memref<1000000x1xf32, #tpu.memory_space<hbm>> -> memref<1x1xf32, #tpu.memory_space<hbm>>
        %dma_start3A_504 = tpu.memref_squeeze %dma_start3A_503 : memref<1x1xf32, #tpu.memory_space<hbm>> -> memref<1xf32, #tpu.memory_space<hbm>>
        tpu.enqueue_dma source(%dma_start3A_504 : memref<1xf32, #tpu.memory_space<hbm>>) target(%dma_start3A_501 : memref<1xf32, #tpu.memory_space<vmem>>) target_semaphore(%arg25 : memref<!tpu.dma_semaphore, #tpu.memory_space<semaphore_mem>>)
        %slice3A_505 = vector.extract_strided_slice %get3A_168 {offsets = [8], sizes = [1], strides = [1]} : vector<16xi32> to vector<1xi32>
        %squeeze3A_506 = vector.extract %slice3A_505[0] : i32 from vector<1xi32>
        %mul3A_507 = arith.constant 16 : i32
        %mul3A_508 = arith.muli %scan3A_163, %mul3A_507 : i32
        %add3A_509 = arith.constant 8 : i32
        %add3A_510 = arith.addi %mul3A_508, %add3A_509 : i32
        %dma_start3A_511 = arith.constant 0 : i32
        %dma_start3A_512 = tpu.memref_slice %arg14[%add3A_510, %dma_start3A_511] : memref<208x32xf32, #tpu.memory_space<vmem>> -> memref<1x32xf32, #tpu.memory_space<vmem>>
        %dma_start3A_513 = tpu.memref_squeeze %dma_start3A_512 : memref<1x32xf32, #tpu.memory_space<vmem>> -> memref<32xf32, #tpu.memory_space<vmem>>
        %dma_start3A_514 = arith.constant 0 : i32
        %dma_start3A_515 = tpu.memref_slice %arg5[%squeeze3A_506, %dma_start3A_514] : memref<1000000x32xf32, #tpu.memory_space<hbm>> -> memref<1x32xf32, #tpu.memory_space<hbm>>
        %dma_start3A_516 = tpu.memref_squeeze %dma_start3A_515 : memref<1x32xf32, #tpu.memory_space<hbm>> -> memref<32xf32, #tpu.memory_space<hbm>>
        %dma_start3A_517 = arith.constant 0 : i32
        %dma_start3A_518 = tpu.memref_slice %arg14[%add3A_510, %dma_start3A_517] : memref<208x32xf32, #tpu.memory_space<vmem>> -> memref<1x32xf32, #tpu.memory_space<vmem>>
        %dma_start3A_519 = tpu.memref_squeeze %dma_start3A_518 : memref<1x32xf32, #tpu.memory_space<vmem>> -> memref<32xf32, #tpu.memory_space<vmem>>
        %dma_start3A_520 = arith.constant 0 : i32
        %dma_start3A_521 = tpu.memref_slice %arg5[%squeeze3A_506, %dma_start3A_520] : memref<1000000x32xf32, #tpu.memory_space<hbm>> -> memref<1x32xf32, #tpu.memory_space<hbm>>
        %dma_start3A_522 = tpu.memref_squeeze %dma_start3A_521 : memref<1x32xf32, #tpu.memory_space<hbm>> -> memref<32xf32, #tpu.memory_space<hbm>>
        tpu.enqueue_dma source(%dma_start3A_522 : memref<32xf32, #tpu.memory_space<hbm>>) target(%dma_start3A_519 : memref<32xf32, #tpu.memory_space<vmem>>) target_semaphore(%arg25 : memref<!tpu.dma_semaphore, #tpu.memory_space<semaphore_mem>>)
        %dma_start3A_523 = arith.constant 0 : i32
        %dma_start3A_524 = tpu.memref_slice %arg15[%add3A_510, %dma_start3A_523] : memref<208x32xf32, #tpu.memory_space<vmem>> -> memref<1x32xf32, #tpu.memory_space<vmem>>
        %dma_start3A_525 = tpu.memref_squeeze %dma_start3A_524 : memref<1x32xf32, #tpu.memory_space<vmem>> -> memref<32xf32, #tpu.memory_space<vmem>>
        %dma_start3A_526 = arith.constant 0 : i32
        %dma_start3A_527 = tpu.memref_slice %arg7[%squeeze3A_506, %dma_start3A_526] : memref<1000000x32xf32, #tpu.memory_space<hbm>> -> memref<1x32xf32, #tpu.memory_space<hbm>>
        %dma_start3A_528 = tpu.memref_squeeze %dma_start3A_527 : memref<1x32xf32, #tpu.memory_space<hbm>> -> memref<32xf32, #tpu.memory_space<hbm>>
        %dma_start3A_529 = arith.constant 0 : i32
        %dma_start3A_530 = tpu.memref_slice %arg15[%add3A_510, %dma_start3A_529] : memref<208x32xf32, #tpu.memory_space<vmem>> -> memref<1x32xf32, #tpu.memory_space<vmem>>
        %dma_start3A_531 = tpu.memref_squeeze %dma_start3A_530 : memref<1x32xf32, #tpu.memory_space<vmem>> -> memref<32xf32, #tpu.memory_space<vmem>>
        %dma_start3A_532 = arith.constant 0 : i32
        %dma_start3A_533 = tpu.memref_slice %arg7[%squeeze3A_506, %dma_start3A_532] : memref<1000000x32xf32, #tpu.memory_space<hbm>> -> memref<1x32xf32, #tpu.memory_space<hbm>>
        %dma_start3A_534 = tpu.memref_squeeze %dma_start3A_533 : memref<1x32xf32, #tpu.memory_space<hbm>> -> memref<32xf32, #tpu.memory_space<hbm>>
        tpu.enqueue_dma source(%dma_start3A_534 : memref<32xf32, #tpu.memory_space<hbm>>) target(%dma_start3A_531 : memref<32xf32, #tpu.memory_space<vmem>>) target_semaphore(%arg25 : memref<!tpu.dma_semaphore, #tpu.memory_space<semaphore_mem>>)
        %dma_start3A_535 = arith.constant 0 : i32
        %dma_start3A_536 = tpu.memref_slice %arg17[%add3A_510, %dma_start3A_535] : memref<208x1xf32, #tpu.memory_space<vmem>> -> memref<1x1xf32, #tpu.memory_space<vmem>>
        %dma_start3A_537 = tpu.memref_squeeze %dma_start3A_536 : memref<1x1xf32, #tpu.memory_space<vmem>> -> memref<1xf32, #tpu.memory_space<vmem>>
        %dma_start3A_538 = arith.constant 0 : i32
        %dma_start3A_539 = tpu.memref_slice %arg8[%squeeze3A_506, %dma_start3A_538] : memref<1000000x1xf32, #tpu.memory_space<hbm>> -> memref<1x1xf32, #tpu.memory_space<hbm>>
        %dma_start3A_540 = tpu.memref_squeeze %dma_start3A_539 : memref<1x1xf32, #tpu.memory_space<hbm>> -> memref<1xf32, #tpu.memory_space<hbm>>
        %dma_start3A_541 = arith.constant 0 : i32
        %dma_start3A_542 = tpu.memref_slice %arg17[%add3A_510, %dma_start3A_541] : memref<208x1xf32, #tpu.memory_space<vmem>> -> memref<1x1xf32, #tpu.memory_space<vmem>>
        %dma_start3A_543 = tpu.memref_squeeze %dma_start3A_542 : memref<1x1xf32, #tpu.memory_space<vmem>> -> memref<1xf32, #tpu.memory_space<vmem>>
        %dma_start3A_544 = arith.constant 0 : i32
        %dma_start3A_545 = tpu.memref_slice %arg8[%squeeze3A_506, %dma_start3A_544] : memref<1000000x1xf32, #tpu.memory_space<hbm>> -> memref<1x1xf32, #tpu.memory_space<hbm>>
        %dma_start3A_546 = tpu.memref_squeeze %dma_start3A_545 : memref<1x1xf32, #tpu.memory_space<hbm>> -> memref<1xf32, #tpu.memory_space<hbm>>
        tpu.enqueue_dma source(%dma_start3A_546 : memref<1xf32, #tpu.memory_space<hbm>>) target(%dma_start3A_543 : memref<1xf32, #tpu.memory_space<vmem>>) target_semaphore(%arg25 : memref<!tpu.dma_semaphore, #tpu.memory_space<semaphore_mem>>)
        %slice3A_547 = vector.extract_strided_slice %get3A_168 {offsets = [9], sizes = [1], strides = [1]} : vector<16xi32> to vector<1xi32>
        %squeeze3A_548 = vector.extract %slice3A_547[0] : i32 from vector<1xi32>
        %mul3A_549 = arith.constant 16 : i32
        %mul3A_550 = arith.muli %scan3A_163, %mul3A_549 : i32
        %add3A_551 = arith.constant 9 : i32
        %add3A_552 = arith.addi %mul3A_550, %add3A_551 : i32
        %dma_start3A_553 = arith.constant 0 : i32
        %dma_start3A_554 = tpu.memref_slice %arg14[%add3A_552, %dma_start3A_553] : memref<208x32xf32, #tpu.memory_space<vmem>> -> memref<1x32xf32, #tpu.memory_space<vmem>>
        %dma_start3A_555 = tpu.memref_squeeze %dma_start3A_554 : memref<1x32xf32, #tpu.memory_space<vmem>> -> memref<32xf32, #tpu.memory_space<vmem>>
        %dma_start3A_556 = arith.constant 0 : i32
        %dma_start3A_557 = tpu.memref_slice %arg5[%squeeze3A_548, %dma_start3A_556] : memref<1000000x32xf32, #tpu.memory_space<hbm>> -> memref<1x32xf32, #tpu.memory_space<hbm>>
        %dma_start3A_558 = tpu.memref_squeeze %dma_start3A_557 : memref<1x32xf32, #tpu.memory_space<hbm>> -> memref<32xf32, #tpu.memory_space<hbm>>
        %dma_start3A_559 = arith.constant 0 : i32
        %dma_start3A_560 = tpu.memref_slice %arg14[%add3A_552, %dma_start3A_559] : memref<208x32xf32, #tpu.memory_space<vmem>> -> memref<1x32xf32, #tpu.memory_space<vmem>>
        %dma_start3A_561 = tpu.memref_squeeze %dma_start3A_560 : memref<1x32xf32, #tpu.memory_space<vmem>> -> memref<32xf32, #tpu.memory_space<vmem>>
        %dma_start3A_562 = arith.constant 0 : i32
        %dma_start3A_563 = tpu.memref_slice %arg5[%squeeze3A_548, %dma_start3A_562] : memref<1000000x32xf32, #tpu.memory_space<hbm>> -> memref<1x32xf32, #tpu.memory_space<hbm>>
        %dma_start3A_564 = tpu.memref_squeeze %dma_start3A_563 : memref<1x32xf32, #tpu.memory_space<hbm>> -> memref<32xf32, #tpu.memory_space<hbm>>
        tpu.enqueue_dma source(%dma_start3A_564 : memref<32xf32, #tpu.memory_space<hbm>>) target(%dma_start3A_561 : memref<32xf32, #tpu.memory_space<vmem>>) target_semaphore(%arg25 : memref<!tpu.dma_semaphore, #tpu.memory_space<semaphore_mem>>)
        %dma_start3A_565 = arith.constant 0 : i32
        %dma_start3A_566 = tpu.memref_slice %arg15[%add3A_552, %dma_start3A_565] : memref<208x32xf32, #tpu.memory_space<vmem>> -> memref<1x32xf32, #tpu.memory_space<vmem>>
        %dma_start3A_567 = tpu.memref_squeeze %dma_start3A_566 : memref<1x32xf32, #tpu.memory_space<vmem>> -> memref<32xf32, #tpu.memory_space<vmem>>
        %dma_start3A_568 = arith.constant 0 : i32
        %dma_start3A_569 = tpu.memref_slice %arg7[%squeeze3A_548, %dma_start3A_568] : memref<1000000x32xf32, #tpu.memory_space<hbm>> -> memref<1x32xf32, #tpu.memory_space<hbm>>
        %dma_start3A_570 = tpu.memref_squeeze %dma_start3A_569 : memref<1x32xf32, #tpu.memory_space<hbm>> -> memref<32xf32, #tpu.memory_space<hbm>>
        %dma_start3A_571 = arith.constant 0 : i32
        %dma_start3A_572 = tpu.memref_slice %arg15[%add3A_552, %dma_start3A_571] : memref<208x32xf32, #tpu.memory_space<vmem>> -> memref<1x32xf32, #tpu.memory_space<vmem>>
        %dma_start3A_573 = tpu.memref_squeeze %dma_start3A_572 : memref<1x32xf32, #tpu.memory_space<vmem>> -> memref<32xf32, #tpu.memory_space<vmem>>
        %dma_start3A_574 = arith.constant 0 : i32
        %dma_start3A_575 = tpu.memref_slice %arg7[%squeeze3A_548, %dma_start3A_574] : memref<1000000x32xf32, #tpu.memory_space<hbm>> -> memref<1x32xf32, #tpu.memory_space<hbm>>
        %dma_start3A_576 = tpu.memref_squeeze %dma_start3A_575 : memref<1x32xf32, #tpu.memory_space<hbm>> -> memref<32xf32, #tpu.memory_space<hbm>>
        tpu.enqueue_dma source(%dma_start3A_576 : memref<32xf32, #tpu.memory_space<hbm>>) target(%dma_start3A_573 : memref<32xf32, #tpu.memory_space<vmem>>) target_semaphore(%arg25 : memref<!tpu.dma_semaphore, #tpu.memory_space<semaphore_mem>>)
        %dma_start3A_577 = arith.constant 0 : i32
        %dma_start3A_578 = tpu.memref_slice %arg17[%add3A_552, %dma_start3A_577] : memref<208x1xf32, #tpu.memory_space<vmem>> -> memref<1x1xf32, #tpu.memory_space<vmem>>
        %dma_start3A_579 = tpu.memref_squeeze %dma_start3A_578 : memref<1x1xf32, #tpu.memory_space<vmem>> -> memref<1xf32, #tpu.memory_space<vmem>>
        %dma_start3A_580 = arith.constant 0 : i32
        %dma_start3A_581 = tpu.memref_slice %arg8[%squeeze3A_548, %dma_start3A_580] : memref<1000000x1xf32, #tpu.memory_space<hbm>> -> memref<1x1xf32, #tpu.memory_space<hbm>>
        %dma_start3A_582 = tpu.memref_squeeze %dma_start3A_581 : memref<1x1xf32, #tpu.memory_space<hbm>> -> memref<1xf32, #tpu.memory_space<hbm>>
        %dma_start3A_583 = arith.constant 0 : i32
        %dma_start3A_584 = tpu.memref_slice %arg17[%add3A_552, %dma_start3A_583] : memref<208x1xf32, #tpu.memory_space<vmem>> -> memref<1x1xf32, #tpu.memory_space<vmem>>
        %dma_start3A_585 = tpu.memref_squeeze %dma_start3A_584 : memref<1x1xf32, #tpu.memory_space<vmem>> -> memref<1xf32, #tpu.memory_space<vmem>>
        %dma_start3A_586 = arith.constant 0 : i32
        %dma_start3A_587 = tpu.memref_slice %arg8[%squeeze3A_548, %dma_start3A_586] : memref<1000000x1xf32, #tpu.memory_space<hbm>> -> memref<1x1xf32, #tpu.memory_space<hbm>>
        %dma_start3A_588 = tpu.memref_squeeze %dma_start3A_587 : memref<1x1xf32, #tpu.memory_space<hbm>> -> memref<1xf32, #tpu.memory_space<hbm>>
        tpu.enqueue_dma source(%dma_start3A_588 : memref<1xf32, #tpu.memory_space<hbm>>) target(%dma_start3A_585 : memref<1xf32, #tpu.memory_space<vmem>>) target_semaphore(%arg25 : memref<!tpu.dma_semaphore, #tpu.memory_space<semaphore_mem>>)
        %slice3A_589 = vector.extract_strided_slice %get3A_168 {offsets = [10], sizes = [1], strides = [1]} : vector<16xi32> to vector<1xi32>
        %squeeze3A_590 = vector.extract %slice3A_589[0] : i32 from vector<1xi32>
        %mul3A_591 = arith.constant 16 : i32
        %mul3A_592 = arith.muli %scan3A_163, %mul3A_591 : i32
        %add3A_593 = arith.constant 10 : i32
        %add3A_594 = arith.addi %mul3A_592, %add3A_593 : i32
        %dma_start3A_595 = arith.constant 0 : i32
        %dma_start3A_596 = tpu.memref_slice %arg14[%add3A_594, %dma_start3A_595] : memref<208x32xf32, #tpu.memory_space<vmem>> -> memref<1x32xf32, #tpu.memory_space<vmem>>
        %dma_start3A_597 = tpu.memref_squeeze %dma_start3A_596 : memref<1x32xf32, #tpu.memory_space<vmem>> -> memref<32xf32, #tpu.memory_space<vmem>>
        %dma_start3A_598 = arith.constant 0 : i32
        %dma_start3A_599 = tpu.memref_slice %arg5[%squeeze3A_590, %dma_start3A_598] : memref<1000000x32xf32, #tpu.memory_space<hbm>> -> memref<1x32xf32, #tpu.memory_space<hbm>>
        %dma_start3A_600 = tpu.memref_squeeze %dma_start3A_599 : memref<1x32xf32, #tpu.memory_space<hbm>> -> memref<32xf32, #tpu.memory_space<hbm>>
        %dma_start3A_601 = arith.constant 0 : i32
        %dma_start3A_602 = tpu.memref_slice %arg14[%add3A_594, %dma_start3A_601] : memref<208x32xf32, #tpu.memory_space<vmem>> -> memref<1x32xf32, #tpu.memory_space<vmem>>
        %dma_start3A_603 = tpu.memref_squeeze %dma_start3A_602 : memref<1x32xf32, #tpu.memory_space<vmem>> -> memref<32xf32, #tpu.memory_space<vmem>>
        %dma_start3A_604 = arith.constant 0 : i32
        %dma_start3A_605 = tpu.memref_slice %arg5[%squeeze3A_590, %dma_start3A_604] : memref<1000000x32xf32, #tpu.memory_space<hbm>> -> memref<1x32xf32, #tpu.memory_space<hbm>>
        %dma_start3A_606 = tpu.memref_squeeze %dma_start3A_605 : memref<1x32xf32, #tpu.memory_space<hbm>> -> memref<32xf32, #tpu.memory_space<hbm>>
        tpu.enqueue_dma source(%dma_start3A_606 : memref<32xf32, #tpu.memory_space<hbm>>) target(%dma_start3A_603 : memref<32xf32, #tpu.memory_space<vmem>>) target_semaphore(%arg25 : memref<!tpu.dma_semaphore, #tpu.memory_space<semaphore_mem>>)
        %dma_start3A_607 = arith.constant 0 : i32
        %dma_start3A_608 = tpu.memref_slice %arg15[%add3A_594, %dma_start3A_607] : memref<208x32xf32, #tpu.memory_space<vmem>> -> memref<1x32xf32, #tpu.memory_space<vmem>>
        %dma_start3A_609 = tpu.memref_squeeze %dma_start3A_608 : memref<1x32xf32, #tpu.memory_space<vmem>> -> memref<32xf32, #tpu.memory_space<vmem>>
        %dma_start3A_610 = arith.constant 0 : i32
        %dma_start3A_611 = tpu.memref_slice %arg7[%squeeze3A_590, %dma_start3A_610] : memref<1000000x32xf32, #tpu.memory_space<hbm>> -> memref<1x32xf32, #tpu.memory_space<hbm>>
        %dma_start3A_612 = tpu.memref_squeeze %dma_start3A_611 : memref<1x32xf32, #tpu.memory_space<hbm>> -> memref<32xf32, #tpu.memory_space<hbm>>
        %dma_start3A_613 = arith.constant 0 : i32
        %dma_start3A_614 = tpu.memref_slice %arg15[%add3A_594, %dma_start3A_613] : memref<208x32xf32, #tpu.memory_space<vmem>> -> memref<1x32xf32, #tpu.memory_space<vmem>>
        %dma_start3A_615 = tpu.memref_squeeze %dma_start3A_614 : memref<1x32xf32, #tpu.memory_space<vmem>> -> memref<32xf32, #tpu.memory_space<vmem>>
        %dma_start3A_616 = arith.constant 0 : i32
        %dma_start3A_617 = tpu.memref_slice %arg7[%squeeze3A_590, %dma_start3A_616] : memref<1000000x32xf32, #tpu.memory_space<hbm>> -> memref<1x32xf32, #tpu.memory_space<hbm>>
        %dma_start3A_618 = tpu.memref_squeeze %dma_start3A_617 : memref<1x32xf32, #tpu.memory_space<hbm>> -> memref<32xf32, #tpu.memory_space<hbm>>
        tpu.enqueue_dma source(%dma_start3A_618 : memref<32xf32, #tpu.memory_space<hbm>>) target(%dma_start3A_615 : memref<32xf32, #tpu.memory_space<vmem>>) target_semaphore(%arg25 : memref<!tpu.dma_semaphore, #tpu.memory_space<semaphore_mem>>)
        %dma_start3A_619 = arith.constant 0 : i32
        %dma_start3A_620 = tpu.memref_slice %arg17[%add3A_594, %dma_start3A_619] : memref<208x1xf32, #tpu.memory_space<vmem>> -> memref<1x1xf32, #tpu.memory_space<vmem>>
        %dma_start3A_621 = tpu.memref_squeeze %dma_start3A_620 : memref<1x1xf32, #tpu.memory_space<vmem>> -> memref<1xf32, #tpu.memory_space<vmem>>
        %dma_start3A_622 = arith.constant 0 : i32
        %dma_start3A_623 = tpu.memref_slice %arg8[%squeeze3A_590, %dma_start3A_622] : memref<1000000x1xf32, #tpu.memory_space<hbm>> -> memref<1x1xf32, #tpu.memory_space<hbm>>
        %dma_start3A_624 = tpu.memref_squeeze %dma_start3A_623 : memref<1x1xf32, #tpu.memory_space<hbm>> -> memref<1xf32, #tpu.memory_space<hbm>>
        %dma_start3A_625 = arith.constant 0 : i32
        %dma_start3A_626 = tpu.memref_slice %arg17[%add3A_594, %dma_start3A_625] : memref<208x1xf32, #tpu.memory_space<vmem>> -> memref<1x1xf32, #tpu.memory_space<vmem>>
        %dma_start3A_627 = tpu.memref_squeeze %dma_start3A_626 : memref<1x1xf32, #tpu.memory_space<vmem>> -> memref<1xf32, #tpu.memory_space<vmem>>
        %dma_start3A_628 = arith.constant 0 : i32
        %dma_start3A_629 = tpu.memref_slice %arg8[%squeeze3A_590, %dma_start3A_628] : memref<1000000x1xf32, #tpu.memory_space<hbm>> -> memref<1x1xf32, #tpu.memory_space<hbm>>
        %dma_start3A_630 = tpu.memref_squeeze %dma_start3A_629 : memref<1x1xf32, #tpu.memory_space<hbm>> -> memref<1xf32, #tpu.memory_space<hbm>>
        tpu.enqueue_dma source(%dma_start3A_630 : memref<1xf32, #tpu.memory_space<hbm>>) target(%dma_start3A_627 : memref<1xf32, #tpu.memory_space<vmem>>) target_semaphore(%arg25 : memref<!tpu.dma_semaphore, #tpu.memory_space<semaphore_mem>>)
        %slice3A_631 = vector.extract_strided_slice %get3A_168 {offsets = [11], sizes = [1], strides = [1]} : vector<16xi32> to vector<1xi32>
        %squeeze3A_632 = vector.extract %slice3A_631[0] : i32 from vector<1xi32>
        %mul3A_633 = arith.constant 16 : i32
        %mul3A_634 = arith.muli %scan3A_163, %mul3A_633 : i32
        %add3A_635 = arith.constant 11 : i32
        %add3A_636 = arith.addi %mul3A_634, %add3A_635 : i32
        %dma_start3A_637 = arith.constant 0 : i32
        %dma_start3A_638 = tpu.memref_slice %arg14[%add3A_636, %dma_start3A_637] : memref<208x32xf32, #tpu.memory_space<vmem>> -> memref<1x32xf32, #tpu.memory_space<vmem>>
        %dma_start3A_639 = tpu.memref_squeeze %dma_start3A_638 : memref<1x32xf32, #tpu.memory_space<vmem>> -> memref<32xf32, #tpu.memory_space<vmem>>
        %dma_start3A_640 = arith.constant 0 : i32
        %dma_start3A_641 = tpu.memref_slice %arg5[%squeeze3A_632, %dma_start3A_640] : memref<1000000x32xf32, #tpu.memory_space<hbm>> -> memref<1x32xf32, #tpu.memory_space<hbm>>
        %dma_start3A_642 = tpu.memref_squeeze %dma_start3A_641 : memref<1x32xf32, #tpu.memory_space<hbm>> -> memref<32xf32, #tpu.memory_space<hbm>>
        %dma_start3A_643 = arith.constant 0 : i32
        %dma_start3A_644 = tpu.memref_slice %arg14[%add3A_636, %dma_start3A_643] : memref<208x32xf32, #tpu.memory_space<vmem>> -> memref<1x32xf32, #tpu.memory_space<vmem>>
        %dma_start3A_645 = tpu.memref_squeeze %dma_start3A_644 : memref<1x32xf32, #tpu.memory_space<vmem>> -> memref<32xf32, #tpu.memory_space<vmem>>
        %dma_start3A_646 = arith.constant 0 : i32
        %dma_start3A_647 = tpu.memref_slice %arg5[%squeeze3A_632, %dma_start3A_646] : memref<1000000x32xf32, #tpu.memory_space<hbm>> -> memref<1x32xf32, #tpu.memory_space<hbm>>
        %dma_start3A_648 = tpu.memref_squeeze %dma_start3A_647 : memref<1x32xf32, #tpu.memory_space<hbm>> -> memref<32xf32, #tpu.memory_space<hbm>>
        tpu.enqueue_dma source(%dma_start3A_648 : memref<32xf32, #tpu.memory_space<hbm>>) target(%dma_start3A_645 : memref<32xf32, #tpu.memory_space<vmem>>) target_semaphore(%arg25 : memref<!tpu.dma_semaphore, #tpu.memory_space<semaphore_mem>>)
        %dma_start3A_649 = arith.constant 0 : i32
        %dma_start3A_650 = tpu.memref_slice %arg15[%add3A_636, %dma_start3A_649] : memref<208x32xf32, #tpu.memory_space<vmem>> -> memref<1x32xf32, #tpu.memory_space<vmem>>
        %dma_start3A_651 = tpu.memref_squeeze %dma_start3A_650 : memref<1x32xf32, #tpu.memory_space<vmem>> -> memref<32xf32, #tpu.memory_space<vmem>>
        %dma_start3A_652 = arith.constant 0 : i32
        %dma_start3A_653 = tpu.memref_slice %arg7[%squeeze3A_632, %dma_start3A_652] : memref<1000000x32xf32, #tpu.memory_space<hbm>> -> memref<1x32xf32, #tpu.memory_space<hbm>>
        %dma_start3A_654 = tpu.memref_squeeze %dma_start3A_653 : memref<1x32xf32, #tpu.memory_space<hbm>> -> memref<32xf32, #tpu.memory_space<hbm>>
        %dma_start3A_655 = arith.constant 0 : i32
        %dma_start3A_656 = tpu.memref_slice %arg15[%add3A_636, %dma_start3A_655] : memref<208x32xf32, #tpu.memory_space<vmem>> -> memref<1x32xf32, #tpu.memory_space<vmem>>
        %dma_start3A_657 = tpu.memref_squeeze %dma_start3A_656 : memref<1x32xf32, #tpu.memory_space<vmem>> -> memref<32xf32, #tpu.memory_space<vmem>>
        %dma_start3A_658 = arith.constant 0 : i32
        %dma_start3A_659 = tpu.memref_slice %arg7[%squeeze3A_632, %dma_start3A_658] : memref<1000000x32xf32, #tpu.memory_space<hbm>> -> memref<1x32xf32, #tpu.memory_space<hbm>>
        %dma_start3A_660 = tpu.memref_squeeze %dma_start3A_659 : memref<1x32xf32, #tpu.memory_space<hbm>> -> memref<32xf32, #tpu.memory_space<hbm>>
        tpu.enqueue_dma source(%dma_start3A_660 : memref<32xf32, #tpu.memory_space<hbm>>) target(%dma_start3A_657 : memref<32xf32, #tpu.memory_space<vmem>>) target_semaphore(%arg25 : memref<!tpu.dma_semaphore, #tpu.memory_space<semaphore_mem>>)
        %dma_start3A_661 = arith.constant 0 : i32
        %dma_start3A_662 = tpu.memref_slice %arg17[%add3A_636, %dma_start3A_661] : memref<208x1xf32, #tpu.memory_space<vmem>> -> memref<1x1xf32, #tpu.memory_space<vmem>>
        %dma_start3A_663 = tpu.memref_squeeze %dma_start3A_662 : memref<1x1xf32, #tpu.memory_space<vmem>> -> memref<1xf32, #tpu.memory_space<vmem>>
        %dma_start3A_664 = arith.constant 0 : i32
        %dma_start3A_665 = tpu.memref_slice %arg8[%squeeze3A_632, %dma_start3A_664] : memref<1000000x1xf32, #tpu.memory_space<hbm>> -> memref<1x1xf32, #tpu.memory_space<hbm>>
        %dma_start3A_666 = tpu.memref_squeeze %dma_start3A_665 : memref<1x1xf32, #tpu.memory_space<hbm>> -> memref<1xf32, #tpu.memory_space<hbm>>
        %dma_start3A_667 = arith.constant 0 : i32
        %dma_start3A_668 = tpu.memref_slice %arg17[%add3A_636, %dma_start3A_667] : memref<208x1xf32, #tpu.memory_space<vmem>> -> memref<1x1xf32, #tpu.memory_space<vmem>>
        %dma_start3A_669 = tpu.memref_squeeze %dma_start3A_668 : memref<1x1xf32, #tpu.memory_space<vmem>> -> memref<1xf32, #tpu.memory_space<vmem>>
        %dma_start3A_670 = arith.constant 0 : i32
        %dma_start3A_671 = tpu.memref_slice %arg8[%squeeze3A_632, %dma_start3A_670] : memref<1000000x1xf32, #tpu.memory_space<hbm>> -> memref<1x1xf32, #tpu.memory_space<hbm>>
        %dma_start3A_672 = tpu.memref_squeeze %dma_start3A_671 : memref<1x1xf32, #tpu.memory_space<hbm>> -> memref<1xf32, #tpu.memory_space<hbm>>
        tpu.enqueue_dma source(%dma_start3A_672 : memref<1xf32, #tpu.memory_space<hbm>>) target(%dma_start3A_669 : memref<1xf32, #tpu.memory_space<vmem>>) target_semaphore(%arg25 : memref<!tpu.dma_semaphore, #tpu.memory_space<semaphore_mem>>)
        %slice3A_673 = vector.extract_strided_slice %get3A_168 {offsets = [12], sizes = [1], strides = [1]} : vector<16xi32> to vector<1xi32>
        %squeeze3A_674 = vector.extract %slice3A_673[0] : i32 from vector<1xi32>
        %mul3A_675 = arith.constant 16 : i32
        %mul3A_676 = arith.muli %scan3A_163, %mul3A_675 : i32
        %add3A_677 = arith.constant 12 : i32
        %add3A_678 = arith.addi %mul3A_676, %add3A_677 : i32
        %dma_start3A_679 = arith.constant 0 : i32
        %dma_start3A_680 = tpu.memref_slice %arg14[%add3A_678, %dma_start3A_679] : memref<208x32xf32, #tpu.memory_space<vmem>> -> memref<1x32xf32, #tpu.memory_space<vmem>>
        %dma_start3A_681 = tpu.memref_squeeze %dma_start3A_680 : memref<1x32xf32, #tpu.memory_space<vmem>> -> memref<32xf32, #tpu.memory_space<vmem>>
        %dma_start3A_682 = arith.constant 0 : i32
        %dma_start3A_683 = tpu.memref_slice %arg5[%squeeze3A_674, %dma_start3A_682] : memref<1000000x32xf32, #tpu.memory_space<hbm>> -> memref<1x32xf32, #tpu.memory_space<hbm>>
        %dma_start3A_684 = tpu.memref_squeeze %dma_start3A_683 : memref<1x32xf32, #tpu.memory_space<hbm>> -> memref<32xf32, #tpu.memory_space<hbm>>
        %dma_start3A_685 = arith.constant 0 : i32
        %dma_start3A_686 = tpu.memref_slice %arg14[%add3A_678, %dma_start3A_685] : memref<208x32xf32, #tpu.memory_space<vmem>> -> memref<1x32xf32, #tpu.memory_space<vmem>>
        %dma_start3A_687 = tpu.memref_squeeze %dma_start3A_686 : memref<1x32xf32, #tpu.memory_space<vmem>> -> memref<32xf32, #tpu.memory_space<vmem>>
        %dma_start3A_688 = arith.constant 0 : i32
        %dma_start3A_689 = tpu.memref_slice %arg5[%squeeze3A_674, %dma_start3A_688] : memref<1000000x32xf32, #tpu.memory_space<hbm>> -> memref<1x32xf32, #tpu.memory_space<hbm>>
        %dma_start3A_690 = tpu.memref_squeeze %dma_start3A_689 : memref<1x32xf32, #tpu.memory_space<hbm>> -> memref<32xf32, #tpu.memory_space<hbm>>
        tpu.enqueue_dma source(%dma_start3A_690 : memref<32xf32, #tpu.memory_space<hbm>>) target(%dma_start3A_687 : memref<32xf32, #tpu.memory_space<vmem>>) target_semaphore(%arg25 : memref<!tpu.dma_semaphore, #tpu.memory_space<semaphore_mem>>)
        %dma_start3A_691 = arith.constant 0 : i32
        %dma_start3A_692 = tpu.memref_slice %arg15[%add3A_678, %dma_start3A_691] : memref<208x32xf32, #tpu.memory_space<vmem>> -> memref<1x32xf32, #tpu.memory_space<vmem>>
        %dma_start3A_693 = tpu.memref_squeeze %dma_start3A_692 : memref<1x32xf32, #tpu.memory_space<vmem>> -> memref<32xf32, #tpu.memory_space<vmem>>
        %dma_start3A_694 = arith.constant 0 : i32
        %dma_start3A_695 = tpu.memref_slice %arg7[%squeeze3A_674, %dma_start3A_694] : memref<1000000x32xf32, #tpu.memory_space<hbm>> -> memref<1x32xf32, #tpu.memory_space<hbm>>
        %dma_start3A_696 = tpu.memref_squeeze %dma_start3A_695 : memref<1x32xf32, #tpu.memory_space<hbm>> -> memref<32xf32, #tpu.memory_space<hbm>>
        %dma_start3A_697 = arith.constant 0 : i32
        %dma_start3A_698 = tpu.memref_slice %arg15[%add3A_678, %dma_start3A_697] : memref<208x32xf32, #tpu.memory_space<vmem>> -> memref<1x32xf32, #tpu.memory_space<vmem>>
        %dma_start3A_699 = tpu.memref_squeeze %dma_start3A_698 : memref<1x32xf32, #tpu.memory_space<vmem>> -> memref<32xf32, #tpu.memory_space<vmem>>
        %dma_start3A_700 = arith.constant 0 : i32
        %dma_start3A_701 = tpu.memref_slice %arg7[%squeeze3A_674, %dma_start3A_700] : memref<1000000x32xf32, #tpu.memory_space<hbm>> -> memref<1x32xf32, #tpu.memory_space<hbm>>
        %dma_start3A_702 = tpu.memref_squeeze %dma_start3A_701 : memref<1x32xf32, #tpu.memory_space<hbm>> -> memref<32xf32, #tpu.memory_space<hbm>>
        tpu.enqueue_dma source(%dma_start3A_702 : memref<32xf32, #tpu.memory_space<hbm>>) target(%dma_start3A_699 : memref<32xf32, #tpu.memory_space<vmem>>) target_semaphore(%arg25 : memref<!tpu.dma_semaphore, #tpu.memory_space<semaphore_mem>>)
        %dma_start3A_703 = arith.constant 0 : i32
        %dma_start3A_704 = tpu.memref_slice %arg17[%add3A_678, %dma_start3A_703] : memref<208x1xf32, #tpu.memory_space<vmem>> -> memref<1x1xf32, #tpu.memory_space<vmem>>
        %dma_start3A_705 = tpu.memref_squeeze %dma_start3A_704 : memref<1x1xf32, #tpu.memory_space<vmem>> -> memref<1xf32, #tpu.memory_space<vmem>>
        %dma_start3A_706 = arith.constant 0 : i32
        %dma_start3A_707 = tpu.memref_slice %arg8[%squeeze3A_674, %dma_start3A_706] : memref<1000000x1xf32, #tpu.memory_space<hbm>> -> memref<1x1xf32, #tpu.memory_space<hbm>>
        %dma_start3A_708 = tpu.memref_squeeze %dma_start3A_707 : memref<1x1xf32, #tpu.memory_space<hbm>> -> memref<1xf32, #tpu.memory_space<hbm>>
        %dma_start3A_709 = arith.constant 0 : i32
        %dma_start3A_710 = tpu.memref_slice %arg17[%add3A_678, %dma_start3A_709] : memref<208x1xf32, #tpu.memory_space<vmem>> -> memref<1x1xf32, #tpu.memory_space<vmem>>
        %dma_start3A_711 = tpu.memref_squeeze %dma_start3A_710 : memref<1x1xf32, #tpu.memory_space<vmem>> -> memref<1xf32, #tpu.memory_space<vmem>>
        %dma_start3A_712 = arith.constant 0 : i32
        %dma_start3A_713 = tpu.memref_slice %arg8[%squeeze3A_674, %dma_start3A_712] : memref<1000000x1xf32, #tpu.memory_space<hbm>> -> memref<1x1xf32, #tpu.memory_space<hbm>>
        %dma_start3A_714 = tpu.memref_squeeze %dma_start3A_713 : memref<1x1xf32, #tpu.memory_space<hbm>> -> memref<1xf32, #tpu.memory_space<hbm>>
        tpu.enqueue_dma source(%dma_start3A_714 : memref<1xf32, #tpu.memory_space<hbm>>) target(%dma_start3A_711 : memref<1xf32, #tpu.memory_space<vmem>>) target_semaphore(%arg25 : memref<!tpu.dma_semaphore, #tpu.memory_space<semaphore_mem>>)
        %slice3A_715 = vector.extract_strided_slice %get3A_168 {offsets = [13], sizes = [1], strides = [1]} : vector<16xi32> to vector<1xi32>
        %squeeze3A_716 = vector.extract %slice3A_715[0] : i32 from vector<1xi32>
        %mul3A_717 = arith.constant 16 : i32
        %mul3A_718 = arith.muli %scan3A_163, %mul3A_717 : i32
        %add3A_719 = arith.constant 13 : i32
        %add3A_720 = arith.addi %mul3A_718, %add3A_719 : i32
        %dma_start3A_721 = arith.constant 0 : i32
        %dma_start3A_722 = tpu.memref_slice %arg14[%add3A_720, %dma_start3A_721] : memref<208x32xf32, #tpu.memory_space<vmem>> -> memref<1x32xf32, #tpu.memory_space<vmem>>
        %dma_start3A_723 = tpu.memref_squeeze %dma_start3A_722 : memref<1x32xf32, #tpu.memory_space<vmem>> -> memref<32xf32, #tpu.memory_space<vmem>>
        %dma_start3A_724 = arith.constant 0 : i32
        %dma_start3A_725 = tpu.memref_slice %arg5[%squeeze3A_716, %dma_start3A_724] : memref<1000000x32xf32, #tpu.memory_space<hbm>> -> memref<1x32xf32, #tpu.memory_space<hbm>>
        %dma_start3A_726 = tpu.memref_squeeze %dma_start3A_725 : memref<1x32xf32, #tpu.memory_space<hbm>> -> memref<32xf32, #tpu.memory_space<hbm>>
        %dma_start3A_727 = arith.constant 0 : i32
        %dma_start3A_728 = tpu.memref_slice %arg14[%add3A_720, %dma_start3A_727] : memref<208x32xf32, #tpu.memory_space<vmem>> -> memref<1x32xf32, #tpu.memory_space<vmem>>
        %dma_start3A_729 = tpu.memref_squeeze %dma_start3A_728 : memref<1x32xf32, #tpu.memory_space<vmem>> -> memref<32xf32, #tpu.memory_space<vmem>>
        %dma_start3A_730 = arith.constant 0 : i32
        %dma_start3A_731 = tpu.memref_slice %arg5[%squeeze3A_716, %dma_start3A_730] : memref<1000000x32xf32, #tpu.memory_space<hbm>> -> memref<1x32xf32, #tpu.memory_space<hbm>>
        %dma_start3A_732 = tpu.memref_squeeze %dma_start3A_731 : memref<1x32xf32, #tpu.memory_space<hbm>> -> memref<32xf32, #tpu.memory_space<hbm>>
        tpu.enqueue_dma source(%dma_start3A_732 : memref<32xf32, #tpu.memory_space<hbm>>) target(%dma_start3A_729 : memref<32xf32, #tpu.memory_space<vmem>>) target_semaphore(%arg25 : memref<!tpu.dma_semaphore, #tpu.memory_space<semaphore_mem>>)
        %dma_start3A_733 = arith.constant 0 : i32
        %dma_start3A_734 = tpu.memref_slice %arg15[%add3A_720, %dma_start3A_733] : memref<208x32xf32, #tpu.memory_space<vmem>> -> memref<1x32xf32, #tpu.memory_space<vmem>>
        %dma_start3A_735 = tpu.memref_squeeze %dma_start3A_734 : memref<1x32xf32, #tpu.memory_space<vmem>> -> memref<32xf32, #tpu.memory_space<vmem>>
        %dma_start3A_736 = arith.constant 0 : i32
        %dma_start3A_737 = tpu.memref_slice %arg7[%squeeze3A_716, %dma_start3A_736] : memref<1000000x32xf32, #tpu.memory_space<hbm>> -> memref<1x32xf32, #tpu.memory_space<hbm>>
        %dma_start3A_738 = tpu.memref_squeeze %dma_start3A_737 : memref<1x32xf32, #tpu.memory_space<hbm>> -> memref<32xf32, #tpu.memory_space<hbm>>
        %dma_start3A_739 = arith.constant 0 : i32
        %dma_start3A_740 = tpu.memref_slice %arg15[%add3A_720, %dma_start3A_739] : memref<208x32xf32, #tpu.memory_space<vmem>> -> memref<1x32xf32, #tpu.memory_space<vmem>>
        %dma_start3A_741 = tpu.memref_squeeze %dma_start3A_740 : memref<1x32xf32, #tpu.memory_space<vmem>> -> memref<32xf32, #tpu.memory_space<vmem>>
        %dma_start3A_742 = arith.constant 0 : i32
        %dma_start3A_743 = tpu.memref_slice %arg7[%squeeze3A_716, %dma_start3A_742] : memref<1000000x32xf32, #tpu.memory_space<hbm>> -> memref<1x32xf32, #tpu.memory_space<hbm>>
        %dma_start3A_744 = tpu.memref_squeeze %dma_start3A_743 : memref<1x32xf32, #tpu.memory_space<hbm>> -> memref<32xf32, #tpu.memory_space<hbm>>
        tpu.enqueue_dma source(%dma_start3A_744 : memref<32xf32, #tpu.memory_space<hbm>>) target(%dma_start3A_741 : memref<32xf32, #tpu.memory_space<vmem>>) target_semaphore(%arg25 : memref<!tpu.dma_semaphore, #tpu.memory_space<semaphore_mem>>)
        %dma_start3A_745 = arith.constant 0 : i32
        %dma_start3A_746 = tpu.memref_slice %arg17[%add3A_720, %dma_start3A_745] : memref<208x1xf32, #tpu.memory_space<vmem>> -> memref<1x1xf32, #tpu.memory_space<vmem>>
        %dma_start3A_747 = tpu.memref_squeeze %dma_start3A_746 : memref<1x1xf32, #tpu.memory_space<vmem>> -> memref<1xf32, #tpu.memory_space<vmem>>
        %dma_start3A_748 = arith.constant 0 : i32
        %dma_start3A_749 = tpu.memref_slice %arg8[%squeeze3A_716, %dma_start3A_748] : memref<1000000x1xf32, #tpu.memory_space<hbm>> -> memref<1x1xf32, #tpu.memory_space<hbm>>
        %dma_start3A_750 = tpu.memref_squeeze %dma_start3A_749 : memref<1x1xf32, #tpu.memory_space<hbm>> -> memref<1xf32, #tpu.memory_space<hbm>>
        %dma_start3A_751 = arith.constant 0 : i32
        %dma_start3A_752 = tpu.memref_slice %arg17[%add3A_720, %dma_start3A_751] : memref<208x1xf32, #tpu.memory_space<vmem>> -> memref<1x1xf32, #tpu.memory_space<vmem>>
        %dma_start3A_753 = tpu.memref_squeeze %dma_start3A_752 : memref<1x1xf32, #tpu.memory_space<vmem>> -> memref<1xf32, #tpu.memory_space<vmem>>
        %dma_start3A_754 = arith.constant 0 : i32
        %dma_start3A_755 = tpu.memref_slice %arg8[%squeeze3A_716, %dma_start3A_754] : memref<1000000x1xf32, #tpu.memory_space<hbm>> -> memref<1x1xf32, #tpu.memory_space<hbm>>
        %dma_start3A_756 = tpu.memref_squeeze %dma_start3A_755 : memref<1x1xf32, #tpu.memory_space<hbm>> -> memref<1xf32, #tpu.memory_space<hbm>>
        tpu.enqueue_dma source(%dma_start3A_756 : memref<1xf32, #tpu.memory_space<hbm>>) target(%dma_start3A_753 : memref<1xf32, #tpu.memory_space<vmem>>) target_semaphore(%arg25 : memref<!tpu.dma_semaphore, #tpu.memory_space<semaphore_mem>>)
        %slice3A_757 = vector.extract_strided_slice %get3A_168 {offsets = [14], sizes = [1], strides = [1]} : vector<16xi32> to vector<1xi32>
        %squeeze3A_758 = vector.extract %slice3A_757[0] : i32 from vector<1xi32>
        %mul3A_759 = arith.constant 16 : i32
        %mul3A_760 = arith.muli %scan3A_163, %mul3A_759 : i32
        %add3A_761 = arith.constant 14 : i32
        %add3A_762 = arith.addi %mul3A_760, %add3A_761 : i32
        %dma_start3A_763 = arith.constant 0 : i32
        %dma_start3A_764 = tpu.memref_slice %arg14[%add3A_762, %dma_start3A_763] : memref<208x32xf32, #tpu.memory_space<vmem>> -> memref<1x32xf32, #tpu.memory_space<vmem>>
        %dma_start3A_765 = tpu.memref_squeeze %dma_start3A_764 : memref<1x32xf32, #tpu.memory_space<vmem>> -> memref<32xf32, #tpu.memory_space<vmem>>
        %dma_start3A_766 = arith.constant 0 : i32
        %dma_start3A_767 = tpu.memref_slice %arg5[%squeeze3A_758, %dma_start3A_766] : memref<1000000x32xf32, #tpu.memory_space<hbm>> -> memref<1x32xf32, #tpu.memory_space<hbm>>
        %dma_start3A_768 = tpu.memref_squeeze %dma_start3A_767 : memref<1x32xf32, #tpu.memory_space<hbm>> -> memref<32xf32, #tpu.memory_space<hbm>>
        %dma_start3A_769 = arith.constant 0 : i32
        %dma_start3A_770 = tpu.memref_slice %arg14[%add3A_762, %dma_start3A_769] : memref<208x32xf32, #tpu.memory_space<vmem>> -> memref<1x32xf32, #tpu.memory_space<vmem>>
        %dma_start3A_771 = tpu.memref_squeeze %dma_start3A_770 : memref<1x32xf32, #tpu.memory_space<vmem>> -> memref<32xf32, #tpu.memory_space<vmem>>
        %dma_start3A_772 = arith.constant 0 : i32
        %dma_start3A_773 = tpu.memref_slice %arg5[%squeeze3A_758, %dma_start3A_772] : memref<1000000x32xf32, #tpu.memory_space<hbm>> -> memref<1x32xf32, #tpu.memory_space<hbm>>
        %dma_start3A_774 = tpu.memref_squeeze %dma_start3A_773 : memref<1x32xf32, #tpu.memory_space<hbm>> -> memref<32xf32, #tpu.memory_space<hbm>>
        tpu.enqueue_dma source(%dma_start3A_774 : memref<32xf32, #tpu.memory_space<hbm>>) target(%dma_start3A_771 : memref<32xf32, #tpu.memory_space<vmem>>) target_semaphore(%arg25 : memref<!tpu.dma_semaphore, #tpu.memory_space<semaphore_mem>>)
        %dma_start3A_775 = arith.constant 0 : i32
        %dma_start3A_776 = tpu.memref_slice %arg15[%add3A_762, %dma_start3A_775] : memref<208x32xf32, #tpu.memory_space<vmem>> -> memref<1x32xf32, #tpu.memory_space<vmem>>
        %dma_start3A_777 = tpu.memref_squeeze %dma_start3A_776 : memref<1x32xf32, #tpu.memory_space<vmem>> -> memref<32xf32, #tpu.memory_space<vmem>>
        %dma_start3A_778 = arith.constant 0 : i32
        %dma_start3A_779 = tpu.memref_slice %arg7[%squeeze3A_758, %dma_start3A_778] : memref<1000000x32xf32, #tpu.memory_space<hbm>> -> memref<1x32xf32, #tpu.memory_space<hbm>>
        %dma_start3A_780 = tpu.memref_squeeze %dma_start3A_779 : memref<1x32xf32, #tpu.memory_space<hbm>> -> memref<32xf32, #tpu.memory_space<hbm>>
        %dma_start3A_781 = arith.constant 0 : i32
        %dma_start3A_782 = tpu.memref_slice %arg15[%add3A_762, %dma_start3A_781] : memref<208x32xf32, #tpu.memory_space<vmem>> -> memref<1x32xf32, #tpu.memory_space<vmem>>
        %dma_start3A_783 = tpu.memref_squeeze %dma_start3A_782 : memref<1x32xf32, #tpu.memory_space<vmem>> -> memref<32xf32, #tpu.memory_space<vmem>>
        %dma_start3A_784 = arith.constant 0 : i32
        %dma_start3A_785 = tpu.memref_slice %arg7[%squeeze3A_758, %dma_start3A_784] : memref<1000000x32xf32, #tpu.memory_space<hbm>> -> memref<1x32xf32, #tpu.memory_space<hbm>>
        %dma_start3A_786 = tpu.memref_squeeze %dma_start3A_785 : memref<1x32xf32, #tpu.memory_space<hbm>> -> memref<32xf32, #tpu.memory_space<hbm>>
        tpu.enqueue_dma source(%dma_start3A_786 : memref<32xf32, #tpu.memory_space<hbm>>) target(%dma_start3A_783 : memref<32xf32, #tpu.memory_space<vmem>>) target_semaphore(%arg25 : memref<!tpu.dma_semaphore, #tpu.memory_space<semaphore_mem>>)
        %dma_start3A_787 = arith.constant 0 : i32
        %dma_start3A_788 = tpu.memref_slice %arg17[%add3A_762, %dma_start3A_787] : memref<208x1xf32, #tpu.memory_space<vmem>> -> memref<1x1xf32, #tpu.memory_space<vmem>>
        %dma_start3A_789 = tpu.memref_squeeze %dma_start3A_788 : memref<1x1xf32, #tpu.memory_space<vmem>> -> memref<1xf32, #tpu.memory_space<vmem>>
        %dma_start3A_790 = arith.constant 0 : i32
        %dma_start3A_791 = tpu.memref_slice %arg8[%squeeze3A_758, %dma_start3A_790] : memref<1000000x1xf32, #tpu.memory_space<hbm>> -> memref<1x1xf32, #tpu.memory_space<hbm>>
        %dma_start3A_792 = tpu.memref_squeeze %dma_start3A_791 : memref<1x1xf32, #tpu.memory_space<hbm>> -> memref<1xf32, #tpu.memory_space<hbm>>
        %dma_start3A_793 = arith.constant 0 : i32
        %dma_start3A_794 = tpu.memref_slice %arg17[%add3A_762, %dma_start3A_793] : memref<208x1xf32, #tpu.memory_space<vmem>> -> memref<1x1xf32, #tpu.memory_space<vmem>>
        %dma_start3A_795 = tpu.memref_squeeze %dma_start3A_794 : memref<1x1xf32, #tpu.memory_space<vmem>> -> memref<1xf32, #tpu.memory_space<vmem>>
        %dma_start3A_796 = arith.constant 0 : i32
        %dma_start3A_797 = tpu.memref_slice %arg8[%squeeze3A_758, %dma_start3A_796] : memref<1000000x1xf32, #tpu.memory_space<hbm>> -> memref<1x1xf32, #tpu.memory_space<hbm>>
        %dma_start3A_798 = tpu.memref_squeeze %dma_start3A_797 : memref<1x1xf32, #tpu.memory_space<hbm>> -> memref<1xf32, #tpu.memory_space<hbm>>
        tpu.enqueue_dma source(%dma_start3A_798 : memref<1xf32, #tpu.memory_space<hbm>>) target(%dma_start3A_795 : memref<1xf32, #tpu.memory_space<vmem>>) target_semaphore(%arg25 : memref<!tpu.dma_semaphore, #tpu.memory_space<semaphore_mem>>)
        %slice3A_799 = vector.extract_strided_slice %get3A_168 {offsets = [15], sizes = [1], strides = [1]} : vector<16xi32> to vector<1xi32>
        %squeeze3A_800 = vector.extract %slice3A_799[0] : i32 from vector<1xi32>
        %mul3A_801 = arith.constant 16 : i32
        %mul3A_802 = arith.muli %scan3A_163, %mul3A_801 : i32
        %add3A_803 = arith.constant 15 : i32
        %add3A_804 = arith.addi %mul3A_802, %add3A_803 : i32
        %dma_start3A_805 = arith.constant 0 : i32
        %dma_start3A_806 = tpu.memref_slice %arg14[%add3A_804, %dma_start3A_805] : memref<208x32xf32, #tpu.memory_space<vmem>> -> memref<1x32xf32, #tpu.memory_space<vmem>>
        %dma_start3A_807 = tpu.memref_squeeze %dma_start3A_806 : memref<1x32xf32, #tpu.memory_space<vmem>> -> memref<32xf32, #tpu.memory_space<vmem>>
        %dma_start3A_808 = arith.constant 0 : i32
        %dma_start3A_809 = tpu.memref_slice %arg5[%squeeze3A_800, %dma_start3A_808] : memref<1000000x32xf32, #tpu.memory_space<hbm>> -> memref<1x32xf32, #tpu.memory_space<hbm>>
        %dma_start3A_810 = tpu.memref_squeeze %dma_start3A_809 : memref<1x32xf32, #tpu.memory_space<hbm>> -> memref<32xf32, #tpu.memory_space<hbm>>
        %dma_start3A_811 = arith.constant 0 : i32
        %dma_start3A_812 = tpu.memref_slice %arg14[%add3A_804, %dma_start3A_811] : memref<208x32xf32, #tpu.memory_space<vmem>> -> memref<1x32xf32, #tpu.memory_space<vmem>>
        %dma_start3A_813 = tpu.memref_squeeze %dma_start3A_812 : memref<1x32xf32, #tpu.memory_space<vmem>> -> memref<32xf32, #tpu.memory_space<vmem>>
        %dma_start3A_814 = arith.constant 0 : i32
        %dma_start3A_815 = tpu.memref_slice %arg5[%squeeze3A_800, %dma_start3A_814] : memref<1000000x32xf32, #tpu.memory_space<hbm>> -> memref<1x32xf32, #tpu.memory_space<hbm>>
        %dma_start3A_816 = tpu.memref_squeeze %dma_start3A_815 : memref<1x32xf32, #tpu.memory_space<hbm>> -> memref<32xf32, #tpu.memory_space<hbm>>
        tpu.enqueue_dma source(%dma_start3A_816 : memref<32xf32, #tpu.memory_space<hbm>>) target(%dma_start3A_813 : memref<32xf32, #tpu.memory_space<vmem>>) target_semaphore(%arg25 : memref<!tpu.dma_semaphore, #tpu.memory_space<semaphore_mem>>)
        %dma_start3A_817 = arith.constant 0 : i32
        %dma_start3A_818 = tpu.memref_slice %arg15[%add3A_804, %dma_start3A_817] : memref<208x32xf32, #tpu.memory_space<vmem>> -> memref<1x32xf32, #tpu.memory_space<vmem>>
        %dma_start3A_819 = tpu.memref_squeeze %dma_start3A_818 : memref<1x32xf32, #tpu.memory_space<vmem>> -> memref<32xf32, #tpu.memory_space<vmem>>
        %dma_start3A_820 = arith.constant 0 : i32
        %dma_start3A_821 = tpu.memref_slice %arg7[%squeeze3A_800, %dma_start3A_820] : memref<1000000x32xf32, #tpu.memory_space<hbm>> -> memref<1x32xf32, #tpu.memory_space<hbm>>
        %dma_start3A_822 = tpu.memref_squeeze %dma_start3A_821 : memref<1x32xf32, #tpu.memory_space<hbm>> -> memref<32xf32, #tpu.memory_space<hbm>>
        %dma_start3A_823 = arith.constant 0 : i32
        %dma_start3A_824 = tpu.memref_slice %arg15[%add3A_804, %dma_start3A_823] : memref<208x32xf32, #tpu.memory_space<vmem>> -> memref<1x32xf32, #tpu.memory_space<vmem>>
        %dma_start3A_825 = tpu.memref_squeeze %dma_start3A_824 : memref<1x32xf32, #tpu.memory_space<vmem>> -> memref<32xf32, #tpu.memory_space<vmem>>
        %dma_start3A_826 = arith.constant 0 : i32
        %dma_start3A_827 = tpu.memref_slice %arg7[%squeeze3A_800, %dma_start3A_826] : memref<1000000x32xf32, #tpu.memory_space<hbm>> -> memref<1x32xf32, #tpu.memory_space<hbm>>
        %dma_start3A_828 = tpu.memref_squeeze %dma_start3A_827 : memref<1x32xf32, #tpu.memory_space<hbm>> -> memref<32xf32, #tpu.memory_space<hbm>>
        tpu.enqueue_dma source(%dma_start3A_828 : memref<32xf32, #tpu.memory_space<hbm>>) target(%dma_start3A_825 : memref<32xf32, #tpu.memory_space<vmem>>) target_semaphore(%arg25 : memref<!tpu.dma_semaphore, #tpu.memory_space<semaphore_mem>>)
        %dma_start3A_829 = arith.constant 0 : i32
        %dma_start3A_830 = tpu.memref_slice %arg17[%add3A_804, %dma_start3A_829] : memref<208x1xf32, #tpu.memory_space<vmem>> -> memref<1x1xf32, #tpu.memory_space<vmem>>
        %dma_start3A_831 = tpu.memref_squeeze %dma_start3A_830 : memref<1x1xf32, #tpu.memory_space<vmem>> -> memref<1xf32, #tpu.memory_space<vmem>>
        %dma_start3A_832 = arith.constant 0 : i32
        %dma_start3A_833 = tpu.memref_slice %arg8[%squeeze3A_800, %dma_start3A_832] : memref<1000000x1xf32, #tpu.memory_space<hbm>> -> memref<1x1xf32, #tpu.memory_space<hbm>>
        %dma_start3A_834 = tpu.memref_squeeze %dma_start3A_833 : memref<1x1xf32, #tpu.memory_space<hbm>> -> memref<1xf32, #tpu.memory_space<hbm>>
        %dma_start3A_835 = arith.constant 0 : i32
        %dma_start3A_836 = tpu.memref_slice %arg17[%add3A_804, %dma_start3A_835] : memref<208x1xf32, #tpu.memory_space<vmem>> -> memref<1x1xf32, #tpu.memory_space<vmem>>
        %dma_start3A_837 = tpu.memref_squeeze %dma_start3A_836 : memref<1x1xf32, #tpu.memory_space<vmem>> -> memref<1xf32, #tpu.memory_space<vmem>>
        %dma_start3A_838 = arith.constant 0 : i32
        %dma_start3A_839 = tpu.memref_slice %arg8[%squeeze3A_800, %dma_start3A_838] : memref<1000000x1xf32, #tpu.memory_space<hbm>> -> memref<1x1xf32, #tpu.memory_space<hbm>>
        %dma_start3A_840 = tpu.memref_squeeze %dma_start3A_839 : memref<1x1xf32, #tpu.memory_space<hbm>> -> memref<1xf32, #tpu.memory_space<hbm>>
        tpu.enqueue_dma source(%dma_start3A_840 : memref<1xf32, #tpu.memory_space<hbm>>) target(%dma_start3A_837 : memref<1xf32, #tpu.memory_space<vmem>>) target_semaphore(%arg25 : memref<!tpu.dma_semaphore, #tpu.memory_space<semaphore_mem>>)
        %scan3A_841 = arith.constant 0 : i32
        scf.yield %scan3A_841 : i32
      }
      %scan3A_9 = arith.constant 13 : i32
      %get3A = arith.constant 0 : index
      %get3A_10 = tpu.vector_load %arg18[%get3A] {strides = array<i32>} : memref<16xi32, #tpu.memory_space<vmem>>, vector<16xi32>,
      %slice3A = vector.extract_strided_slice %get3A_10 {offsets = [0], sizes = [1], strides = [1]} : vector<16xi32> to vector<1xi32>
      %squeeze3A = vector.extract %slice3A[0] : i32 from vector<1xi32>
      %dma_start3A = arith.constant 0 : i32
      %dma_start3A_11 = arith.constant 0 : i32
      %dma_start3A_12 = tpu.memref_slice %arg19[%dma_start3A, %dma_start3A_11] : memref<1x32xf32, #tpu.memory_space<vmem>> -> memref<1x32xf32, #tpu.memory_space<vmem>>
      %dma_start3A_13 = tpu.memref_squeeze %dma_start3A_12 : memref<1x32xf32, #tpu.memory_space<vmem>> -> memref<32xf32, #tpu.memory_space<vmem>>
      %dma_start3A_14 = arith.constant 0 : i32
      %dma_start3A_15 = tpu.memref_slice %arg9[%squeeze3A, %dma_start3A_14] : memref<100000x32xf32, #tpu.memory_space<hbm>> -> memref<1x32xf32, #tpu.memory_space<hbm>>
      %dma_start3A_16 = tpu.memref_squeeze %dma_start3A_15 : memref<1x32xf32, #tpu.memory_space<hbm>> -> memref<32xf32, #tpu.memory_space<hbm>>
      %dma_start3A_17 = arith.constant 0 : i32
      %dma_start3A_18 = tpu.memref_slice %arg19[%dma_start3A, %dma_start3A_17] : memref<1x32xf32, #tpu.memory_space<vmem>> -> memref<1x32xf32, #tpu.memory_space<vmem>>
      %dma_start3A_19 = tpu.memref_squeeze %dma_start3A_18 : memref<1x32xf32, #tpu.memory_space<vmem>> -> memref<32xf32, #tpu.memory_space<vmem>>
      %dma_start3A_20 = arith.constant 0 : i32
      %dma_start3A_21 = tpu.memref_slice %arg9[%squeeze3A, %dma_start3A_20] : memref<100000x32xf32, #tpu.memory_space<hbm>> -> memref<1x32xf32, #tpu.memory_space<hbm>>
      %dma_start3A_22 = tpu.memref_squeeze %dma_start3A_21 : memref<1x32xf32, #tpu.memory_space<hbm>> -> memref<32xf32, #tpu.memory_space<hbm>>
      tpu.enqueue_dma source(%dma_start3A_22 : memref<32xf32, #tpu.memory_space<hbm>>) target(%dma_start3A_19 : memref<32xf32, #tpu.memory_space<vmem>>) target_semaphore(%arg25 : memref<!tpu.dma_semaphore, #tpu.memory_space<semaphore_mem>>)
      %dma_wait3A = arith.constant 0 : i32
      %dma_wait3A_23 = arith.constant 0 : i32
      %dma_wait3A_24 = tpu.memref_slice %arg5[%dma_wait3A, %dma_wait3A_23] : memref<1000000x32xf32, #tpu.memory_space<hbm>> -> memref<208x32xf32, #tpu.memory_space<hbm>>
      %dma_wait3A_25 = arith.constant 0 : i32
      %dma_wait3A_26 = arith.constant 0 : i32
      %dma_wait3A_27 = tpu.memref_slice %arg5[%dma_wait3A_25, %dma_wait3A_26] : memref<1000000x32xf32, #tpu.memory_space<hbm>> -> memref<208x32xf32, #tpu.memory_space<hbm>>
      tpu.wait_dma2 semaphore(%arg25 : memref<!tpu.dma_semaphore, #tpu.memory_space<semaphore_mem>>) src(%dma_wait3A_27 : memref<208x32xf32, #tpu.memory_space<hbm>>) dst(%arg14 : memref<208x32xf32, #tpu.memory_space<vmem>>)
      %dma_wait3A_28 = arith.constant 0 : i32
      %dma_wait3A_29 = arith.constant 0 : i32
      %dma_wait3A_30 = tpu.memref_slice %arg7[%dma_wait3A_28, %dma_wait3A_29] : memref<1000000x32xf32, #tpu.memory_space<hbm>> -> memref<208x32xf32, #tpu.memory_space<hbm>>
      %dma_wait3A_31 = arith.constant 0 : i32
      %dma_wait3A_32 = arith.constant 0 : i32
      %dma_wait3A_33 = tpu.memref_slice %arg7[%dma_wait3A_31, %dma_wait3A_32] : memref<1000000x32xf32, #tpu.memory_space<hbm>> -> memref<208x32xf32, #tpu.memory_space<hbm>>
      tpu.wait_dma2 semaphore(%arg25 : memref<!tpu.dma_semaphore, #tpu.memory_space<semaphore_mem>>) src(%dma_wait3A_33 : memref<208x32xf32, #tpu.memory_space<hbm>>) dst(%arg15 : memref<208x32xf32, #tpu.memory_space<vmem>>)
      %dma_wait3A_34 = arith.constant 0 : i32
      %dma_wait3A_35 = arith.constant 0 : i32
      %dma_wait3A_36 = tpu.memref_slice %arg8[%dma_wait3A_34, %dma_wait3A_35] : memref<1000000x1xf32, #tpu.memory_space<hbm>> -> memref<208x1xf32, #tpu.memory_space<hbm>>
      %dma_wait3A_37 = arith.constant 0 : i32
      %dma_wait3A_38 = arith.constant 0 : i32
      %dma_wait3A_39 = tpu.memref_slice %arg8[%dma_wait3A_37, %dma_wait3A_38] : memref<1000000x1xf32, #tpu.memory_space<hbm>> -> memref<208x1xf32, #tpu.memory_space<hbm>>
      tpu.wait_dma2 semaphore(%arg25 : memref<!tpu.dma_semaphore, #tpu.memory_space<semaphore_mem>>) src(%dma_wait3A_39 : memref<208x1xf32, #tpu.memory_space<hbm>>) dst(%arg17 : memref<208x1xf32, #tpu.memory_space<vmem>>)
      %dma_wait3A_40 = arith.constant 0 : i32
      %dma_wait3A_41 = arith.constant 0 : i32
      %dma_wait3A_42 = tpu.memref_slice %arg19[%dma_wait3A_40, %dma_wait3A_41] : memref<1x32xf32, #tpu.memory_space<vmem>> -> memref<1x32xf32, #tpu.memory_space<vmem>>
      %dma_wait3A_43 = tpu.memref_squeeze %dma_wait3A_42 : memref<1x32xf32, #tpu.memory_space<vmem>> -> memref<32xf32, #tpu.memory_space<vmem>>
      %dma_wait3A_44 = arith.constant 0 : i32
      %dma_wait3A_45 = tpu.memref_slice %arg9[%squeeze3A, %dma_wait3A_44] : memref<100000x32xf32, #tpu.memory_space<hbm>> -> memref<1x32xf32, #tpu.memory_space<hbm>>
      %dma_wait3A_46 = tpu.memref_squeeze %dma_wait3A_45 : memref<1x32xf32, #tpu.memory_space<hbm>> -> memref<32xf32, #tpu.memory_space<hbm>>
      %dma_wait3A_47 = arith.constant 0 : i32
      %dma_wait3A_48 = tpu.memref_slice %arg19[%dma_wait3A_40, %dma_wait3A_47] : memref<1x32xf32, #tpu.memory_space<vmem>> -> memref<1x32xf32, #tpu.memory_space<vmem>>
      %dma_wait3A_49 = tpu.memref_squeeze %dma_wait3A_48 : memref<1x32xf32, #tpu.memory_space<vmem>> -> memref<32xf32, #tpu.memory_space<vmem>>
      %dma_wait3A_50 = arith.constant 0 : i32
      %dma_wait3A_51 = tpu.memref_slice %arg9[%squeeze3A, %dma_wait3A_50] : memref<100000x32xf32, #tpu.memory_space<hbm>> -> memref<1x32xf32, #tpu.memory_space<hbm>>
      %dma_wait3A_52 = tpu.memref_squeeze %dma_wait3A_51 : memref<1x32xf32, #tpu.memory_space<hbm>> -> memref<32xf32, #tpu.memory_space<hbm>>
      tpu.wait_dma2 semaphore(%arg25 : memref<!tpu.dma_semaphore, #tpu.memory_space<semaphore_mem>>) src(%dma_wait3A_52 : memref<32xf32, #tpu.memory_space<hbm>>) dst(%dma_wait3A_49 : memref<32xf32, #tpu.memory_space<vmem>>)
      %broadcast_in_dim3A = arith.constant 0.000000e+00 : f32
      %broadcast_in_dim3A_53 = vector.broadcast %broadcast_in_dim3A : f32 to vector<16xf32>
      %iota3A = tpu.iota {dimensions = array<i32: 0>} : vector<16xi32>
      %scan3A_54 = arith.constant 0 : i32
      %scan3A_55 = arith.constant 200 : i32
      %scan3A_56 = arith.addi %scan3A_54, %scan3A_55 : i32
      %scan3A_57 = arith.constant 1 : i32
      %scan3A_58:3 = scf.for %scan3A_163 = %scan3A_54 to %scan3A_56 step %scan3A_57 iter_args(%scan3A_164 = %broadcast_in_dim3A_53, %scan3A_165 = %broadcast_in_dim3A_53, %scan3A_166 = %broadcast_in_dim3A_53) -> (vector<16xf32>, vector<16xf32>, vector<16xf32>)  : i32 {
        %get3A_167 = arith.index_cast %scan3A_163 : i32 to index
        %get3A_168 = arith.constant 0 : index
        %get3A_169 = tpu.vector_load %arg14[%get3A_167, %get3A_168] {strides = array<i32>} : memref<208x32xf32, #tpu.memory_space<vmem>>, vector<16xf32>,
        %get3A_170 = arith.index_cast %scan3A_163 : i32 to index
        %get3A_171 = arith.constant 16 : index
        %get3A_172 = tpu.vector_load %arg14[%get3A_170, %get3A_171] {strides = array<i32>} : memref<208x32xf32, #tpu.memory_space<vmem>>, vector<16xf32>,
        %get3A_173 = arith.index_cast %scan3A_163 : i32 to index
        %get3A_174 = arith.constant 0 : index
        %get3A_175 = tpu.vector_load %arg15[%get3A_173, %get3A_174] {strides = array<i32>} : memref<208x32xf32, #tpu.memory_space<vmem>>, vector<16xf32>,
        %get3A_176 = arith.index_cast %scan3A_163 : i32 to index
        %get3A_177 = arith.constant 16 : index
        %get3A_178 = tpu.vector_load %arg15[%get3A_176, %get3A_177] {strides = array<i32>} : memref<208x32xf32, #tpu.memory_space<vmem>>, vector<16xf32>,
        %mul3A_179 = arith.constant 32 : i32
        %mul3A_180 = arith.muli %scan3A_163, %mul3A_179 : i32
        %swap3A_181 = arith.index_cast %mul3A_180 : i32 to index
        %swap3A_182 = tpu.vector_load %arg16[%swap3A_181] {strides = array<i32>} : memref<6656xf32, #tpu.memory_space<vmem>>, vector<16xf32>,
        tpu.vector_store %arg16[%swap3A_181], %get3A_175 {strides = array<i32>} : memref<6656xf32, #tpu.memory_space<vmem>>, vector<16xf32>,
        %mul3A_183 = arith.constant 32 : i32
        %mul3A_184 = arith.muli %scan3A_163, %mul3A_183 : i32
        %add3A_185 = arith.constant 16 : i32
        %add3A_186 = arith.addi %mul3A_184, %add3A_185 : i32
        %swap3A_187 = arith.index_cast %add3A_186 : i32 to index
        %swap3A_188 = tpu.vector_load %arg16[%swap3A_187] {strides = array<i32>} : memref<6656xf32, #tpu.memory_space<vmem>>, vector<16xf32>,
        tpu.vector_store %arg16[%swap3A_187], %get3A_178 {strides = array<i32>} : memref<6656xf32, #tpu.memory_space<vmem>>, vector<16xf32>,
        %add3A_189 = arith.addf %scan3A_164, %get3A_169 : vector<16xf32>
        %add3A_190 = arith.addf %scan3A_165, %get3A_172 : vector<16xf32>
        %mul3A_191 = arith.mulf %get3A_169, %get3A_169 : vector<16xf32>
        %add3A_192 = arith.addf %scan3A_166, %mul3A_191 : vector<16xf32>
        %mul3A_193 = arith.mulf %get3A_172, %get3A_172 : vector<16xf32>
        %add3A_194 = arith.addf %add3A_192, %mul3A_193 : vector<16xf32>
        scf.yield %add3A_189, %add3A_190, %add3A_194 : vector<16xf32>, vector<16xf32>, vector<16xf32>
      }
      %scan3A_59 = arith.constant 200 : i32
      %scan3A_60 = arith.constant 0 : i32
      %scan3A_61 = arith.constant 200 : i32
      %scan3A_62 = arith.constant 8 : i32
      %scan3A_63 = arith.addi %scan3A_61, %scan3A_62 : i32
      %scan3A_64 = arith.constant 1 : i32
      %scan3A_65 = scf.for %scan3A_163 = %scan3A_61 to %scan3A_63 step %scan3A_64 iter_args(%scan3A_164 = %scan3A_60) -> (i32)  : i32 {
        %get3A_165 = arith.index_cast %scan3A_163 : i32 to index
        %get3A_166 = arith.constant 0 : index
        %get3A_167 = tpu.vector_load %arg15[%get3A_165, %get3A_166] {strides = array<i32>} : memref<208x32xf32, #tpu.memory_space<vmem>>, vector<16xf32>,
        %mul3A_168 = arith.constant 32 : i32
        %mul3A_169 = arith.muli %scan3A_163, %mul3A_168 : i32
        %swap3A_170 = arith.index_cast %mul3A_169 : i32 to index
        %swap3A_171 = tpu.vector_load %arg16[%swap3A_170] {strides = array<i32>} : memref<6656xf32, #tpu.memory_space<vmem>>, vector<16xf32>,
        tpu.vector_store %arg16[%swap3A_170], %get3A_167 {strides = array<i32>} : memref<6656xf32, #tpu.memory_space<vmem>>, vector<16xf32>,
        %get3A_172 = arith.index_cast %scan3A_163 : i32 to index
        %get3A_173 = arith.constant 16 : index
        %get3A_174 = tpu.vector_load %arg15[%get3A_172, %get3A_173] {strides = array<i32>} : memref<208x32xf32, #tpu.memory_space<vmem>>, vector<16xf32>,
        %mul3A_175 = arith.constant 32 : i32
        %mul3A_176 = arith.muli %scan3A_163, %mul3A_175 : i32
        %add3A_177 = arith.constant 16 : i32
        %add3A_178 = arith.addi %mul3A_176, %add3A_177 : i32
        %swap3A_179 = arith.index_cast %add3A_178 : i32 to index
        %swap3A_180 = tpu.vector_load %arg16[%swap3A_179] {strides = array<i32>} : memref<6656xf32, #tpu.memory_space<vmem>>, vector<16xf32>,
        tpu.vector_store %arg16[%swap3A_179], %get3A_174 {strides = array<i32>} : memref<6656xf32, #tpu.memory_space<vmem>>, vector<16xf32>,
        %scan3A_181 = arith.constant 0 : i32
        scf.yield %scan3A_181 : i32
      }
      %scan3A_66 = arith.constant 8 : i32
      %get3A_67 = arith.constant 0 : i32
      %get3A_68 = arith.index_cast %get3A_67 : i32 to index
      %get3A_69 = arith.constant 0 : index
      %get3A_70 = tpu.vector_load %arg19[%get3A_68, %get3A_69] {strides = array<i32>} : memref<1x32xf32, #tpu.memory_space<vmem>>, vector<16xf32>,
      %get3A_71 = arith.constant 0 : i32
      %get3A_72 = arith.index_cast %get3A_71 : i32 to index
      %get3A_73 = arith.constant 16 : index
      %get3A_74 = tpu.vector_load %arg19[%get3A_72, %get3A_73] {strides = array<i32>} : memref<1x32xf32, #tpu.memory_space<vmem>>, vector<16xf32>,
      %get3A_75 = arith.constant 0 : index
      %get3A_76 = tpu.vector_load %arg20[%get3A_75] {strides = array<i32>} : memref<32xf32, #tpu.memory_space<vmem>>, vector<16xf32>,
      %get3A_77 = arith.constant 16 : index
      %get3A_78 = tpu.vector_load %arg20[%get3A_77] {strides = array<i32>} : memref<32xf32, #tpu.memory_space<vmem>>, vector<16xf32>,
      %add3A = arith.addf %scan3A_58#0, %get3A_70 : vector<16xf32>
      %add3A_79 = arith.addf %add3A, %get3A_76 : vector<16xf32>
      %max3A = arith.constant 0.000000e+00 : f32
      %max3A_80 = vector.broadcast %max3A : f32 to vector<16xf32>
      %max3A_81 = arith.maximumf %add3A_79, %max3A_80 : vector<16xf32>
      %add3A_82 = arith.addf %scan3A_58#1, %get3A_74 : vector<16xf32>
      %add3A_83 = arith.addf %add3A_82, %get3A_78 : vector<16xf32>
      %max3A_84 = arith.constant 0.000000e+00 : f32
      %max3A_85 = vector.broadcast %max3A_84 : f32 to vector<16xf32>
      %max3A_86 = arith.maximumf %add3A_83, %max3A_85 : vector<16xf32>
      %broadcast_in_dim3A_87 = arith.constant 1 : i32
      %broadcast_in_dim3A_88 = vector.broadcast %broadcast_in_dim3A_87 : i32 to vector<16xi32>
      %add3A_89 = arith.addi %iota3A, %broadcast_in_dim3A_88 : vector<16xi32>
      tpu.vector_store_idx %arg24[%add3A_89], %max3A_81 : memref<48xf32, #tpu.memory_space<vmem>>[vector<16xi32>], vector<16xf32>,
      %broadcast_in_dim3A_90 = arith.constant 17 : i32
      %broadcast_in_dim3A_91 = vector.broadcast %broadcast_in_dim3A_90 : i32 to vector<16xi32>
      %add3A_92 = arith.addi %iota3A, %broadcast_in_dim3A_91 : vector<16xi32>
      tpu.vector_store_idx %arg24[%add3A_92], %max3A_86 : memref<48xf32, #tpu.memory_space<vmem>>[vector<16xi32>], vector<16xf32>,
      %broadcast_in_dim3A_93 = arith.constant 1.000000e+00 : f32
      %broadcast_in_dim3A_94 = vector.broadcast %broadcast_in_dim3A_93 : f32 to vector<16xf32>
      %broadcast_in_dim3A_95 = arith.constant 1 : i32
      %broadcast_in_dim3A_96 = vector.broadcast %broadcast_in_dim3A_95 : i32 to vector<16xi32>
      %broadcast_in_dim3A_97 = arith.constant 200 : i32
      %broadcast_in_dim3A_98 = vector.broadcast %broadcast_in_dim3A_97 : i32 to vector<16xi32>
      %scan3A_99 = arith.constant 0 : i32
      %scan3A_100 = arith.constant 13 : i32
      %scan3A_101 = arith.addi %scan3A_99, %scan3A_100 : i32
      %scan3A_102 = arith.constant 1 : i32
      %scan3A_103:2 = scf.for %scan3A_163 = %scan3A_99 to %scan3A_101 step %scan3A_102 iter_args(%scan3A_164 = %broadcast_in_dim3A_53, %scan3A_165 = %broadcast_in_dim3A_53) -> (vector<16xf32>, vector<16xf32>)  : i32 {
        %mul3A_166 = arith.constant 16 : i32
        %mul3A_167 = arith.muli %scan3A_163, %mul3A_166 : i32
        %broadcast_in_dim3A_168 = vector.broadcast %mul3A_167 : i32 to vector<16xi32>
        %add3A_169 = arith.addi %broadcast_in_dim3A_168, %iota3A : vector<16xi32>
        %broadcast_in_dim3A_170 = arith.constant 32 : i32
        %broadcast_in_dim3A_171 = vector.broadcast %broadcast_in_dim3A_170 : i32 to vector<16xi32>
        %mul3A_172 = arith.muli %add3A_169, %broadcast_in_dim3A_171 : vector<16xi32>
        %sub3A = arith.subi %mul3A_172, %broadcast_in_dim3A_96 : vector<16xi32>
        %lt3A = arith.cmpi slt, %add3A_169, %broadcast_in_dim3A_98 : vector<16xi32>
        %select_n3A = arith.select %lt3A, %broadcast_in_dim3A_94, %broadcast_in_dim3A_53 : vector<16xi1>, vector<16xf32>
        %broadcast_in_dim3A_173 = arith.constant 0 : i32
        %broadcast_in_dim3A_174 = vector.broadcast %broadcast_in_dim3A_173 : i32 to vector<16xi32>
        %min3A = arith.minsi %add3A_169, %broadcast_in_dim3A_174 : vector<16xi32>
        %gather3A = tpu.vector_load_idx %arg17[%add3A_169, %min3A] : memref<208x1xf32, #tpu.memory_space<vmem>>[vector<16xi32>, vector<16xi32>], vector<16xf32>,
        %broadcast_in_dim3A_175 = arith.constant 1 : i32
        %broadcast_in_dim3A_176 = vector.broadcast %broadcast_in_dim3A_175 : i32 to vector<16xi32>
        %add3A_177 = arith.addi %sub3A, %broadcast_in_dim3A_176 : vector<16xi32>
        %gather3A_178 = tpu.vector_load_idx %arg16[%add3A_177] : memref<6656xf32, #tpu.memory_space<vmem>>[vector<16xi32>], vector<16xf32>,
        %broadcast_in_dim3A_179 = arith.constant 1 : i32
        %broadcast_in_dim3A_180 = vector.broadcast %broadcast_in_dim3A_179 : i32 to vector<16xi32>
        %gather3A_181 = tpu.vector_load_idx %arg24[%broadcast_in_dim3A_180] : memref<48xf32, #tpu.memory_space<vmem>>[vector<16xi32>], vector<16xf32>,
        %mul3A_182 = arith.mulf %gather3A_178, %gather3A_181 : vector<16xf32>
        %add3A_183 = arith.addf %gather3A, %mul3A_182 : vector<16xf32>
        %mul3A_184 = arith.mulf %gather3A_178, %select_n3A : vector<16xf32>
        %mul3A_185 = arith.mulf %mul3A_184, %mul3A_184 : vector<16xf32>
        %add3A_186 = arith.addf %scan3A_164, %mul3A_185 : vector<16xf32>
        %broadcast_in_dim3A_187 = arith.constant 2 : i32
        %broadcast_in_dim3A_188 = vector.broadcast %broadcast_in_dim3A_187 : i32 to vector<16xi32>
        %add3A_189 = arith.addi %sub3A, %broadcast_in_dim3A_188 : vector<16xi32>
        %gather3A_190 = tpu.vector_load_idx %arg16[%add3A_189] : memref<6656xf32, #tpu.memory_space<vmem>>[vector<16xi32>], vector<16xf32>,
        %broadcast_in_dim3A_191 = arith.constant 2 : i32
        %broadcast_in_dim3A_192 = vector.broadcast %broadcast_in_dim3A_191 : i32 to vector<16xi32>
        %gather3A_193 = tpu.vector_load_idx %arg24[%broadcast_in_dim3A_192] : memref<48xf32, #tpu.memory_space<vmem>>[vector<16xi32>], vector<16xf32>,
        %mul3A_194 = arith.mulf %gather3A_190, %gather3A_193 : vector<16xf32>
        %add3A_195 = arith.addf %add3A_183, %mul3A_194 : vector<16xf32>
        %mul3A_196 = arith.mulf %gather3A_190, %select_n3A : vector<16xf32>
        %mul3A_197 = arith.mulf %mul3A_196, %mul3A_196 : vector<16xf32>
        %add3A_198 = arith.addf %add3A_186, %mul3A_197 : vector<16xf32>
        %broadcast_in_dim3A_199 = arith.constant 3 : i32
        %broadcast_in_dim3A_200 = vector.broadcast %broadcast_in_dim3A_199 : i32 to vector<16xi32>
        %add3A_201 = arith.addi %sub3A, %broadcast_in_dim3A_200 : vector<16xi32>
        %gather3A_202 = tpu.vector_load_idx %arg16[%add3A_201] : memref<6656xf32, #tpu.memory_space<vmem>>[vector<16xi32>], vector<16xf32>,
        %broadcast_in_dim3A_203 = arith.constant 3 : i32
        %broadcast_in_dim3A_204 = vector.broadcast %broadcast_in_dim3A_203 : i32 to vector<16xi32>
        %gather3A_205 = tpu.vector_load_idx %arg24[%broadcast_in_dim3A_204] : memref<48xf32, #tpu.memory_space<vmem>>[vector<16xi32>], vector<16xf32>,
        %mul3A_206 = arith.mulf %gather3A_202, %gather3A_205 : vector<16xf32>
        %add3A_207 = arith.addf %add3A_195, %mul3A_206 : vector<16xf32>
        %mul3A_208 = arith.mulf %gather3A_202, %select_n3A : vector<16xf32>
        %mul3A_209 = arith.mulf %mul3A_208, %mul3A_208 : vector<16xf32>
        %add3A_210 = arith.addf %add3A_198, %mul3A_209 : vector<16xf32>
        %broadcast_in_dim3A_211 = arith.constant 4 : i32
        %broadcast_in_dim3A_212 = vector.broadcast %broadcast_in_dim3A_211 : i32 to vector<16xi32>
        %add3A_213 = arith.addi %sub3A, %broadcast_in_dim3A_212 : vector<16xi32>
        %gather3A_214 = tpu.vector_load_idx %arg16[%add3A_213] : memref<6656xf32, #tpu.memory_space<vmem>>[vector<16xi32>], vector<16xf32>,
        %broadcast_in_dim3A_215 = arith.constant 4 : i32
        %broadcast_in_dim3A_216 = vector.broadcast %broadcast_in_dim3A_215 : i32 to vector<16xi32>
        %gather3A_217 = tpu.vector_load_idx %arg24[%broadcast_in_dim3A_216] : memref<48xf32, #tpu.memory_space<vmem>>[vector<16xi32>], vector<16xf32>,
        %mul3A_218 = arith.mulf %gather3A_214, %gather3A_217 : vector<16xf32>
        %add3A_219 = arith.addf %add3A_207, %mul3A_218 : vector<16xf32>
        %mul3A_220 = arith.mulf %gather3A_214, %select_n3A : vector<16xf32>
        %mul3A_221 = arith.mulf %mul3A_220, %mul3A_220 : vector<16xf32>
        %add3A_222 = arith.addf %add3A_210, %mul3A_221 : vector<16xf32>
        %broadcast_in_dim3A_223 = arith.constant 5 : i32
        %broadcast_in_dim3A_224 = vector.broadcast %broadcast_in_dim3A_223 : i32 to vector<16xi32>
        %add3A_225 = arith.addi %sub3A, %broadcast_in_dim3A_224 : vector<16xi32>
        %gather3A_226 = tpu.vector_load_idx %arg16[%add3A_225] : memref<6656xf32, #tpu.memory_space<vmem>>[vector<16xi32>], vector<16xf32>,
        %broadcast_in_dim3A_227 = arith.constant 5 : i32
        %broadcast_in_dim3A_228 = vector.broadcast %broadcast_in_dim3A_227 : i32 to vector<16xi32>
        %gather3A_229 = tpu.vector_load_idx %arg24[%broadcast_in_dim3A_228] : memref<48xf32, #tpu.memory_space<vmem>>[vector<16xi32>], vector<16xf32>,
        %mul3A_230 = arith.mulf %gather3A_226, %gather3A_229 : vector<16xf32>
        %add3A_231 = arith.addf %add3A_219, %mul3A_230 : vector<16xf32>
        %mul3A_232 = arith.mulf %gather3A_226, %select_n3A : vector<16xf32>
        %mul3A_233 = arith.mulf %mul3A_232, %mul3A_232 : vector<16xf32>
        %add3A_234 = arith.addf %add3A_222, %mul3A_233 : vector<16xf32>
        %broadcast_in_dim3A_235 = arith.constant 6 : i32
        %broadcast_in_dim3A_236 = vector.broadcast %broadcast_in_dim3A_235 : i32 to vector<16xi32>
        %add3A_237 = arith.addi %sub3A, %broadcast_in_dim3A_236 : vector<16xi32>
        %gather3A_238 = tpu.vector_load_idx %arg16[%add3A_237] : memref<6656xf32, #tpu.memory_space<vmem>>[vector<16xi32>], vector<16xf32>,
        %broadcast_in_dim3A_239 = arith.constant 6 : i32
        %broadcast_in_dim3A_240 = vector.broadcast %broadcast_in_dim3A_239 : i32 to vector<16xi32>
        %gather3A_241 = tpu.vector_load_idx %arg24[%broadcast_in_dim3A_240] : memref<48xf32, #tpu.memory_space<vmem>>[vector<16xi32>], vector<16xf32>,
        %mul3A_242 = arith.mulf %gather3A_238, %gather3A_241 : vector<16xf32>
        %add3A_243 = arith.addf %add3A_231, %mul3A_242 : vector<16xf32>
        %mul3A_244 = arith.mulf %gather3A_238, %select_n3A : vector<16xf32>
        %mul3A_245 = arith.mulf %mul3A_244, %mul3A_244 : vector<16xf32>
        %add3A_246 = arith.addf %add3A_234, %mul3A_245 : vector<16xf32>
        %broadcast_in_dim3A_247 = arith.constant 7 : i32
        %broadcast_in_dim3A_248 = vector.broadcast %broadcast_in_dim3A_247 : i32 to vector<16xi32>
        %add3A_249 = arith.addi %sub3A, %broadcast_in_dim3A_248 : vector<16xi32>
        %gather3A_250 = tpu.vector_load_idx %arg16[%add3A_249] : memref<6656xf32, #tpu.memory_space<vmem>>[vector<16xi32>], vector<16xf32>,
        %broadcast_in_dim3A_251 = arith.constant 7 : i32
        %broadcast_in_dim3A_252 = vector.broadcast %broadcast_in_dim3A_251 : i32 to vector<16xi32>
        %gather3A_253 = tpu.vector_load_idx %arg24[%broadcast_in_dim3A_252] : memref<48xf32, #tpu.memory_space<vmem>>[vector<16xi32>], vector<16xf32>,
        %mul3A_254 = arith.mulf %gather3A_250, %gather3A_253 : vector<16xf32>
        %add3A_255 = arith.addf %add3A_243, %mul3A_254 : vector<16xf32>
        %mul3A_256 = arith.mulf %gather3A_250, %select_n3A : vector<16xf32>
        %mul3A_257 = arith.mulf %mul3A_256, %mul3A_256 : vector<16xf32>
        %add3A_258 = arith.addf %add3A_246, %mul3A_257 : vector<16xf32>
        %broadcast_in_dim3A_259 = arith.constant 8 : i32
        %broadcast_in_dim3A_260 = vector.broadcast %broadcast_in_dim3A_259 : i32 to vector<16xi32>
        %add3A_261 = arith.addi %sub3A, %broadcast_in_dim3A_260 : vector<16xi32>
        %gather3A_262 = tpu.vector_load_idx %arg16[%add3A_261] : memref<6656xf32, #tpu.memory_space<vmem>>[vector<16xi32>], vector<16xf32>,
        %broadcast_in_dim3A_263 = arith.constant 8 : i32
        %broadcast_in_dim3A_264 = vector.broadcast %broadcast_in_dim3A_263 : i32 to vector<16xi32>
        %gather3A_265 = tpu.vector_load_idx %arg24[%broadcast_in_dim3A_264] : memref<48xf32, #tpu.memory_space<vmem>>[vector<16xi32>], vector<16xf32>,
        %mul3A_266 = arith.mulf %gather3A_262, %gather3A_265 : vector<16xf32>
        %add3A_267 = arith.addf %add3A_255, %mul3A_266 : vector<16xf32>
        %mul3A_268 = arith.mulf %gather3A_262, %select_n3A : vector<16xf32>
        %mul3A_269 = arith.mulf %mul3A_268, %mul3A_268 : vector<16xf32>
        %add3A_270 = arith.addf %add3A_258, %mul3A_269 : vector<16xf32>
        %broadcast_in_dim3A_271 = arith.constant 9 : i32
        %broadcast_in_dim3A_272 = vector.broadcast %broadcast_in_dim3A_271 : i32 to vector<16xi32>
        %add3A_273 = arith.addi %sub3A, %broadcast_in_dim3A_272 : vector<16xi32>
        %gather3A_274 = tpu.vector_load_idx %arg16[%add3A_273] : memref<6656xf32, #tpu.memory_space<vmem>>[vector<16xi32>], vector<16xf32>,
        %broadcast_in_dim3A_275 = arith.constant 9 : i32
        %broadcast_in_dim3A_276 = vector.broadcast %broadcast_in_dim3A_275 : i32 to vector<16xi32>
        %gather3A_277 = tpu.vector_load_idx %arg24[%broadcast_in_dim3A_276] : memref<48xf32, #tpu.memory_space<vmem>>[vector<16xi32>], vector<16xf32>,
        %mul3A_278 = arith.mulf %gather3A_274, %gather3A_277 : vector<16xf32>
        %add3A_279 = arith.addf %add3A_267, %mul3A_278 : vector<16xf32>
        %mul3A_280 = arith.mulf %gather3A_274, %select_n3A : vector<16xf32>
        %mul3A_281 = arith.mulf %mul3A_280, %mul3A_280 : vector<16xf32>
        %add3A_282 = arith.addf %add3A_270, %mul3A_281 : vector<16xf32>
        %broadcast_in_dim3A_283 = arith.constant 10 : i32
        %broadcast_in_dim3A_284 = vector.broadcast %broadcast_in_dim3A_283 : i32 to vector<16xi32>
        %add3A_285 = arith.addi %sub3A, %broadcast_in_dim3A_284 : vector<16xi32>
        %gather3A_286 = tpu.vector_load_idx %arg16[%add3A_285] : memref<6656xf32, #tpu.memory_space<vmem>>[vector<16xi32>], vector<16xf32>,
        %broadcast_in_dim3A_287 = arith.constant 10 : i32
        %broadcast_in_dim3A_288 = vector.broadcast %broadcast_in_dim3A_287 : i32 to vector<16xi32>
        %gather3A_289 = tpu.vector_load_idx %arg24[%broadcast_in_dim3A_288] : memref<48xf32, #tpu.memory_space<vmem>>[vector<16xi32>], vector<16xf32>,
        %mul3A_290 = arith.mulf %gather3A_286, %gather3A_289 : vector<16xf32>
        %add3A_291 = arith.addf %add3A_279, %mul3A_290 : vector<16xf32>
        %mul3A_292 = arith.mulf %gather3A_286, %select_n3A : vector<16xf32>
        %mul3A_293 = arith.mulf %mul3A_292, %mul3A_292 : vector<16xf32>
        %add3A_294 = arith.addf %add3A_282, %mul3A_293 : vector<16xf32>
        %broadcast_in_dim3A_295 = arith.constant 11 : i32
        %broadcast_in_dim3A_296 = vector.broadcast %broadcast_in_dim3A_295 : i32 to vector<16xi32>
        %add3A_297 = arith.addi %sub3A, %broadcast_in_dim3A_296 : vector<16xi32>
        %gather3A_298 = tpu.vector_load_idx %arg16[%add3A_297] : memref<6656xf32, #tpu.memory_space<vmem>>[vector<16xi32>], vector<16xf32>,
        %broadcast_in_dim3A_299 = arith.constant 11 : i32
        %broadcast_in_dim3A_300 = vector.broadcast %broadcast_in_dim3A_299 : i32 to vector<16xi32>
        %gather3A_301 = tpu.vector_load_idx %arg24[%broadcast_in_dim3A_300] : memref<48xf32, #tpu.memory_space<vmem>>[vector<16xi32>], vector<16xf32>,
        %mul3A_302 = arith.mulf %gather3A_298, %gather3A_301 : vector<16xf32>
        %add3A_303 = arith.addf %add3A_291, %mul3A_302 : vector<16xf32>
        %mul3A_304 = arith.mulf %gather3A_298, %select_n3A : vector<16xf32>
        %mul3A_305 = arith.mulf %mul3A_304, %mul3A_304 : vector<16xf32>
        %add3A_306 = arith.addf %add3A_294, %mul3A_305 : vector<16xf32>
        %broadcast_in_dim3A_307 = arith.constant 12 : i32
        %broadcast_in_dim3A_308 = vector.broadcast %broadcast_in_dim3A_307 : i32 to vector<16xi32>
        %add3A_309 = arith.addi %sub3A, %broadcast_in_dim3A_308 : vector<16xi32>
        %gather3A_310 = tpu.vector_load_idx %arg16[%add3A_309] : memref<6656xf32, #tpu.memory_space<vmem>>[vector<16xi32>], vector<16xf32>,
        %broadcast_in_dim3A_311 = arith.constant 12 : i32
        %broadcast_in_dim3A_312 = vector.broadcast %broadcast_in_dim3A_311 : i32 to vector<16xi32>
        %gather3A_313 = tpu.vector_load_idx %arg24[%broadcast_in_dim3A_312] : memref<48xf32, #tpu.memory_space<vmem>>[vector<16xi32>], vector<16xf32>,
        %mul3A_314 = arith.mulf %gather3A_310, %gather3A_313 : vector<16xf32>
        %add3A_315 = arith.addf %add3A_303, %mul3A_314 : vector<16xf32>
        %mul3A_316 = arith.mulf %gather3A_310, %select_n3A : vector<16xf32>
        %mul3A_317 = arith.mulf %mul3A_316, %mul3A_316 : vector<16xf32>
        %add3A_318 = arith.addf %add3A_306, %mul3A_317 : vector<16xf32>
        %broadcast_in_dim3A_319 = arith.constant 13 : i32
        %broadcast_in_dim3A_320 = vector.broadcast %broadcast_in_dim3A_319 : i32 to vector<16xi32>
        %add3A_321 = arith.addi %sub3A, %broadcast_in_dim3A_320 : vector<16xi32>
        %gather3A_322 = tpu.vector_load_idx %arg16[%add3A_321] : memref<6656xf32, #tpu.memory_space<vmem>>[vector<16xi32>], vector<16xf32>,
        %broadcast_in_dim3A_323 = arith.constant 13 : i32
        %broadcast_in_dim3A_324 = vector.broadcast %broadcast_in_dim3A_323 : i32 to vector<16xi32>
        %gather3A_325 = tpu.vector_load_idx %arg24[%broadcast_in_dim3A_324] : memref<48xf32, #tpu.memory_space<vmem>>[vector<16xi32>], vector<16xf32>,
        %mul3A_326 = arith.mulf %gather3A_322, %gather3A_325 : vector<16xf32>
        %add3A_327 = arith.addf %add3A_315, %mul3A_326 : vector<16xf32>
        %mul3A_328 = arith.mulf %gather3A_322, %select_n3A : vector<16xf32>
        %mul3A_329 = arith.mulf %mul3A_328, %mul3A_328 : vector<16xf32>
        %add3A_330 = arith.addf %add3A_318, %mul3A_329 : vector<16xf32>
        %broadcast_in_dim3A_331 = arith.constant 14 : i32
        %broadcast_in_dim3A_332 = vector.broadcast %broadcast_in_dim3A_331 : i32 to vector<16xi32>
        %add3A_333 = arith.addi %sub3A, %broadcast_in_dim3A_332 : vector<16xi32>
        %gather3A_334 = tpu.vector_load_idx %arg16[%add3A_333] : memref<6656xf32, #tpu.memory_space<vmem>>[vector<16xi32>], vector<16xf32>,
        %broadcast_in_dim3A_335 = arith.constant 14 : i32
        %broadcast_in_dim3A_336 = vector.broadcast %broadcast_in_dim3A_335 : i32 to vector<16xi32>
        %gather3A_337 = tpu.vector_load_idx %arg24[%broadcast_in_dim3A_336] : memref<48xf32, #tpu.memory_space<vmem>>[vector<16xi32>], vector<16xf32>,
        %mul3A_338 = arith.mulf %gather3A_334, %gather3A_337 : vector<16xf32>
        %add3A_339 = arith.addf %add3A_327, %mul3A_338 : vector<16xf32>
        %mul3A_340 = arith.mulf %gather3A_334, %select_n3A : vector<16xf32>
        %mul3A_341 = arith.mulf %mul3A_340, %mul3A_340 : vector<16xf32>
        %add3A_342 = arith.addf %add3A_330, %mul3A_341 : vector<16xf32>
        %broadcast_in_dim3A_343 = arith.constant 15 : i32
        %broadcast_in_dim3A_344 = vector.broadcast %broadcast_in_dim3A_343 : i32 to vector<16xi32>
        %add3A_345 = arith.addi %sub3A, %broadcast_in_dim3A_344 : vector<16xi32>
        %gather3A_346 = tpu.vector_load_idx %arg16[%add3A_345] : memref<6656xf32, #tpu.memory_space<vmem>>[vector<16xi32>], vector<16xf32>,
        %broadcast_in_dim3A_347 = arith.constant 15 : i32
        %broadcast_in_dim3A_348 = vector.broadcast %broadcast_in_dim3A_347 : i32 to vector<16xi32>
        %gather3A_349 = tpu.vector_load_idx %arg24[%broadcast_in_dim3A_348] : memref<48xf32, #tpu.memory_space<vmem>>[vector<16xi32>], vector<16xf32>,
        %mul3A_350 = arith.mulf %gather3A_346, %gather3A_349 : vector<16xf32>
        %add3A_351 = arith.addf %add3A_339, %mul3A_350 : vector<16xf32>
        %mul3A_352 = arith.mulf %gather3A_346, %select_n3A : vector<16xf32>
        %mul3A_353 = arith.mulf %mul3A_352, %mul3A_352 : vector<16xf32>
        %add3A_354 = arith.addf %add3A_342, %mul3A_353 : vector<16xf32>
        %broadcast_in_dim3A_355 = arith.constant 16 : i32
        %broadcast_in_dim3A_356 = vector.broadcast %broadcast_in_dim3A_355 : i32 to vector<16xi32>
        %add3A_357 = arith.addi %sub3A, %broadcast_in_dim3A_356 : vector<16xi32>
        %gather3A_358 = tpu.vector_load_idx %arg16[%add3A_357] : memref<6656xf32, #tpu.memory_space<vmem>>[vector<16xi32>], vector<16xf32>,
        %broadcast_in_dim3A_359 = arith.constant 16 : i32
        %broadcast_in_dim3A_360 = vector.broadcast %broadcast_in_dim3A_359 : i32 to vector<16xi32>
        %gather3A_361 = tpu.vector_load_idx %arg24[%broadcast_in_dim3A_360] : memref<48xf32, #tpu.memory_space<vmem>>[vector<16xi32>], vector<16xf32>,
        %mul3A_362 = arith.mulf %gather3A_358, %gather3A_361 : vector<16xf32>
        %add3A_363 = arith.addf %add3A_351, %mul3A_362 : vector<16xf32>
        %mul3A_364 = arith.mulf %gather3A_358, %select_n3A : vector<16xf32>
        %mul3A_365 = arith.mulf %mul3A_364, %mul3A_364 : vector<16xf32>
        %add3A_366 = arith.addf %add3A_354, %mul3A_365 : vector<16xf32>
        %broadcast_in_dim3A_367 = arith.constant 17 : i32
        %broadcast_in_dim3A_368 = vector.broadcast %broadcast_in_dim3A_367 : i32 to vector<16xi32>
        %add3A_369 = arith.addi %sub3A, %broadcast_in_dim3A_368 : vector<16xi32>
        %gather3A_370 = tpu.vector_load_idx %arg16[%add3A_369] : memref<6656xf32, #tpu.memory_space<vmem>>[vector<16xi32>], vector<16xf32>,
        %broadcast_in_dim3A_371 = arith.constant 17 : i32
        %broadcast_in_dim3A_372 = vector.broadcast %broadcast_in_dim3A_371 : i32 to vector<16xi32>
        %gather3A_373 = tpu.vector_load_idx %arg24[%broadcast_in_dim3A_372] : memref<48xf32, #tpu.memory_space<vmem>>[vector<16xi32>], vector<16xf32>,
        %mul3A_374 = arith.mulf %gather3A_370, %gather3A_373 : vector<16xf32>
        %add3A_375 = arith.addf %add3A_363, %mul3A_374 : vector<16xf32>
        %mul3A_376 = arith.mulf %gather3A_370, %select_n3A : vector<16xf32>
        %mul3A_377 = arith.mulf %mul3A_376, %mul3A_376 : vector<16xf32>
        %add3A_378 = arith.addf %add3A_366, %mul3A_377 : vector<16xf32>
        %broadcast_in_dim3A_379 = arith.constant 18 : i32
        %broadcast_in_dim3A_380 = vector.broadcast %broadcast_in_dim3A_379 : i32 to vector<16xi32>
        %add3A_381 = arith.addi %sub3A, %broadcast_in_dim3A_380 : vector<16xi32>
        %gather3A_382 = tpu.vector_load_idx %arg16[%add3A_381] : memref<6656xf32, #tpu.memory_space<vmem>>[vector<16xi32>], vector<16xf32>,
        %broadcast_in_dim3A_383 = arith.constant 18 : i32
        %broadcast_in_dim3A_384 = vector.broadcast %broadcast_in_dim3A_383 : i32 to vector<16xi32>
        %gather3A_385 = tpu.vector_load_idx %arg24[%broadcast_in_dim3A_384] : memref<48xf32, #tpu.memory_space<vmem>>[vector<16xi32>], vector<16xf32>,
        %mul3A_386 = arith.mulf %gather3A_382, %gather3A_385 : vector<16xf32>
        %add3A_387 = arith.addf %add3A_375, %mul3A_386 : vector<16xf32>
        %mul3A_388 = arith.mulf %gather3A_382, %select_n3A : vector<16xf32>
        %mul3A_389 = arith.mulf %mul3A_388, %mul3A_388 : vector<16xf32>
        %add3A_390 = arith.addf %add3A_378, %mul3A_389 : vector<16xf32>
        %broadcast_in_dim3A_391 = arith.constant 19 : i32
        %broadcast_in_dim3A_392 = vector.broadcast %broadcast_in_dim3A_391 : i32 to vector<16xi32>
        %add3A_393 = arith.addi %sub3A, %broadcast_in_dim3A_392 : vector<16xi32>
        %gather3A_394 = tpu.vector_load_idx %arg16[%add3A_393] : memref<6656xf32, #tpu.memory_space<vmem>>[vector<16xi32>], vector<16xf32>,
        %broadcast_in_dim3A_395 = arith.constant 19 : i32
        %broadcast_in_dim3A_396 = vector.broadcast %broadcast_in_dim3A_395 : i32 to vector<16xi32>
        %gather3A_397 = tpu.vector_load_idx %arg24[%broadcast_in_dim3A_396] : memref<48xf32, #tpu.memory_space<vmem>>[vector<16xi32>], vector<16xf32>,
        %mul3A_398 = arith.mulf %gather3A_394, %gather3A_397 : vector<16xf32>
        %add3A_399 = arith.addf %add3A_387, %mul3A_398 : vector<16xf32>
        %mul3A_400 = arith.mulf %gather3A_394, %select_n3A : vector<16xf32>
        %mul3A_401 = arith.mulf %mul3A_400, %mul3A_400 : vector<16xf32>
        %add3A_402 = arith.addf %add3A_390, %mul3A_401 : vector<16xf32>
        %broadcast_in_dim3A_403 = arith.constant 20 : i32
        %broadcast_in_dim3A_404 = vector.broadcast %broadcast_in_dim3A_403 : i32 to vector<16xi32>
        %add3A_405 = arith.addi %sub3A, %broadcast_in_dim3A_404 : vector<16xi32>
        %gather3A_406 = tpu.vector_load_idx %arg16[%add3A_405] : memref<6656xf32, #tpu.memory_space<vmem>>[vector<16xi32>], vector<16xf32>,
        %broadcast_in_dim3A_407 = arith.constant 20 : i32
        %broadcast_in_dim3A_408 = vector.broadcast %broadcast_in_dim3A_407 : i32 to vector<16xi32>
        %gather3A_409 = tpu.vector_load_idx %arg24[%broadcast_in_dim3A_408] : memref<48xf32, #tpu.memory_space<vmem>>[vector<16xi32>], vector<16xf32>,
        %mul3A_410 = arith.mulf %gather3A_406, %gather3A_409 : vector<16xf32>
        %add3A_411 = arith.addf %add3A_399, %mul3A_410 : vector<16xf32>
        %mul3A_412 = arith.mulf %gather3A_406, %select_n3A : vector<16xf32>
        %mul3A_413 = arith.mulf %mul3A_412, %mul3A_412 : vector<16xf32>
        %add3A_414 = arith.addf %add3A_402, %mul3A_413 : vector<16xf32>
        %broadcast_in_dim3A_415 = arith.constant 21 : i32
        %broadcast_in_dim3A_416 = vector.broadcast %broadcast_in_dim3A_415 : i32 to vector<16xi32>
        %add3A_417 = arith.addi %sub3A, %broadcast_in_dim3A_416 : vector<16xi32>
        %gather3A_418 = tpu.vector_load_idx %arg16[%add3A_417] : memref<6656xf32, #tpu.memory_space<vmem>>[vector<16xi32>], vector<16xf32>,
        %broadcast_in_dim3A_419 = arith.constant 21 : i32
        %broadcast_in_dim3A_420 = vector.broadcast %broadcast_in_dim3A_419 : i32 to vector<16xi32>
        %gather3A_421 = tpu.vector_load_idx %arg24[%broadcast_in_dim3A_420] : memref<48xf32, #tpu.memory_space<vmem>>[vector<16xi32>], vector<16xf32>,
        %mul3A_422 = arith.mulf %gather3A_418, %gather3A_421 : vector<16xf32>
        %add3A_423 = arith.addf %add3A_411, %mul3A_422 : vector<16xf32>
        %mul3A_424 = arith.mulf %gather3A_418, %select_n3A : vector<16xf32>
        %mul3A_425 = arith.mulf %mul3A_424, %mul3A_424 : vector<16xf32>
        %add3A_426 = arith.addf %add3A_414, %mul3A_425 : vector<16xf32>
        %broadcast_in_dim3A_427 = arith.constant 22 : i32
        %broadcast_in_dim3A_428 = vector.broadcast %broadcast_in_dim3A_427 : i32 to vector<16xi32>
        %add3A_429 = arith.addi %sub3A, %broadcast_in_dim3A_428 : vector<16xi32>
        %gather3A_430 = tpu.vector_load_idx %arg16[%add3A_429] : memref<6656xf32, #tpu.memory_space<vmem>>[vector<16xi32>], vector<16xf32>,
        %broadcast_in_dim3A_431 = arith.constant 22 : i32
        %broadcast_in_dim3A_432 = vector.broadcast %broadcast_in_dim3A_431 : i32 to vector<16xi32>
        %gather3A_433 = tpu.vector_load_idx %arg24[%broadcast_in_dim3A_432] : memref<48xf32, #tpu.memory_space<vmem>>[vector<16xi32>], vector<16xf32>,
        %mul3A_434 = arith.mulf %gather3A_430, %gather3A_433 : vector<16xf32>
        %add3A_435 = arith.addf %add3A_423, %mul3A_434 : vector<16xf32>
        %mul3A_436 = arith.mulf %gather3A_430, %select_n3A : vector<16xf32>
        %mul3A_437 = arith.mulf %mul3A_436, %mul3A_436 : vector<16xf32>
        %add3A_438 = arith.addf %add3A_426, %mul3A_437 : vector<16xf32>
        %broadcast_in_dim3A_439 = arith.constant 23 : i32
        %broadcast_in_dim3A_440 = vector.broadcast %broadcast_in_dim3A_439 : i32 to vector<16xi32>
        %add3A_441 = arith.addi %sub3A, %broadcast_in_dim3A_440 : vector<16xi32>
        %gather3A_442 = tpu.vector_load_idx %arg16[%add3A_441] : memref<6656xf32, #tpu.memory_space<vmem>>[vector<16xi32>], vector<16xf32>,
        %broadcast_in_dim3A_443 = arith.constant 23 : i32
        %broadcast_in_dim3A_444 = vector.broadcast %broadcast_in_dim3A_443 : i32 to vector<16xi32>
        %gather3A_445 = tpu.vector_load_idx %arg24[%broadcast_in_dim3A_444] : memref<48xf32, #tpu.memory_space<vmem>>[vector<16xi32>], vector<16xf32>,
        %mul3A_446 = arith.mulf %gather3A_442, %gather3A_445 : vector<16xf32>
        %add3A_447 = arith.addf %add3A_435, %mul3A_446 : vector<16xf32>
        %mul3A_448 = arith.mulf %gather3A_442, %select_n3A : vector<16xf32>
        %mul3A_449 = arith.mulf %mul3A_448, %mul3A_448 : vector<16xf32>
        %add3A_450 = arith.addf %add3A_438, %mul3A_449 : vector<16xf32>
        %broadcast_in_dim3A_451 = arith.constant 24 : i32
        %broadcast_in_dim3A_452 = vector.broadcast %broadcast_in_dim3A_451 : i32 to vector<16xi32>
        %add3A_453 = arith.addi %sub3A, %broadcast_in_dim3A_452 : vector<16xi32>
        %gather3A_454 = tpu.vector_load_idx %arg16[%add3A_453] : memref<6656xf32, #tpu.memory_space<vmem>>[vector<16xi32>], vector<16xf32>,
        %broadcast_in_dim3A_455 = arith.constant 24 : i32
        %broadcast_in_dim3A_456 = vector.broadcast %broadcast_in_dim3A_455 : i32 to vector<16xi32>
        %gather3A_457 = tpu.vector_load_idx %arg24[%broadcast_in_dim3A_456] : memref<48xf32, #tpu.memory_space<vmem>>[vector<16xi32>], vector<16xf32>,
        %mul3A_458 = arith.mulf %gather3A_454, %gather3A_457 : vector<16xf32>
        %add3A_459 = arith.addf %add3A_447, %mul3A_458 : vector<16xf32>
        %mul3A_460 = arith.mulf %gather3A_454, %select_n3A : vector<16xf32>
        %mul3A_461 = arith.mulf %mul3A_460, %mul3A_460 : vector<16xf32>
        %add3A_462 = arith.addf %add3A_450, %mul3A_461 : vector<16xf32>
        %broadcast_in_dim3A_463 = arith.constant 25 : i32
        %broadcast_in_dim3A_464 = vector.broadcast %broadcast_in_dim3A_463 : i32 to vector<16xi32>
        %add3A_465 = arith.addi %sub3A, %broadcast_in_dim3A_464 : vector<16xi32>
        %gather3A_466 = tpu.vector_load_idx %arg16[%add3A_465] : memref<6656xf32, #tpu.memory_space<vmem>>[vector<16xi32>], vector<16xf32>,
        %broadcast_in_dim3A_467 = arith.constant 25 : i32
        %broadcast_in_dim3A_468 = vector.broadcast %broadcast_in_dim3A_467 : i32 to vector<16xi32>
        %gather3A_469 = tpu.vector_load_idx %arg24[%broadcast_in_dim3A_468] : memref<48xf32, #tpu.memory_space<vmem>>[vector<16xi32>], vector<16xf32>,
        %mul3A_470 = arith.mulf %gather3A_466, %gather3A_469 : vector<16xf32>
        %add3A_471 = arith.addf %add3A_459, %mul3A_470 : vector<16xf32>
        %mul3A_472 = arith.mulf %gather3A_466, %select_n3A : vector<16xf32>
        %mul3A_473 = arith.mulf %mul3A_472, %mul3A_472 : vector<16xf32>
        %add3A_474 = arith.addf %add3A_462, %mul3A_473 : vector<16xf32>
        %broadcast_in_dim3A_475 = arith.constant 26 : i32
        %broadcast_in_dim3A_476 = vector.broadcast %broadcast_in_dim3A_475 : i32 to vector<16xi32>
        %add3A_477 = arith.addi %sub3A, %broadcast_in_dim3A_476 : vector<16xi32>
        %gather3A_478 = tpu.vector_load_idx %arg16[%add3A_477] : memref<6656xf32, #tpu.memory_space<vmem>>[vector<16xi32>], vector<16xf32>,
        %broadcast_in_dim3A_479 = arith.constant 26 : i32
        %broadcast_in_dim3A_480 = vector.broadcast %broadcast_in_dim3A_479 : i32 to vector<16xi32>
        %gather3A_481 = tpu.vector_load_idx %arg24[%broadcast_in_dim3A_480] : memref<48xf32, #tpu.memory_space<vmem>>[vector<16xi32>], vector<16xf32>,
        %mul3A_482 = arith.mulf %gather3A_478, %gather3A_481 : vector<16xf32>
        %add3A_483 = arith.addf %add3A_471, %mul3A_482 : vector<16xf32>
        %mul3A_484 = arith.mulf %gather3A_478, %select_n3A : vector<16xf32>
        %mul3A_485 = arith.mulf %mul3A_484, %mul3A_484 : vector<16xf32>
        %add3A_486 = arith.addf %add3A_474, %mul3A_485 : vector<16xf32>
        %broadcast_in_dim3A_487 = arith.constant 27 : i32
        %broadcast_in_dim3A_488 = vector.broadcast %broadcast_in_dim3A_487 : i32 to vector<16xi32>
        %add3A_489 = arith.addi %sub3A, %broadcast_in_dim3A_488 : vector<16xi32>
        %gather3A_490 = tpu.vector_load_idx %arg16[%add3A_489] : memref<6656xf32, #tpu.memory_space<vmem>>[vector<16xi32>], vector<16xf32>,
        %broadcast_in_dim3A_491 = arith.constant 27 : i32
        %broadcast_in_dim3A_492 = vector.broadcast %broadcast_in_dim3A_491 : i32 to vector<16xi32>
        %gather3A_493 = tpu.vector_load_idx %arg24[%broadcast_in_dim3A_492] : memref<48xf32, #tpu.memory_space<vmem>>[vector<16xi32>], vector<16xf32>,
        %mul3A_494 = arith.mulf %gather3A_490, %gather3A_493 : vector<16xf32>
        %add3A_495 = arith.addf %add3A_483, %mul3A_494 : vector<16xf32>
        %mul3A_496 = arith.mulf %gather3A_490, %select_n3A : vector<16xf32>
        %mul3A_497 = arith.mulf %mul3A_496, %mul3A_496 : vector<16xf32>
        %add3A_498 = arith.addf %add3A_486, %mul3A_497 : vector<16xf32>
        %broadcast_in_dim3A_499 = arith.constant 28 : i32
        %broadcast_in_dim3A_500 = vector.broadcast %broadcast_in_dim3A_499 : i32 to vector<16xi32>
        %add3A_501 = arith.addi %sub3A, %broadcast_in_dim3A_500 : vector<16xi32>
        %gather3A_502 = tpu.vector_load_idx %arg16[%add3A_501] : memref<6656xf32, #tpu.memory_space<vmem>>[vector<16xi32>], vector<16xf32>,
        %broadcast_in_dim3A_503 = arith.constant 28 : i32
        %broadcast_in_dim3A_504 = vector.broadcast %broadcast_in_dim3A_503 : i32 to vector<16xi32>
        %gather3A_505 = tpu.vector_load_idx %arg24[%broadcast_in_dim3A_504] : memref<48xf32, #tpu.memory_space<vmem>>[vector<16xi32>], vector<16xf32>,
        %mul3A_506 = arith.mulf %gather3A_502, %gather3A_505 : vector<16xf32>
        %add3A_507 = arith.addf %add3A_495, %mul3A_506 : vector<16xf32>
        %mul3A_508 = arith.mulf %gather3A_502, %select_n3A : vector<16xf32>
        %mul3A_509 = arith.mulf %mul3A_508, %mul3A_508 : vector<16xf32>
        %add3A_510 = arith.addf %add3A_498, %mul3A_509 : vector<16xf32>
        %broadcast_in_dim3A_511 = arith.constant 29 : i32
        %broadcast_in_dim3A_512 = vector.broadcast %broadcast_in_dim3A_511 : i32 to vector<16xi32>
        %add3A_513 = arith.addi %sub3A, %broadcast_in_dim3A_512 : vector<16xi32>
        %gather3A_514 = tpu.vector_load_idx %arg16[%add3A_513] : memref<6656xf32, #tpu.memory_space<vmem>>[vector<16xi32>], vector<16xf32>,
        %broadcast_in_dim3A_515 = arith.constant 29 : i32
        %broadcast_in_dim3A_516 = vector.broadcast %broadcast_in_dim3A_515 : i32 to vector<16xi32>
        %gather3A_517 = tpu.vector_load_idx %arg24[%broadcast_in_dim3A_516] : memref<48xf32, #tpu.memory_space<vmem>>[vector<16xi32>], vector<16xf32>,
        %mul3A_518 = arith.mulf %gather3A_514, %gather3A_517 : vector<16xf32>
        %add3A_519 = arith.addf %add3A_507, %mul3A_518 : vector<16xf32>
        %mul3A_520 = arith.mulf %gather3A_514, %select_n3A : vector<16xf32>
        %mul3A_521 = arith.mulf %mul3A_520, %mul3A_520 : vector<16xf32>
        %add3A_522 = arith.addf %add3A_510, %mul3A_521 : vector<16xf32>
        %broadcast_in_dim3A_523 = arith.constant 30 : i32
        %broadcast_in_dim3A_524 = vector.broadcast %broadcast_in_dim3A_523 : i32 to vector<16xi32>
        %add3A_525 = arith.addi %sub3A, %broadcast_in_dim3A_524 : vector<16xi32>
        %gather3A_526 = tpu.vector_load_idx %arg16[%add3A_525] : memref<6656xf32, #tpu.memory_space<vmem>>[vector<16xi32>], vector<16xf32>,
        %broadcast_in_dim3A_527 = arith.constant 30 : i32
        %broadcast_in_dim3A_528 = vector.broadcast %broadcast_in_dim3A_527 : i32 to vector<16xi32>
        %gather3A_529 = tpu.vector_load_idx %arg24[%broadcast_in_dim3A_528] : memref<48xf32, #tpu.memory_space<vmem>>[vector<16xi32>], vector<16xf32>,
        %mul3A_530 = arith.mulf %gather3A_526, %gather3A_529 : vector<16xf32>
        %add3A_531 = arith.addf %add3A_519, %mul3A_530 : vector<16xf32>
        %mul3A_532 = arith.mulf %gather3A_526, %select_n3A : vector<16xf32>
        %mul3A_533 = arith.mulf %mul3A_532, %mul3A_532 : vector<16xf32>
        %add3A_534 = arith.addf %add3A_522, %mul3A_533 : vector<16xf32>
        %broadcast_in_dim3A_535 = arith.constant 31 : i32
        %broadcast_in_dim3A_536 = vector.broadcast %broadcast_in_dim3A_535 : i32 to vector<16xi32>
        %add3A_537 = arith.addi %sub3A, %broadcast_in_dim3A_536 : vector<16xi32>
        %gather3A_538 = tpu.vector_load_idx %arg16[%add3A_537] : memref<6656xf32, #tpu.memory_space<vmem>>[vector<16xi32>], vector<16xf32>,
        %broadcast_in_dim3A_539 = arith.constant 31 : i32
        %broadcast_in_dim3A_540 = vector.broadcast %broadcast_in_dim3A_539 : i32 to vector<16xi32>
        %gather3A_541 = tpu.vector_load_idx %arg24[%broadcast_in_dim3A_540] : memref<48xf32, #tpu.memory_space<vmem>>[vector<16xi32>], vector<16xf32>,
        %mul3A_542 = arith.mulf %gather3A_538, %gather3A_541 : vector<16xf32>
        %add3A_543 = arith.addf %add3A_531, %mul3A_542 : vector<16xf32>
        %mul3A_544 = arith.mulf %gather3A_538, %select_n3A : vector<16xf32>
        %mul3A_545 = arith.mulf %mul3A_544, %mul3A_544 : vector<16xf32>
        %add3A_546 = arith.addf %add3A_534, %mul3A_545 : vector<16xf32>
        %broadcast_in_dim3A_547 = arith.constant 32 : i32
        %broadcast_in_dim3A_548 = vector.broadcast %broadcast_in_dim3A_547 : i32 to vector<16xi32>
        %add3A_549 = arith.addi %sub3A, %broadcast_in_dim3A_548 : vector<16xi32>
        %gather3A_550 = tpu.vector_load_idx %arg16[%add3A_549] : memref<6656xf32, #tpu.memory_space<vmem>>[vector<16xi32>], vector<16xf32>,
        %broadcast_in_dim3A_551 = arith.constant 32 : i32
        %broadcast_in_dim3A_552 = vector.broadcast %broadcast_in_dim3A_551 : i32 to vector<16xi32>
        %gather3A_553 = tpu.vector_load_idx %arg24[%broadcast_in_dim3A_552] : memref<48xf32, #tpu.memory_space<vmem>>[vector<16xi32>], vector<16xf32>,
        %mul3A_554 = arith.mulf %gather3A_550, %gather3A_553 : vector<16xf32>
        %add3A_555 = arith.addf %add3A_543, %mul3A_554 : vector<16xf32>
        %mul3A_556 = arith.mulf %gather3A_550, %select_n3A : vector<16xf32>
        %mul3A_557 = arith.mulf %mul3A_556, %mul3A_556 : vector<16xf32>
        %add3A_558 = arith.addf %add3A_546, %mul3A_557 : vector<16xf32>
        %mul3A_559 = arith.mulf %gather3A, %select_n3A : vector<16xf32>
        %swap3A_560 = arith.index_cast %mul3A_167 : i32 to index
        %swap3A_561 = tpu.vector_load %arg21[%swap3A_560] {strides = array<i32>} : memref<208xf32, #tpu.memory_space<vmem>>, vector<16xf32>,
        tpu.vector_store %arg21[%swap3A_560], %add3A_555 {strides = array<i32>} : memref<208xf32, #tpu.memory_space<vmem>>, vector<16xf32>,
        %mul3A_562 = arith.mulf %mul3A_559, %mul3A_559 : vector<16xf32>
        %add3A_563 = arith.addf %scan3A_165, %mul3A_562 : vector<16xf32>
        scf.yield %add3A_558, %add3A_563 : vector<16xf32>, vector<16xf32>
      }
      %scan3A_104 = arith.constant 13 : i32
      %add3A_105 = arith.addf %scan3A_58#2, %scan3A_103#0 : vector<16xf32>
      %add3A_106 = arith.addf %add3A_105, %scan3A_103#1 : vector<16xf32>
      %mul3A = arith.mulf %get3A_76, %get3A_76 : vector<16xf32>
      %add3A_107 = arith.addf %add3A_106, %mul3A : vector<16xf32>
      %mul3A_108 = arith.mulf %get3A_78, %get3A_78 : vector<16xf32>
      %add3A_109 = arith.addf %add3A_107, %mul3A_108 : vector<16xf32>
      %swap3A = arith.constant 16 : index
      %swap3A_110 = tpu.vector_load %arg23[%swap3A] {strides = array<i32>} : memref<32xf32, #tpu.memory_space<vmem>>, vector<16xf32>,
      tpu.vector_store %arg23[%swap3A], %broadcast_in_dim3A_53 {strides = array<i32>} : memref<32xf32, #tpu.memory_space<vmem>>, vector<16xf32>,
      %swap3A_111 = arith.constant 0 : index
      %swap3A_112 = tpu.vector_load %arg23[%swap3A_111] {strides = array<i32>} : memref<32xf32, #tpu.memory_space<vmem>>, vector<16xf32>,
      tpu.vector_store %arg23[%swap3A_111], %add3A_109 {strides = array<i32>} : memref<32xf32, #tpu.memory_space<vmem>>, vector<16xf32>,
      %get3A_113 = arith.constant 1 : index
      %get3A_114 = tpu.vector_load %arg23[%get3A_113] {strides = array<i32>} : memref<32xf32, #tpu.memory_space<vmem>>, vector<16xf32>,
      %add3A_115 = arith.addf %add3A_109, %get3A_114 : vector<16xf32>
      %get3A_116 = arith.constant 2 : index
      %get3A_117 = tpu.vector_load %arg23[%get3A_116] {strides = array<i32>} : memref<32xf32, #tpu.memory_space<vmem>>, vector<16xf32>,
      %add3A_118 = arith.addf %add3A_115, %get3A_117 : vector<16xf32>
      %get3A_119 = arith.constant 3 : index
      %get3A_120 = tpu.vector_load %arg23[%get3A_119] {strides = array<i32>} : memref<32xf32, #tpu.memory_space<vmem>>, vector<16xf32>,
      %add3A_121 = arith.addf %add3A_118, %get3A_120 : vector<16xf32>
      %get3A_122 = arith.constant 4 : index
      %get3A_123 = tpu.vector_load %arg23[%get3A_122] {strides = array<i32>} : memref<32xf32, #tpu.memory_space<vmem>>, vector<16xf32>,
      %add3A_124 = arith.addf %add3A_121, %get3A_123 : vector<16xf32>
      %get3A_125 = arith.constant 5 : index
      %get3A_126 = tpu.vector_load %arg23[%get3A_125] {strides = array<i32>} : memref<32xf32, #tpu.memory_space<vmem>>, vector<16xf32>,
      %add3A_127 = arith.addf %add3A_124, %get3A_126 : vector<16xf32>
      %get3A_128 = arith.constant 6 : index
      %get3A_129 = tpu.vector_load %arg23[%get3A_128] {strides = array<i32>} : memref<32xf32, #tpu.memory_space<vmem>>, vector<16xf32>,
      %add3A_130 = arith.addf %add3A_127, %get3A_129 : vector<16xf32>
      %get3A_131 = arith.constant 7 : index
      %get3A_132 = tpu.vector_load %arg23[%get3A_131] {strides = array<i32>} : memref<32xf32, #tpu.memory_space<vmem>>, vector<16xf32>,
      %add3A_133 = arith.addf %add3A_130, %get3A_132 : vector<16xf32>
      %get3A_134 = arith.constant 8 : index
      %get3A_135 = tpu.vector_load %arg23[%get3A_134] {strides = array<i32>} : memref<32xf32, #tpu.memory_space<vmem>>, vector<16xf32>,
      %add3A_136 = arith.addf %add3A_133, %get3A_135 : vector<16xf32>
      %get3A_137 = arith.constant 9 : index
      %get3A_138 = tpu.vector_load %arg23[%get3A_137] {strides = array<i32>} : memref<32xf32, #tpu.memory_space<vmem>>, vector<16xf32>,
      %add3A_139 = arith.addf %add3A_136, %get3A_138 : vector<16xf32>
      %get3A_140 = arith.constant 10 : index
      %get3A_141 = tpu.vector_load %arg23[%get3A_140] {strides = array<i32>} : memref<32xf32, #tpu.memory_space<vmem>>, vector<16xf32>,
      %add3A_142 = arith.addf %add3A_139, %get3A_141 : vector<16xf32>
      %get3A_143 = arith.constant 11 : index
      %get3A_144 = tpu.vector_load %arg23[%get3A_143] {strides = array<i32>} : memref<32xf32, #tpu.memory_space<vmem>>, vector<16xf32>,
      %add3A_145 = arith.addf %add3A_142, %get3A_144 : vector<16xf32>
      %get3A_146 = arith.constant 12 : index
      %get3A_147 = tpu.vector_load %arg23[%get3A_146] {strides = array<i32>} : memref<32xf32, #tpu.memory_space<vmem>>, vector<16xf32>,
      %add3A_148 = arith.addf %add3A_145, %get3A_147 : vector<16xf32>
      %get3A_149 = arith.constant 13 : index
      %get3A_150 = tpu.vector_load %arg23[%get3A_149] {strides = array<i32>} : memref<32xf32, #tpu.memory_space<vmem>>, vector<16xf32>,
      %add3A_151 = arith.addf %add3A_148, %get3A_150 : vector<16xf32>
      %get3A_152 = arith.constant 14 : index
      %get3A_153 = tpu.vector_load %arg23[%get3A_152] {strides = array<i32>} : memref<32xf32, #tpu.memory_space<vmem>>, vector<16xf32>,
      %add3A_154 = arith.addf %add3A_151, %get3A_153 : vector<16xf32>
      %get3A_155 = arith.constant 15 : index
      %get3A_156 = tpu.vector_load %arg23[%get3A_155] {strides = array<i32>} : memref<32xf32, #tpu.memory_space<vmem>>, vector<16xf32>,
      %add3A_157 = arith.addf %add3A_154, %get3A_156 : vector<16xf32>
      %broadcast_in_dim3A_158 = arith.constant 5.000000e-01 : f32
      %broadcast_in_dim3A_159 = vector.broadcast %broadcast_in_dim3A_158 : f32 to vector<16xf32>
      %mul3A_160 = arith.mulf %add3A_157, %broadcast_in_dim3A_159 : vector<16xf32>
      %swap3A_161 = arith.constant 0 : index
      %swap3A_162 = tpu.vector_load %arg22[%swap3A_161] {strides = array<i32>} : memref<16xf32, #tpu.memory_space<vmem>>, vector<16xf32>,
      tpu.vector_store %arg22[%swap3A_161], %mul3A_160 {strides = array<i32>} : memref<16xf32, #tpu.memory_space<vmem>>, vector<16xf32>,
      "tpu.region"() ({
        %run_scoped3A = tpu.sem_alloc : memref<!tpu.dma_semaphore, #tpu.memory_space<semaphore_mem>>
        %dma_start3A_163 = arith.constant 0 : i32
        %dma_start3A_164 = tpu.memref_slice %arg21[%dma_start3A_163] : memref<208xf32, #tpu.memory_space<vmem>> -> memref<200xf32, #tpu.memory_space<vmem>>
        %dma_start3A_165 = arith.constant 0 : i32
        %dma_start3A_166 = tpu.memref_slice %arg21[%dma_start3A_165] : memref<208xf32, #tpu.memory_space<vmem>> -> memref<200xf32, #tpu.memory_space<vmem>>
        tpu.enqueue_dma source(%dma_start3A_166 : memref<200xf32, #tpu.memory_space<vmem>>) target(%arg10 : memref<200xf32, #tpu.memory_space<hbm>>) target_semaphore(%run_scoped3A : memref<!tpu.dma_semaphore, #tpu.memory_space<semaphore_mem>>)
        %dma_wait3A_167 = arith.constant 0 : i32
        %dma_wait3A_168 = tpu.memref_slice %arg21[%dma_wait3A_167] : memref<208xf32, #tpu.memory_space<vmem>> -> memref<200xf32, #tpu.memory_space<vmem>>
        %dma_wait3A_169 = arith.constant 0 : i32
        %dma_wait3A_170 = tpu.memref_slice %arg21[%dma_wait3A_169] : memref<208xf32, #tpu.memory_space<vmem>> -> memref<200xf32, #tpu.memory_space<vmem>>
        tpu.wait_dma2 semaphore(%run_scoped3A : memref<!tpu.dma_semaphore, #tpu.memory_space<semaphore_mem>>) src(%dma_wait3A_170 : memref<200xf32, #tpu.memory_space<vmem>>) dst(%arg10 : memref<200xf32, #tpu.memory_space<hbm>>)
        tpu.yield
      }) : () -> ()
      "tpu.region"() ({
        %run_scoped3A = tpu.sem_alloc : memref<!tpu.dma_semaphore, #tpu.memory_space<semaphore_mem>>
        tpu.enqueue_dma source(%arg22 : memref<16xf32, #tpu.memory_space<vmem>>) target(%arg11 : memref<16xf32, #tpu.memory_space<hbm>>) target_semaphore(%run_scoped3A : memref<!tpu.dma_semaphore, #tpu.memory_space<semaphore_mem>>)
        tpu.wait_dma2 semaphore(%run_scoped3A : memref<!tpu.dma_semaphore, #tpu.memory_space<semaphore_mem>>) src(%arg22 : memref<16xf32, #tpu.memory_space<vmem>>) dst(%arg11 : memref<16xf32, #tpu.memory_space<hbm>>)
        tpu.yield
      }) : () -> ()
    } else {
    }
    return
  }
}

</mosaic_0001>

<sc_bundles>
// kernel: _cdae_sc.3.cloned.1.call-start
scs
__scs_entry_jumppad:
0x0: {  	(pc) =	sbr.rel $0x88, $3  }
0x1: {  	(tag) =	ssettag $0x0;
	lr =	simm.s32 $0x1  }
0x2: {  	[smem:$0x3F99] =	sst lr;
	_ =	strace $0xD0000000  }
0x3: {  	_ = 	snop  }
0x4: {  	_ = 	snop  }
0x5: {  	_ = 	snop  }
0x6: {  	_ = 	snop  }
0x7: {  	_ = 	snop  }
__scs_overlays_trampoline_lowered:
0x8: {  	[smem:$0x3FA8] =	sst s0  }
0x9: {  	[smem:$0x3FA9] =	sst s1  }
0xa: {  	[smem:$0x3FAA] =	sst s2  }
0xb: {  	[smem:$0x3FAB] =	sst s3  }
0xc: {  	[smem:$0x3FAC] =	sst s4  }
0xd: {  	[smem:$0x3FAD] =	sst s5  }
0xe: {  	[smem:$0x3FAE] =	sst s6  }
0xf: {  	[smem:$0x3FAF] =	sst s7  }
0x10: {  	[smem:$0x3FB0] =	sst s8  }
0x11: {  	[smem:$0x3FB1] =	sst s9;
	s0 =	simm.s32 @!p0 $0x0  }
0x12: {  	s1 =	sld [smem:$0x3F97];
	s0 =	simm.s32 @p0 $0x1  }
0x13: {  	[smem:$0x3FB2] =	sst s0;
	s0 =	simm.s32 @!p1 $0x0  }
0x14: {  	s2 =	sld [smem:$0x3F96];
	s0 =	simm.s32 @p1 $0x1  }
0x15: {  	[smem:$0x3FB3] =	sst s0;
	s0 =	simm.s32 @!p2 $0x0  }
0x16: {  	s3 =	sld [smem:$0x3FDB];
	s0 =	simm.s32 @p2 $0x1  }
0x17: {  	s4 =	simm.s32 $0x1BF5;
	[smem:$0x3FB5] =	sst s0  }
0x18: {  	s0 =	sld [smem:$0x3F98];
	_ =	swait.ge [sflag:s4], $0x0  }
0x19: {  	s7 =	sld [smem:$0x3F99]  }
0x1a: {  	s8 =	sadd.s32 $0xFFFFE003, lr  }
0x1b: {  	s9 =	sadd.s32 $0xFFFFFEF7, lr;
	s5 =	simm.s32 $0xFFFFFFFF;
	p2 =	slt.u32 s8, $0xFFFFF086  }
0x1c: {  	p1 =	slt.u32 s9, $0xF7A;
	s5 =	simm.s32 @!p2 $0x0  }
0x1d: {  	s5 =	simm.s32 @p1 $0x1;
	p0 =	seq.s32 s7, s2  }
0x1e: {  	s7 =	smul.u32 @!p0 $0xF7A, s2;
	p2 =	seq.s32 @!p0 s5, $0x0  }
0x1f: {  	s9 =	smul.u32 $0xF7A, s1;
	s8 =	simm.s32 @!p0 $0x1BF5;
	p2 =	por !p2, p0  }
0x20: {  	[sflag:s8] =	ssyncset.s32 @!p0 $0xFFFFF086;
	s6 =	sadd.s32 @!p0 s3, s7;
	s7 =	simm.s32 @!p0 $0x108  }
0x21: {  	s3 =	sadd.s32 s3, s9;
	s6 =	sadd.s32 @!p0 $0x88, s6;
	s7 =	simm.s32 @p2 $0x1082  }
0x22: {  	[simem:s7], [sflag:s8] =	dma.local @!p0 [hbm:s6], $0xF7A  }
0x23: {  	s9 =	sor.u32 $0xD0000000, s2;
	s6 =	simm.s32 $0x108;
	_ =	swait.ge @!p0 [sflag:s8], $0x0  }
0x24: {  	s3 =	sadd.s32 $0x88, s3;
	s6 =	simm.s32 @!p1 $0x1082;
	[sflag:s4] =	ssyncset.s32 $0xFFFFF086  }
0x25: {  	[simem:s6], [sflag:s4] =	dma.local [hbm:s3], $0xF7A  }
0x26: {  	[smem:$0x3F99] =	sst s1;
	(tag) =	ssettag s2;
	_ =	strace s9  }
0x27: {  	s1 =	sld [smem:$0x3FA9]  }
0x28: {  	s2 =	sld [smem:$0x3FAA]  }
0x29: {  	s4 =	sld [smem:$0x3FAC]  }
0x2a: {  	p0 =	seq.s32 s5, $0x0;
	s5 =	sld [smem:$0x3FAD]  }
0x2b: {  	s6 =	sld [smem:$0x3FAE]  }
0x2c: {  	s7 =	sld [smem:$0x3FAF]  }
0x2d: {  	s3 =	simm.s32 $0x108;
	s8 =	sld [smem:$0x3FB0]  }
0x2e: {  	s3 =	simm.s32 @!p0 $0x1082;
	s9 =	sld [smem:$0x3FB1]  }
0x2f: {  	lr =	sadd.s32 s0, s3;
	s0 =	sld [smem:$0x3FA8]  }
0x30: {  	s3 =	sld [smem:$0x3FAB]  }
0x31: {  	[smem:$0x3FB4] =	sst s10  }
0x32: {  	s10 =	sld [smem:$0x3FB2];
	_ =	sdelay $0x3  }
0x33: {  	p0 =	seq.s32 s10, $0x1;
	s10 =	sld [smem:$0x3FB4];
	_ =	sdelay $0x3  }
0x34: {  	[smem:$0x3FB4] =	sst s10  }
0x35: {  	s10 =	sld [smem:$0x3FB3];
	_ =	sdelay $0x3  }
0x36: {  	p1 =	seq.s32 s10, $0x1;
	s10 =	sld [smem:$0x3FB4];
	_ =	sdelay $0x3  }
0x37: {  	[smem:$0x3FB4] =	sst s10  }
0x38: {  	s10 =	sld [smem:$0x3FB5]  }
0x39: {  	_ = 	snop;
	(pc) =	sbr.ind lr, $3  }
0x3a: {  	_ = 	snop  }
0x3b: {  	_ = 	snop  }
0x3c: {  	p2 =	seq.s32 s10, $0x1;
	s10 =	sld [smem:$0x3FB4]  }
0x3d: {  	_ =	shalt  }
0x3e: {  	_ =	shalt  }
0x3f: {  	_ =	shalt  }
0x40: {  	_ =	shalt  }
0x41: {  	_ =	shalt  }
0x42: {  	_ =	shalt  }
0x43: {  	_ =	shalt  }
0x44: {  	_ =	shalt  }
0x45: {  	_ =	shalt  }
0x46: {  	_ =	shalt  }
0x47: {  	_ =	shalt  }
0x48: {  	_ =	shalt  }
0x49: {  	_ =	shalt  }
0x4a: {  	_ =	shalt  }
0x4b: {  	_ =	shalt  }
0x4c: {  	_ =	shalt  }
0x4d: {  	_ =	shalt  }
0x4e: {  	_ =	shalt  }
0x4f: {  	_ =	shalt  }
0x50: {  	_ =	shalt  }
0x51: {  	_ =	shalt  }
0x52: {  	_ =	shalt  }
0x53: {  	_ =	shalt  }
0x54: {  	_ =	shalt  }
0x55: {  	_ =	shalt  }
0x56: {  	_ =	shalt  }
0x57: {  	_ =	shalt  }
0x58: {  	_ =	shalt  }
0x59: {  	_ =	shalt  }
0x5a: {  	_ =	shalt  }
0x5b: {  	_ =	shalt  }
0x5c: {  	_ =	shalt  }
0x5d: {  	_ =	shalt  }
0x5e: {  	_ =	shalt  }
0x5f: {  	_ =	shalt  }
0x60: {  	_ =	shalt  }
0x61: {  	_ =	shalt  }
0x62: {  	_ =	shalt  }
0x63: {  	_ =	shalt  }
0x64: {  	_ =	shalt  }
0x65: {  	_ =	shalt  }
0x66: {  	_ =	shalt  }
0x67: {  	_ =	shalt  }
0x68: {  	_ =	shalt  }
0x69: {  	_ =	shalt  }
0x6a: {  	_ =	shalt  }
0x6b: {  	_ =	shalt  }
0x6c: {  	_ =	shalt  }
0x6d: {  	_ =	shalt  }
0x6e: {  	_ =	shalt  }
0x6f: {  	_ =	shalt  }
0x70: {  	_ =	shalt  }
0x71: {  	_ =	shalt  }
0x72: {  	_ =	shalt  }
0x73: {  	_ =	shalt  }
0x74: {  	_ =	shalt  }
0x75: {  	_ =	shalt  }
0x76: {  	_ =	shalt  }
0x77: {  	_ =	shalt  }
0x78: {  	_ =	shalt  }
0x79: {  	_ =	shalt  }
0x7a: {  	_ =	shalt  }
0x7b: {  	_ =	shalt  }
0x7c: {  	_ =	shalt  }
0x7d: {  	_ =	shalt  }
0x7e: {  	_ =	shalt  }
0x7f: {  	_ =	shalt  }
0x80: {  	_ =	shalt  }
0x81: {  	_ =	shalt  }
0x82: {  	_ =	shalt  }
0x83: {  	_ =	shalt  }
0x84: {  	_ =	shalt  }
0x85: {  	_ =	shalt  }
0x86: {  	_ =	shalt  }
0x87: {  	_ =	shalt  }
.Lfunc_end0:
.L_simem_size_0:
called_computation_lowered:
.L_overlay_start_0:
0x88: {  	s2 =	sld [smem:$0x3FD9]  }
0x89: {  	s3 =	sld [smem:$0x3FFE];
	_ =	sdelay $0x1  }
0x8a: {  	s1 =	srdreg.scid  }
0x8b: {  	s0 =	sand.u32 $0x1, s1  }
0x8c: {  	s14 =	sshll.u32 s0, $0xA;
	s2 =	sadd.s32 s3, s2  }
0x8d: {  	s2 =	sadd.s32 s2, s14  }
0x8e: {  	[smem:$0x3FC0] =	sst s2  }
0x8f: {  	_ = 	snop  }
0x90: {  	s2 =	sld [smem:$0x3FC9]  }
0x91: {  	s15 =	sld [smem:$0x3FD0]  }
0x92: {  	s4 =	sld [smem:$0x3FC8]  }
0x93: {  	s5 =	sld [smem:$0x3FC7]  }
0x94: {  	s7 =	simm.s32 $0xA;
	s8 =	simm.s32 $0x10;
	s6 =	sld [smem:$0x3FC5]  }
0x95: {  	[smem:s8], [sflag:s7] =	dma.local [hbm:s15], $0x1  }
0x96: {  	_ =	swait.eq [sflag:s7], $0x1  }
0x97: {  	[sflag:s7] =	ssyncset.done $0x0  }
0x98: {  	s16 =	sld [smem:$0x10];
	[sflag:s7] =	ssyncadd.s32 $0xFFFFFFFF  }
0x99: {  	s17 =	sld [smem:$0x11];
	(tm) =	ssettm $0x1  }
0x9a: {  	s18 =	sld [smem:$0x3FFB];
	_ =	sdelay $0x3  }
0x9b: {  	_ =	strace s18  }
0x9c: {  	s8 =	sld [smem:$0x3FFC];
	_ =	sdelay $0x3  }
0x9d: {  	_ =	strace s8  }
0x9e: {  	s8 =	sld [smem:$0x3FFD];
	_ =	sdelay $0x3  }
0x9f: {  	_ =	strace s8  }
0xa0: {  	_ =	strace $0x8FFFFFFF  }
0xa1: {  	s19 =	sld [smem:$0x3FDB];
	_ =	sdelay $0x1  }
0xa2: {  	s9 =	simm.s32 $_scs_section_size  }
0xa3: {  	s10 =	simm.s32 $_size__tile_overlayer_lowered;
	s11 =	simm.s32 $_tile_overlayer_lowered  }
0xa4: {  	s22 =	simm.s32 $0x1BFF;
	s21 =	sshll.u32 s11, $0x1;
	s8 =	sadd.s32 s9, s19  }
0xa5: {  	s12 =	simm.s32 $0x0;
	s20 =	sshll.u32 s10, $0x1;
	s10 =	sadd.s32 s21, s8  }
0xa6: {  	[timem:s12], [sflag:s22] =	dma.local [hbm:s10], s20  }
0xa7: {  	_ =	swait.ge [sflag:s22], s20  }
0xa8: {  	s9 =	ssub.s32 $0x0, s20;
	[sflag:s22] =	ssyncset.done $0x0  }
0xa9: {  	[sflag:s22] =	ssyncadd.s32 s9;
	_ =	sdelay $0x1  }
0xaa: {  	s23 =	simm.s32 $0x1B8B  }
0xab: {  	_ =	swait.ge [sflag:s23], $0x1  }
0xac: {  	[sflag:s23] =	ssyncset.done $0x0  }
0xad: {  	s25 =	simm.s32 $0x1B8E;
	s24 =	sld [smem:$0x3FFE];
	[sflag:s23] =	ssyncadd.s32 $0xFFFFFFFF  }
0xae: {  	s26 =	simm.s32 $execute0_lowered;
	[smem:$0x3FD2] =	sst s25  }
0xaf: {  	s10 =	sshll.u32 s26, $0x1;
	_ =	strace $0x80000046;
	[dreg:$0x1] =	wrdreg $0xFFFFFFFF  }
0xb0: {  	s28 =	simm.s32 $_size_execute0_lowered;
	s8 =	sadd.s32 s8, s10;
	[dreg:$0x0] =	wrdreg $0x0  }
0xb1: {  	s10 =	sshll.u32 s28, $0x1;
	[dreg:$0x2] =	wrdreg s8  }
0xb2: {  	[dreg:$0x3] =	wrdreg s10  }
0xb3: {  	[dreg:$0x4] =	wrdreg $0xC0  }
0xb4: {  	_ =	task [dreg:s12], $0x5FFFF  }
0xb5: {  	[dreg:$0x1] =	wrdreg $0xFFFFFFFF  }
0xb6: {  	[dreg:$0x0] =	wrdreg $0x60  }
0xb7: {  	[dreg:$0x2] =	wrdreg s2  }
0xb8: {  	[dreg:$0x3] =	wrdreg s4  }
0xb9: {  	[dreg:$0x4] =	wrdreg s5  }
0xba: {  	[dreg:$0x5] =	wrdreg s24  }
0xbb: {  	[dreg:$0x6] =	wrdreg s6  }
0xbc: {  	[dreg:$0x7] =	wrdreg s16  }
0xbd: {  	[dreg:$0x8] =	wrdreg s17  }
0xbe: {  	[dreg:$0x9] =	wrdreg $0x9  }
0xbf: {  	_ =	task.clear_ibuf [dreg:s12], $0xAFFFF;
	_ =	strace $0x90000046  }
0xc0: {  	s29 =	simm.s32 $0x9;
	_ =	strace $0x80000048  }
0xc1: {  	_ =	swait.ge [sflag:s29], $0x1  }
0xc2: {  	[sflag:s29] =	ssyncadd.s32 $0xFFFFFFFF  }
0xc3: {  	_ =	strace $0x90000048  }
0xc4: {  	_ =	sfence  }
0xc5: {  	s30 =	sld [smem:$0x0];
	_ =	sdelay $0x2  }
0xc6: {  	s31 =	sshll.u32 s1, $0xD;
	s1 =	sshrl.u32 s1, $0x2  }
0xc7: {  	s3 =	sand.u32 $0x4000, s31;
	s1 =	sadd.s32 s1, s30  }
0xc8: {  	s0 =	sor.u32 s3, s0;
	s1 =	sshll.u32 s1, $0x11  }
0xc9: {  	s0 =	sor.u32 s1, s0  }
0xca: {  	s0 =	sadd.s32 $0x8F2B, s0  }
0xcb: {  	[sflag:s0] =	ssyncadd.remote.s32 $0x1  }
0xcc: {  	_ =	sfence.sel $0xFFFF  }
0xcd: {  	[dreg:$0x0] =	wrdreg $0xFFFFFFFF;
	(pc) =	sbr.abs _section_cstart, $3  }
0xce: {  	[dreg:$0x1] =	wrdreg $0xFFFFFFFF  }
0xcf: {  	_ =	task.clear_ibuf [dreg:s12], $0x2FFFF;
	_ =	strace $0x9FFFFFFF  }
0xd0: {  	(tm) =	ssettm $0x7FFFFFFF  }
0xd1: {  	_ =	shalt  }
tec
execute0_lowered:
.L_overlay_start_1:
0x0: {  	(tag) =	ssettag $0x1  }
0x1: {  	s5 =	srdreg.scid  }
0x2: {  	s0 =	stileid.u32;
	s5 =	sand.u32 $0x1, s5  }
0x3: {  	s1 =	rddreg [dreg:$0x1];
	s9 =	sor.u32 s0, s5  }
0x4: {  	s2 =	rddreg [dreg:$0x2];
	p0 =	sne.s32 s9, $0x0  }
.Ltmp0:
0x5: {  	s3 =	rddreg [dreg:$0x3];
	(pc) =	sbr.rel @p0 .LBB2_9-.Ltmp0, $4  }
0x6: {  	s4 =	rddreg [dreg:$0x4]  }
0x7: {  	s6 =	rddreg [dreg:$0x5];
	s8 =	simm.s32 $0x0  }
0x8: {  	[smem:$0x7FF] =	sst s8  }
0x9: {  	s7 =	rddreg [dreg:$0x6];
	_ =	strace $0x80000047  }
0xa: {  	v0 =	vlaneseq.u32;
	v3 =	vimm.s32 $0x5;
	v4 =	vimm.f32 $0.0e+00  }
0xb: {  	v5 =	vimm.s32 $0x7;
	v6 =	vimm.s32 $0x1;
	v7 =	vimm.s32 $0x2  }
0xc: {  	v8 =	vimm.s32 $0x3;
	v9 =	vimm.s32 $0x4;
	v10 =	vimm.s32 $0x6  }
0xd: {  	v11 =	vimm.s32 $0x8;
	v12 =	vimm.s32 $0x9;
	v13 =	vimm.s32 $0xA  }
0xe: {  	v14 =	vimm.s32 $0xB;
	v15 =	vimm.s32 $0xC;
	v16 =	vimm.s32 $0xD  }
0xf: {  	v17 =	vimm.s32 $0xE;
	v18 =	vimm.s32 $0xF;
	v19 =	vimm.s32 $0x10  }
0x10: {  	s9 =	sadd.s32 $0x187200, s3;
	v20 =	vimm.s32 $0x11;
	v21 =	vimm.s32 $0x12;
	v22 =	vimm.s32 $0x13  }
0x11: {  	s10 =	sadd.s32 $0x10C9600, s3;
	v23 =	vimm.s32 $0x14;
	v24 =	vimm.s32 $0x15;
	v25 =	vimm.s32 $0x16  }
0x12: {  	s5 =	ssub.s32 $0x2, s5;
	s11 =	sadd.s32 $0x200BA00, s3;
	v26 =	vimm.s32 $0x17;
	v27 =	vimm.s32 $0x18;
	v28 =	vimm.s32 $0x19  }
0x13: {  	s12 =	sadd.s32 $0x800, s3;
	s14 =	simm.s32 $0x2;
	s18 =	simm.s32 $0x1;
	v29 =	vimm.s32 $0x1A;
	v30 =	vimm.s32 $0x1B;
	v31 =	vimm.s32 $0x1C  }
0x14: {  	s19 =	simm.s32 $0x15780;
	s20 =	simm.s32 $0xEC00;
	v32 =	vimm.s32 $0x1D;
	v33 =	vimm.s32 $0x1E;
	v34 =	vimm.s32 $0x1F;
	s31 =	sshrl.u32 s5, $0x1  }
0x15: {  	s21 =	simm.s32 $0xD200;
	v35 =	vimm.s32 $0x20;
	s24 =	simm.s32 $0x0;
	v1 =	vadd.s32 $0x1, v0;
	v2 =	vadd.s32 $0x11, v0;
	s13 =	ssub.s32 s5, s31  }
.LBB2_2:
0x16: {  	s3 =	simm.s32 $0x0  }
0x17: {  	[tilespmem:s3], [sflag:$0x2] =	stream.linear.gather [hbm4b:s1+s3], $0x100, $0x38;
	[tilespmem:$0x15800] =	vst v63  }
0x18: {  	_ =	swait.ge [sflag:s14], $0x100  }
0x19: {  	[sflag:s14] =	ssyncset.done $0x0  }
0x1a: {  	s25 =	simm.s32 $0x100;
	[sflag:s14] =	ssyncadd.s32 $0xFFFFFF00  }
0x1b: {  	[tilespmem:s25], [sflag:$0x2] =	stream.linear.gather [hbm4b:s2+s3], $0x100, $0x38;
	[tilespmem:$0x15800] =	vst v63  }
0x1c: {  	_ =	swait.ge [sflag:s14], $0x100  }
0x1d: {  	[sflag:s14] =	ssyncset.done $0x0  }
0x1e: {  	s0 =	simm.s32 $0x15500;
	[sflag:s14] =	ssyncadd.s32 $0xFFFFFF00  }
0x1f: {  	[tilespmem:s0], [sflag:$0x2] =	stream.linear.gather [hbm4b:s4+s3], $0x80, $0x38;
	[tilespmem:$0x15800] =	vst v63  }
0x20: {  	_ =	swait.ge [sflag:s14], $0x80  }
0x21: {  	[sflag:s14] =	ssyncset.done $0x0  }
0x22: {  	[sflag:s14] =	ssyncadd.s32 $0xFFFFFF80  }
0x23: {  	s5 =	simm.s32 $0x15400;
	s28 =	rddreg [dreg:$0x0]  }
0x24: {  	[tilespmem:s5], [sflag:$0x2] =	stream.linear.gather [hbm4b:s28+s3], $0x80, $0x38;
	[tilespmem:$0x15800] =	vst v63  }
0x25: {  	_ =	swait.ge [sflag:s14], $0x80  }
0x26: {  	[sflag:s14] =	ssyncset.done $0x0  }
0x27: {  	[sflag:s14] =	ssyncadd.s32 $0xFFFFFF80  }
0x28: {  	v36 =	vld [tilespmem:s25+$0x0];
	_ =	sdelay $0x4  }
0x29: {  	v36 =	vshll.u32 v36, $0x4  }
0x2a: {  	(v2sf) =	vpush v36, $0x0;
	_ =	sdelay $0x3  }
0x2b: {  	(v2sf) =	vpush v36, $0x1;
	_ =	sdelay $0x5  }
0x2c: {  	(v2sf) =	vpush v36, $0x2;
	_ =	sdelay $0x4  }
0x2d: {  	s29 =	spop (v2sf)  }
0x2e: {  	(v2sf) =	vpush v36, $0x3;
	s3 =	sand.u32 $0x1FFFFFF0, s29  }
0x2f: {  	s15 =	simm.s32 $0x200;
	s30 =	sadd.s32 s9, s3  }
0x30: {  	[tilespmem:s15], [sflag:$0x1] =	stream.linear.gather [hbm4b:s30+s8], $0x80, $0x38;
	[tilespmem:$0x15800] =	vst v63  }
0x31: {  	s0 =	simm.s32 $0x6A00;
	s31 =	spop (v2sf);
	s16 =	sadd.s32 s10, s3  }
0x32: {  	[tilespmem:s0], [sflag:$0x1] =	stream.linear.gather [hbm4b:s16+s8], $0x80, $0x38;
	[tilespmem:$0x15800] =	vst v63  }
0x33: {  	s5 =	sand.u32 $0x1FFFFFF0, s31;
	s3 =	sadd.s32 s11, s3;
	s16 =	simm.s32 $0xEC00  }
0x34: {  	(v2sf) =	vpush v36, $0x4;
	[tilespmem:s16], [sflag:$0x1] =	stream.linear.gather [hbm4b:s3+s8], $0x80, $0x38;
	[tilespmem:$0x15800] =	vst v63  }
0x35: {  	s17 =	simm.s32 $0x280;
	s22 =	sadd.s32 s9, s5  }
0x36: {  	[tilespmem:s17], [sflag:$0x1] =	stream.linear.gather [hbm4b:s22+s8], $0x80, $0x38;
	[tilespmem:$0x15800] =	vst v63  }
0x37: {  	s26 =	simm.s32 $0x6A80;
	s23 =	spop (v2sf);
	s28 =	sadd.s32 s10, s5  }
0x38: {  	[tilespmem:s26], [sflag:$0x1] =	stream.linear.gather [hbm4b:s28+s8], $0x80, $0x38;
	[tilespmem:$0x15800] =	vst v63  }
0x39: {  	s29 =	simm.s32 $0xEC80;
	s5 =	sadd.s32 s11, s5;
	s3 =	sand.u32 $0x1FFFFFF0, s23  }
0x3a: {  	(v2sf) =	vpush v36, $0x5;
	[tilespmem:s29], [sflag:$0x1] =	stream.linear.gather [hbm4b:s5+s8], $0x80, $0x38;
	[tilespmem:$0x15800] =	vst v63  }
0x3b: {  	s30 =	simm.s32 $0x300;
	s31 =	sadd.s32 s9, s3  }
0x3c: {  	[tilespmem:s30], [sflag:$0x1] =	stream.linear.gather [hbm4b:s31+s8], $0x80, $0x38;
	[tilespmem:$0x15800] =	vst v63  }
0x3d: {  	s17 =	simm.s32 $0x6B00;
	s22 =	sadd.s32 s10, s3;
	s0 =	spop (v2sf)  }
0x3e: {  	[tilespmem:s17], [sflag:$0x1] =	stream.linear.gather [hbm4b:s22+s8], $0x80, $0x38;
	[tilespmem:$0x15800] =	vst v63  }
0x3f: {  	s23 =	simm.s32 $0xED00;
	s3 =	sadd.s32 s11, s3;
	s5 =	sand.u32 $0x1FFFFFF0, s0  }
0x40: {  	(v2sf) =	vpush v36, $0x6;
	[tilespmem:s23], [sflag:$0x1] =	stream.linear.gather [hbm4b:s3+s8], $0x80, $0x38;
	[tilespmem:$0x15800] =	vst v63  }
0x41: {  	s26 =	simm.s32 $0x380;
	s28 =	sadd.s32 s9, s5  }
0x42: {  	[tilespmem:s26], [sflag:$0x1] =	stream.linear.gather [hbm4b:s28+s8], $0x80, $0x38;
	[tilespmem:$0x15800] =	vst v63  }
0x43: {  	s30 =	simm.s32 $0x6B80;
	s29 =	spop (v2sf);
	s31 =	sadd.s32 s10, s5  }
0x44: {  	[tilespmem:s30], [sflag:$0x1] =	stream.linear.gather [hbm4b:s31+s8], $0x80, $0x38;
	[tilespmem:$0x15800] =	vst v63  }
0x45: {  	s0 =	simm.s32 $0xED80;
	s5 =	sadd.s32 s11, s5;
	s3 =	sand.u32 $0x1FFFFFF0, s29  }
0x46: {  	(v2sf) =	vpush v36, $0x7;
	[tilespmem:s0], [sflag:$0x1] =	stream.linear.gather [hbm4b:s5+s8], $0x80, $0x38;
	[tilespmem:$0x15800] =	vst v63  }
0x47: {  	s15 =	simm.s32 $0x400;
	s16 =	sadd.s32 s9, s3  }
0x48: {  	[tilespmem:s15], [sflag:$0x1] =	stream.linear.gather [hbm4b:s16+s8], $0x80, $0x38;
	[tilespmem:$0x15800] =	vst v63  }
0x49: {  	s17 =	spop (v2sf);
	s22 =	simm.s32 $0x6C00;
	s23 =	sadd.s32 s10, s3  }
0x4a: {  	[tilespmem:s22], [sflag:$0x1] =	stream.linear.gather [hbm4b:s23+s8], $0x80, $0x38;
	[tilespmem:$0x15800] =	vst v63  }
0x4b: {  	s3 =	sadd.s32 s11, s3;
	s26 =	simm.s32 $0xEE00;
	s5 =	sand.u32 $0x1FFFFFF0, s17  }
0x4c: {  	(v2sf) =	vpush v36, $0x8;
	[tilespmem:s26], [sflag:$0x1] =	stream.linear.gather [hbm4b:s3+s8], $0x80, $0x38;
	[tilespmem:$0x15800] =	vst v63  }
0x4d: {  	s28 =	simm.s32 $0x480;
	s29 =	sadd.s32 s9, s5  }
0x4e: {  	[tilespmem:s28], [sflag:$0x1] =	stream.linear.gather [hbm4b:s29+s8], $0x80, $0x38;
	[tilespmem:$0x15800] =	vst v63  }
0x4f: {  	s31 =	simm.s32 $0x6C80;
	s0 =	sadd.s32 s10, s5;
	s30 =	spop (v2sf)  }
0x50: {  	[tilespmem:s31], [sflag:$0x1] =	stream.linear.gather [hbm4b:s0+s8], $0x80, $0x38;
	[tilespmem:$0x15800] =	vst v63  }
0x51: {  	s5 =	sadd.s32 s11, s5;
	s16 =	simm.s32 $0xEE80;
	s3 =	sand.u32 $0x1FFFFFF0, s30  }
0x52: {  	(v2sf) =	vpush v36, $0x9;
	[tilespmem:s16], [sflag:$0x1] =	stream.linear.gather [hbm4b:s5+s8], $0x80, $0x38;
	[tilespmem:$0x15800] =	vst v63  }
0x53: {  	s17 =	simm.s32 $0x500;
	s22 =	sadd.s32 s9, s3  }
0x54: {  	[tilespmem:s17], [sflag:$0x1] =	stream.linear.gather [hbm4b:s22+s8], $0x80, $0x38;
	[tilespmem:$0x15800] =	vst v63  }
0x55: {  	s23 =	spop (v2sf);
	s26 =	simm.s32 $0x6D00;
	s28 =	sadd.s32 s10, s3  }
0x56: {  	[tilespmem:s26], [sflag:$0x1] =	stream.linear.gather [hbm4b:s28+s8], $0x80, $0x38;
	[tilespmem:$0x15800] =	vst v63  }
0x57: {  	s29 =	simm.s32 $0xEF00;
	s3 =	sadd.s32 s11, s3;
	s5 =	sand.u32 $0x1FFFFFF0, s23  }
0x58: {  	(v2sf) =	vpush v36, $0xA;
	[tilespmem:s29], [sflag:$0x1] =	stream.linear.gather [hbm4b:s3+s8], $0x80, $0x38;
	[tilespmem:$0x15800] =	vst v63  }
0x59: {  	s30 =	simm.s32 $0x580;
	s31 =	sadd.s32 s9, s5  }
0x5a: {  	[tilespmem:s30], [sflag:$0x1] =	stream.linear.gather [hbm4b:s31+s8], $0x80, $0x38;
	[tilespmem:$0x15800] =	vst v63  }
0x5b: {  	s0 =	spop (v2sf);
	s17 =	simm.s32 $0x6D80;
	s22 =	sadd.s32 s10, s5  }
0x5c: {  	[tilespmem:s17], [sflag:$0x1] =	stream.linear.gather [hbm4b:s22+s8], $0x80, $0x38;
	[tilespmem:$0x15800] =	vst v63  }
0x5d: {  	s23 =	simm.s32 $0xEF80;
	s5 =	sadd.s32 s11, s5;
	s3 =	sand.u32 $0x1FFFFFF0, s0  }
0x5e: {  	(v2sf) =	vpush v36, $0xB;
	[tilespmem:s23], [sflag:$0x1] =	stream.linear.gather [hbm4b:s5+s8], $0x80, $0x38;
	[tilespmem:$0x15800] =	vst v63  }
0x5f: {  	s26 =	simm.s32 $0x600;
	s28 =	sadd.s32 s9, s3  }
0x60: {  	[tilespmem:s26], [sflag:$0x1] =	stream.linear.gather [hbm4b:s28+s8], $0x80, $0x38;
	[tilespmem:$0x15800] =	vst v63  }
0x61: {  	s29 =	spop (v2sf);
	s30 =	simm.s32 $0x6E00;
	s31 =	sadd.s32 s10, s3  }
0x62: {  	[tilespmem:s30], [sflag:$0x1] =	stream.linear.gather [hbm4b:s31+s8], $0x80, $0x38;
	[tilespmem:$0x15800] =	vst v63  }
0x63: {  	s0 =	simm.s32 $0xF000;
	s3 =	sadd.s32 s11, s3;
	s5 =	sand.u32 $0x1FFFFFF0, s29  }
0x64: {  	(v2sf) =	vpush v36, $0xC;
	[tilespmem:s0], [sflag:$0x1] =	stream.linear.gather [hbm4b:s3+s8], $0x80, $0x38;
	[tilespmem:$0x15800] =	vst v63  }
0x65: {  	s15 =	simm.s32 $0x680;
	s16 =	sadd.s32 s9, s5  }
0x66: {  	[tilespmem:s15], [sflag:$0x1] =	stream.linear.gather [hbm4b:s16+s8], $0x80, $0x38;
	[tilespmem:$0x15800] =	vst v63  }
0x67: {  	s17 =	spop (v2sf);
	s22 =	simm.s32 $0x6E80;
	s23 =	sadd.s32 s10, s5  }
0x68: {  	[tilespmem:s22], [sflag:$0x1] =	stream.linear.gather [hbm4b:s23+s8], $0x80, $0x38;
	[tilespmem:$0x15800] =	vst v63  }
0x69: {  	s5 =	sadd.s32 s11, s5;
	s26 =	simm.s32 $0xF080;
	s3 =	sand.u32 $0x1FFFFFF0, s17  }
0x6a: {  	(v2sf) =	vpush v36, $0xD;
	[tilespmem:s26], [sflag:$0x1] =	stream.linear.gather [hbm4b:s5+s8], $0x80, $0x38;
	[tilespmem:$0x15800] =	vst v63  }
0x6b: {  	s28 =	simm.s32 $0x700;
	s29 =	sadd.s32 s9, s3  }
0x6c: {  	[tilespmem:s28], [sflag:$0x1] =	stream.linear.gather [hbm4b:s29+s8], $0x80, $0x38;
	[tilespmem:$0x15800] =	vst v63  }
0x6d: {  	s30 =	spop (v2sf);
	s31 =	simm.s32 $0x6F00;
	s0 =	sadd.s32 s10, s3  }
0x6e: {  	[tilespmem:s31], [sflag:$0x1] =	stream.linear.gather [hbm4b:s0+s8], $0x80, $0x38;
	[tilespmem:$0x15800] =	vst v63  }
0x6f: {  	s3 =	sadd.s32 s11, s3;
	s16 =	simm.s32 $0xF100;
	s5 =	sand.u32 $0x1FFFFFF0, s30  }
0x70: {  	(v2sf) =	vpush v36, $0xE;
	[tilespmem:s16], [sflag:$0x1] =	stream.linear.gather [hbm4b:s3+s8], $0x80, $0x38;
	[tilespmem:$0x15800] =	vst v63  }
0x71: {  	s17 =	simm.s32 $0x780;
	s22 =	sadd.s32 s9, s5  }
0x72: {  	[tilespmem:s17], [sflag:$0x1] =	stream.linear.gather [hbm4b:s22+s8], $0x80, $0x38;
	[tilespmem:$0x15800] =	vst v63  }
0x73: {  	s23 =	spop (v2sf);
	s26 =	simm.s32 $0x6F80;
	s28 =	sadd.s32 s10, s5  }
0x74: {  	(v2sf) =	vpush v36, $0xF;
	[tilespmem:s26], [sflag:$0x1] =	stream.linear.gather [hbm4b:s28+s8], $0x80, $0x38;
	[tilespmem:$0x15800] =	vst v63  }
0x75: {  	s29 =	simm.s32 $0xF180;
	s5 =	sadd.s32 s11, s5;
	s3 =	sand.u32 $0x1FFFFFF0, s23  }
0x76: {  	[tilespmem:s29], [sflag:$0x1] =	stream.linear.gather [hbm4b:s5+s8], $0x80, $0x38;
	[tilespmem:$0x15800] =	vst v63  }
0x77: {  	s30 =	simm.s32 $0x800;
	s31 =	sadd.s32 s9, s3  }
0x78: {  	[tilespmem:s30], [sflag:$0x1] =	stream.linear.gather [hbm4b:s31+s8], $0x80, $0x38;
	[tilespmem:$0x15800] =	vst v63  }
0x79: {  	s0 =	spop (v2sf);
	s17 =	simm.s32 $0x7000;
	s22 =	sadd.s32 s10, s3  }
0x7a: {  	[tilespmem:s17], [sflag:$0x1] =	stream.linear.gather [hbm4b:s22+s8], $0x80, $0x38;
	[tilespmem:$0x15800] =	vst v63  }
0x7b: {  	s23 =	simm.s32 $0xF200;
	s3 =	sadd.s32 s11, s3;
	s5 =	sand.u32 $0x1FFFFFF0, s0  }
0x7c: {  	[tilespmem:s23], [sflag:$0x1] =	stream.linear.gather [hbm4b:s3+s8], $0x80, $0x38;
	[tilespmem:$0x15800] =	vst v63  }
0x7d: {  	s26 =	simm.s32 $0x880;
	s28 =	sadd.s32 s9, s5  }
0x7e: {  	[tilespmem:s26], [sflag:$0x1] =	stream.linear.gather [hbm4b:s28+s8], $0x80, $0x38;
	[tilespmem:$0x15800] =	vst v63  }
0x7f: {  	s29 =	spop (v2sf);
	s30 =	simm.s32 $0x7080;
	s31 =	sadd.s32 s10, s5  }
0x80: {  	[tilespmem:s30], [sflag:$0x1] =	stream.linear.gather [hbm4b:s31+s8], $0x80, $0x38;
	[tilespmem:$0x15800] =	vst v63  }
0x81: {  	s0 =	simm.s32 $0xF280;
	s5 =	sadd.s32 s11, s5;
	s3 =	sand.u32 $0x1FFFFFF0, s29  }
0x82: {  	[tilespmem:s0], [sflag:$0x1] =	stream.linear.gather [hbm4b:s5+s8], $0x80, $0x38;
	[tilespmem:$0x15800] =	vst v63  }
0x83: {  	s15 =	simm.s32 $0x900;
	s17 =	spop (v2sf);
	s16 =	sadd.s32 s9, s3  }
0x84: {  	[tilespmem:s15], [sflag:$0x1] =	stream.linear.gather [hbm4b:s16+s8], $0x80, $0x38;
	[tilespmem:$0x15800] =	vst v63  }
0x85: {  	s22 =	simm.s32 $0x7100;
	s23 =	sadd.s32 s10, s3;
	s3 =	sadd.s32 s11, s3  }
0x86: {  	[tilespmem:s22], [sflag:$0x1] =	stream.linear.gather [hbm4b:s23+s8], $0x80, $0x38;
	[tilespmem:$0x15800] =	vst v63  }
0x87: {  	s26 =	simm.s32 $0xF300;
	s28 =	simm.s32 $0x980;
	s5 =	sand.u32 $0x1FFFFFF0, s17  }
0x88: {  	[tilespmem:s26], [sflag:$0x1] =	stream.linear.gather [hbm4b:s3+s8], $0x80, $0x38;
	[tilespmem:$0x15800] =	vst v63  }
0x89: {  	s30 =	simm.s32 $0x7180;
	s29 =	sadd.s32 s9, s5;
	s31 =	sadd.s32 s10, s5  }
0x8a: {  	[tilespmem:s28], [sflag:$0x1] =	stream.linear.gather [hbm4b:s29+s8], $0x80, $0x38;
	[tilespmem:$0x15800] =	vst v63  }
0x8b: {  	s5 =	sadd.s32 s11, s5;
	s26 =	simm.s32 $0x2000;
	s3 =	simm.s32 $0xF380  }
0x8c: {  	[tilespmem:s30], [sflag:$0x1] =	stream.linear.gather [hbm4b:s31+s8], $0x80, $0x38;
	[tilespmem:$0x15800] =	vst v63  }
.LBB2_3:
0x8d: {  	p0 =	sne.s32 s26, $0x18000  }
0x8e: {  	s25 =	sadd.s32 $0x10, s25;
	s15 =	smov.u32 s26;
	s26 =	sadd.s32 $0x2000, s26  }
0x8f: {  	[tilespmem:s3], [sflag:$0x1] =	stream.linear.gather [hbm4b:s5+s8], $0x80, $0x38;
	[tilespmem:$0x15800] =	vst v63  }
0x90: {  	v36 =	vld [tilespmem:s25+$0x0];
	_ =	sdelay $0x4  }
0x91: {  	v36 =	vshll.u32 v36, $0x4  }
0x92: {  	(v2sf) =	vpush v36, $0x0  }
0x93: {  	(v2sf) =	vpush v36, $0x1  }
0x94: {  	(v2sf) =	vpush v36, $0x2;
	_ =	sdelay $0x2  }
0x95: {  	(v2sf) =	vpush v36, $0x3;
	_ =	sdelay $0x3  }
0x96: {  	(v2sf) =	vpush v36, $0x4;
	_ =	sdelay $0x3  }
0x97: {  	(v2sf) =	vpush v36, $0x5;
	_ =	sdelay $0x1  }
0x98: {  	s3 =	spop (v2sf)  }
0x99: {  	s28 =	sshra.s32 s15, $0x2;
	s3 =	sand.u32 $0x1FFFFFF0, s3;
	s5 =	spop (v2sf)  }
0x9a: {  	s16 =	sadd.s32 $0x6A00, s28;
	s15 =	sadd.s32 s9, s3;
	s29 =	spop (v2sf);
	(v2sf) =	vpush v36, $0x6  }
0x9b: {  	s30 =	sadd.s32 $0x200, s28;
	s5 =	sand.u32 $0x1FFFFFF0, s5;
	s29 =	sand.u32 $0x1FFFFFF0, s29  }
0x9c: {  	[tilespmem:s30], [sflag:$0x1] =	stream.linear.gather [hbm4b:s15+s8], $0x80, $0x38;
	[tilespmem:$0x15800] =	vst v63  }
0x9d: {  	s15 =	sadd.s32 s10, s3;
	s30 =	sadd.s32 $0xEC00, s28;
	s31 =	spop (v2sf)  }
0x9e: {  	[tilespmem:s16], [sflag:$0x1] =	stream.linear.gather [hbm4b:s15+s8], $0x80, $0x38;
	(v2sf) =	vpush v36, $0x7;
	[tilespmem:$0x15800] =	vst v63  }
0x9f: {  	s3 =	sadd.s32 s11, s3;
	s15 =	sadd.s32 $0x280, s28;
	s16 =	sand.u32 $0x1FFFFFF0, s31  }
0xa0: {  	[tilespmem:s30], [sflag:$0x1] =	stream.linear.gather [hbm4b:s3+s8], $0x80, $0x38;
	[tilespmem:$0x15800] =	vst v63  }
0xa1: {  	s3 =	sadd.s32 s9, s5;
	s30 =	sadd.s32 $0x6A80, s28;
	s31 =	spop (v2sf)  }
0xa2: {  	[tilespmem:s15], [sflag:$0x1] =	stream.linear.gather [hbm4b:s3+s8], $0x80, $0x38;
	[tilespmem:$0x15800] =	vst v63  }
0xa3: {  	s3 =	sadd.s32 s10, s5;
	s15 =	sadd.s32 $0xEC80, s28;
	s31 =	sand.u32 $0x1FFFFFF0, s31  }
0xa4: {  	[tilespmem:s30], [sflag:$0x1] =	stream.linear.gather [hbm4b:s3+s8], $0x80, $0x38;
	(v2sf) =	vpush v36, $0x8;
	[tilespmem:$0x15800] =	vst v63  }
0xa5: {  	s3 =	sadd.s32 s11, s5;
	s30 =	sadd.s32 $0x300, s28;
	s5 =	spop (v2sf)  }
0xa6: {  	[tilespmem:s15], [sflag:$0x1] =	stream.linear.gather [hbm4b:s3+s8], $0x80, $0x38;
	[tilespmem:$0x15800] =	vst v63  }
0xa7: {  	s3 =	sadd.s32 s9, s29;
	s15 =	sadd.s32 $0x6B00, s28;
	s5 =	sand.u32 $0x1FFFFFF0, s5  }
0xa8: {  	[tilespmem:s30], [sflag:$0x1] =	stream.linear.gather [hbm4b:s3+s8], $0x80, $0x38;
	(v2sf) =	vpush v36, $0x9;
	[tilespmem:$0x15800] =	vst v63  }
0xa9: {  	s3 =	sadd.s32 s10, s29;
	s30 =	sadd.s32 $0xED00, s28;
	s17 =	spop (v2sf)  }
0xaa: {  	[tilespmem:s15], [sflag:$0x1] =	stream.linear.gather [hbm4b:s3+s8], $0x80, $0x38;
	[tilespmem:$0x15800] =	vst v63  }
0xab: {  	s15 =	sadd.s32 s11, s29;
	s29 =	sadd.s32 $0x380, s28;
	s3 =	sand.u32 $0x1FFFFFF0, s17  }
0xac: {  	[tilespmem:s30], [sflag:$0x1] =	stream.linear.gather [hbm4b:s15+s8], $0x80, $0x38;
	(v2sf) =	vpush v36, $0xA;
	[tilespmem:$0x15800] =	vst v63  }
0xad: {  	s17 =	sadd.s32 $0x6B80, s28;
	s15 =	sadd.s32 s9, s16;
	s30 =	spop (v2sf)  }
0xae: {  	[tilespmem:s29], [sflag:$0x1] =	stream.linear.gather [hbm4b:s15+s8], $0x80, $0x38;
	[tilespmem:$0x15800] =	vst v63  }
0xaf: {  	s22 =	sadd.s32 $0xED80, s28;
	s15 =	sadd.s32 s10, s16;
	s29 =	sand.u32 $0x1FFFFFF0, s30  }
0xb0: {  	[tilespmem:s17], [sflag:$0x1] =	stream.linear.gather [hbm4b:s15+s8], $0x80, $0x38;
	(v2sf) =	vpush v36, $0xB;
	[tilespmem:$0x15800] =	vst v63  }
0xb1: {  	s15 =	sadd.s32 s11, s16;
	s16 =	sadd.s32 $0x400, s28;
	s17 =	sadd.s32 s9, s31  }
0xb2: {  	[tilespmem:s22], [sflag:$0x1] =	stream.linear.gather [hbm4b:s15+s8], $0x80, $0x38;
	[tilespmem:$0x15800] =	vst v63  }
0xb3: {  	s15 =	sadd.s32 $0x6C00, s28;
	s22 =	sadd.s32 s10, s31;
	s30 =	spop (v2sf)  }
0xb4: {  	[tilespmem:s16], [sflag:$0x1] =	stream.linear.gather [hbm4b:s17+s8], $0x80, $0x38;
	(v2sf) =	vpush v36, $0xC;
	[tilespmem:$0x15800] =	vst v63  }
0xb5: {  	s16 =	sadd.s32 $0xEE00, s28;
	s17 =	sadd.s32 s11, s31;
	s30 =	sand.u32 $0x1FFFFFF0, s30  }
0xb6: {  	[tilespmem:s15], [sflag:$0x1] =	stream.linear.gather [hbm4b:s22+s8], $0x80, $0x38;
	[tilespmem:$0x15800] =	vst v63  }
0xb7: {  	s15 =	sadd.s32 $0x480, s28;
	s22 =	sadd.s32 s9, s5;
	s31 =	spop (v2sf)  }
0xb8: {  	[tilespmem:s16], [sflag:$0x1] =	stream.linear.gather [hbm4b:s17+s8], $0x80, $0x38;
	(v2sf) =	vpush v36, $0xD;
	[tilespmem:$0x15800] =	vst v63  }
0xb9: {  	s23 =	sadd.s32 s10, s5;
	s17 =	sadd.s32 $0x6C80, s28;
	s16 =	sand.u32 $0x1FFFFFF0, s31  }
0xba: {  	[tilespmem:s15], [sflag:$0x1] =	stream.linear.gather [hbm4b:s22+s8], $0x80, $0x38;
	[tilespmem:$0x15800] =	vst v63  }
0xbb: {  	s5 =	sadd.s32 s11, s5;
	s22 =	sadd.s32 $0xEE80, s28;
	s15 =	spop (v2sf)  }
0xbc: {  	[tilespmem:s17], [sflag:$0x1] =	stream.linear.gather [hbm4b:s23+s8], $0x80, $0x38;
	(v2sf) =	vpush v36, $0xE;
	[tilespmem:$0x15800] =	vst v63  }
0xbd: {  	s17 =	sadd.s32 $0x500, s28;
	s23 =	sadd.s32 s9, s3;
	s15 =	sand.u32 $0x1FFFFFF0, s15  }
0xbe: {  	[tilespmem:s22], [sflag:$0x1] =	stream.linear.gather [hbm4b:s5+s8], $0x80, $0x38;
	[tilespmem:$0x15800] =	vst v63  }
0xbf: {  	s31 =	sadd.s32 s10, s3;
	s22 =	sadd.s32 $0x6D00, s28;
	s5 =	spop (v2sf)  }
0xc0: {  	[tilespmem:s17], [sflag:$0x1] =	stream.linear.gather [hbm4b:s23+s8], $0x80, $0x38;
	(v2sf) =	vpush v36, $0xF;
	[tilespmem:$0x15800] =	vst v63  }
0xc1: {  	s3 =	sadd.s32 s11, s3;
	s17 =	sadd.s32 $0xEF00, s28;
	s5 =	sand.u32 $0x1FFFFFF0, s5  }
0xc2: {  	[tilespmem:s22], [sflag:$0x1] =	stream.linear.gather [hbm4b:s31+s8], $0x80, $0x38;
	[tilespmem:$0x15800] =	vst v63  }
0xc3: {  	s23 =	sadd.s32 s9, s29;
	s22 =	sadd.s32 $0x580, s28;
	s31 =	spop (v2sf)  }
0xc4: {  	[tilespmem:s17], [sflag:$0x1] =	stream.linear.gather [hbm4b:s3+s8], $0x80, $0x38;
	[tilespmem:$0x15800] =	vst v63  }
0xc5: {  	s0 =	sadd.s32 s10, s29;
	s17 =	sadd.s32 $0x6D80, s28;
	s3 =	sand.u32 $0x1FFFFFF0, s31  }
0xc6: {  	[tilespmem:s22], [sflag:$0x1] =	stream.linear.gather [hbm4b:s23+s8], $0x80, $0x38;
	[tilespmem:$0x15800] =	vst v63  }
0xc7: {  	s22 =	sadd.s32 $0xEF80, s28;
	s23 =	sadd.s32 s11, s29;
	s29 =	spop (v2sf)  }
0xc8: {  	[tilespmem:s17], [sflag:$0x1] =	stream.linear.gather [hbm4b:s0+s8], $0x80, $0x38;
	[tilespmem:$0x15800] =	vst v63  }
0xc9: {  	s0 =	sadd.s32 $0x600, s28;
	s17 =	sadd.s32 s9, s30;
	s31 =	sand.u32 $0x1FFFFFF0, s29  }
0xca: {  	[tilespmem:s22], [sflag:$0x1] =	stream.linear.gather [hbm4b:s23+s8], $0x80, $0x38;
	[tilespmem:$0x15800] =	vst v63  }
0xcb: {  	s22 =	sadd.s32 $0x6E00, s28;
	s23 =	sadd.s32 s10, s30;
	s29 =	spop (v2sf)  }
0xcc: {  	[tilespmem:s0], [sflag:$0x1] =	stream.linear.gather [hbm4b:s17+s8], $0x80, $0x38;
	[tilespmem:$0x15800] =	vst v63  }
0xcd: {  	s0 =	sadd.s32 $0xF000, s28;
	s17 =	sadd.s32 s11, s30;
	s30 =	sand.u32 $0x1FFFFFF0, s29  }
0xce: {  	[tilespmem:s22], [sflag:$0x1] =	stream.linear.gather [hbm4b:s23+s8], $0x80, $0x38;
	[tilespmem:$0x15800] =	vst v63  }
0xcf: {  	s22 =	sadd.s32 $0x680, s28;
	s23 =	sadd.s32 s9, s16;
	s29 =	spop (v2sf)  }
0xd0: {  	[tilespmem:s0], [sflag:$0x1] =	stream.linear.gather [hbm4b:s17+s8], $0x80, $0x38;
	[tilespmem:$0x15800] =	vst v63  }
0xd1: {  	s0 =	sadd.s32 $0x6E80, s28;
	s17 =	sadd.s32 s10, s16;
	s29 =	sand.u32 $0x1FFFFFF0, s29  }
0xd2: {  	[tilespmem:s22], [sflag:$0x1] =	stream.linear.gather [hbm4b:s23+s8], $0x80, $0x38;
	[tilespmem:$0x15800] =	vst v63  }
0xd3: {  	s16 =	sadd.s32 s11, s16;
	s22 =	sadd.s32 $0xF080, s28  }
0xd4: {  	[tilespmem:s0], [sflag:$0x1] =	stream.linear.gather [hbm4b:s17+s8], $0x80, $0x38;
	[tilespmem:$0x15800] =	vst v63  }
0xd5: {  	s0 =	sadd.s32 $0x700, s28;
	s17 =	sadd.s32 s9, s15  }
0xd6: {  	[tilespmem:s22], [sflag:$0x1] =	stream.linear.gather [hbm4b:s16+s8], $0x80, $0x38;
	[tilespmem:$0x15800] =	vst v63  }
0xd7: {  	s16 =	sadd.s32 $0x6F00, s28;
	s22 =	sadd.s32 s10, s15  }
0xd8: {  	[tilespmem:s0], [sflag:$0x1] =	stream.linear.gather [hbm4b:s17+s8], $0x80, $0x38;
	[tilespmem:$0x15800] =	vst v63  }
0xd9: {  	s15 =	sadd.s32 s11, s15;
	s0 =	sadd.s32 $0xF100, s28  }
0xda: {  	[tilespmem:s16], [sflag:$0x1] =	stream.linear.gather [hbm4b:s22+s8], $0x80, $0x38;
	[tilespmem:$0x15800] =	vst v63  }
0xdb: {  	s17 =	sadd.s32 s9, s5;
	s16 =	sadd.s32 $0x780, s28  }
0xdc: {  	[tilespmem:s0], [sflag:$0x1] =	stream.linear.gather [hbm4b:s15+s8], $0x80, $0x38;
	[tilespmem:$0x15800] =	vst v63  }
0xdd: {  	s0 =	sadd.s32 $0x6F80, s28;
	s15 =	sadd.s32 s10, s5  }
0xde: {  	[tilespmem:s16], [sflag:$0x1] =	stream.linear.gather [hbm4b:s17+s8], $0x80, $0x38;
	[tilespmem:$0x15800] =	vst v63  }
0xdf: {  	s5 =	sadd.s32 s11, s5;
	s16 =	sadd.s32 $0xF180, s28  }
0xe0: {  	[tilespmem:s0], [sflag:$0x1] =	stream.linear.gather [hbm4b:s15+s8], $0x80, $0x38;
	[tilespmem:$0x15800] =	vst v63  }
0xe1: {  	s0 =	sadd.s32 $0x800, s28;
	s15 =	sadd.s32 s9, s3  }
0xe2: {  	[tilespmem:s16], [sflag:$0x1] =	stream.linear.gather [hbm4b:s5+s8], $0x80, $0x38;
	[tilespmem:$0x15800] =	vst v63  }
0xe3: {  	s5 =	sadd.s32 $0x7000, s28;
	s16 =	sadd.s32 s10, s3  }
0xe4: {  	[tilespmem:s0], [sflag:$0x1] =	stream.linear.gather [hbm4b:s15+s8], $0x80, $0x38;
	[tilespmem:$0x15800] =	vst v63  }
0xe5: {  	s3 =	sadd.s32 s11, s3;
	s0 =	sadd.s32 $0xF200, s28  }
0xe6: {  	[tilespmem:s5], [sflag:$0x1] =	stream.linear.gather [hbm4b:s16+s8], $0x80, $0x38;
	[tilespmem:$0x15800] =	vst v63  }
0xe7: {  	s15 =	sadd.s32 s9, s31;
	s5 =	sadd.s32 $0x880, s28  }
0xe8: {  	[tilespmem:s0], [sflag:$0x1] =	stream.linear.gather [hbm4b:s3+s8], $0x80, $0x38;
	[tilespmem:$0x15800] =	vst v63  }
0xe9: {  	s0 =	sadd.s32 $0x7080, s28;
	s3 =	sadd.s32 s10, s31  }
0xea: {  	[tilespmem:s5], [sflag:$0x1] =	stream.linear.gather [hbm4b:s15+s8], $0x80, $0x38;
	[tilespmem:$0x15800] =	vst v63  }
0xeb: {  	s5 =	sadd.s32 $0xF280, s28;
	s15 =	sadd.s32 s11, s31  }
0xec: {  	[tilespmem:s0], [sflag:$0x1] =	stream.linear.gather [hbm4b:s3+s8], $0x80, $0x38;
	[tilespmem:$0x15800] =	vst v63  }
0xed: {  	s0 =	sadd.s32 $0x900, s28;
	s3 =	sadd.s32 s9, s30  }
0xee: {  	[tilespmem:s5], [sflag:$0x1] =	stream.linear.gather [hbm4b:s15+s8], $0x80, $0x38;
	[tilespmem:$0x15800] =	vst v63  }
0xef: {  	s5 =	sadd.s32 $0x7100, s28;
	s15 =	sadd.s32 s10, s30  }
0xf0: {  	[tilespmem:s0], [sflag:$0x1] =	stream.linear.gather [hbm4b:s3+s8], $0x80, $0x38;
	[tilespmem:$0x15800] =	vst v63  }
0xf1: {  	s0 =	sadd.s32 $0xF300, s28;
	s3 =	sadd.s32 s11, s30  }
0xf2: {  	[tilespmem:s5], [sflag:$0x1] =	stream.linear.gather [hbm4b:s15+s8], $0x80, $0x38;
	[tilespmem:$0x15800] =	vst v63  }
0xf3: {  	s5 =	sadd.s32 $0x980, s28;
	s15 =	sadd.s32 s9, s29  }
0xf4: {  	[tilespmem:s0], [sflag:$0x1] =	stream.linear.gather [hbm4b:s3+s8], $0x80, $0x38;
	[tilespmem:$0x15800] =	vst v63  }
.Ltmp1:
0xf5: {  	_ = 	snop;
	(pc) =	sbr.rel @p0 .LBB2_3-.Ltmp1, $4  }
0xf6: {  	s16 =	sadd.s32 s10, s29;
	s0 =	sadd.s32 $0x7180, s28  }
0xf7: {  	[tilespmem:s5], [sflag:$0x1] =	stream.linear.gather [hbm4b:s15+s8], $0x80, $0x38;
	[tilespmem:$0x15800] =	vst v63  }
0xf8: {  	s3 =	sadd.s32 $0xF380, s28;
	s5 =	sadd.s32 s11, s29  }
0xf9: {  	[tilespmem:s0], [sflag:$0x1] =	stream.linear.gather [hbm4b:s16+s8], $0x80, $0x38;
	[tilespmem:$0x15800] =	vst v63  }
0xfa: {  	[tilespmem:s3], [sflag:$0x1] =	stream.linear.gather [hbm4b:s5+s8], $0x80, $0x38;
	[tilespmem:$0x15800] =	vst v63  }
0xfb: {  	v36 =	vld [tilespmem:$0x15400];
	_ =	sdelay $0x4  }
0xfc: {  	(v2sf) =	vpush v36, $0x0;
	_ =	sdelay $0xe  }
0xfd: {  	s0 =	spop (v2sf)  }
0xfe: {  	s0 =	sshll.u32 s0, $0x4  }
0xff: {  	s0 =	sand.u32 $0x1FFFFFF0, s0  }
0x100: {  	s30 =	simm.s32 $0x15480;
	s0 =	sadd.s32 s12, s0  }
0x101: {  	[tilespmem:s30], [sflag:$0x1] =	stream.linear.gather [hbm4b:s0+s8], $0x80, $0x38;
	[tilespmem:$0x15800] =	vst v63  }
0x102: {  	_ =	swait.ge [sflag:s18], $0x6800  }
0x103: {  	[sflag:s18] =	ssyncset.done $0x0  }
0x104: {  	[sflag:s18] =	ssyncadd.s32 $0xFFFF9800  }
0x105: {  	_ =	swait.ge [sflag:s18], $0x6800  }
0x106: {  	[sflag:s18] =	ssyncset.done $0x0  }
0x107: {  	[sflag:s18] =	ssyncadd.s32 $0xFFFF9800  }
0x108: {  	_ =	swait.ge [sflag:s18], $0x6800  }
0x109: {  	[sflag:s18] =	ssyncset.done $0x0  }
0x10a: {  	[sflag:s18] =	ssyncadd.s32 $0xFFFF9800  }
0x10b: {  	_ =	swait.ge [sflag:s18], $0x80  }
0x10c: {  	[sflag:s18] =	ssyncset.done $0x0  }
0x10d: {  	s31 =	simm.s32 $0x10;
	[sflag:s18] =	ssyncadd.s32 $0xFFFFFF80  }
0x10e: {  	v38 =	vld [tilespmem:s31+$0x6A00]  }
0x10f: {  	v39 =	vld [tilespmem:s31+$0x69F0];
	_ =	sdelay $0x2  }
0x110: {  	s3 =	simm.s32 $0xD210;
	v40 =	vld [tilespmem:s31+$0x200]  }
0x111: {  	v37 =	vld [tilespmem:s31+$0x1F0];
	[tilespmem:s3+$0x0] =	vst v38  }
0x112: {  	s15 =	simm.s32 $0x90;
	[tilespmem:s3+$0xFFFFFFF0] =	vst v39  }
0x113: {  	v42 =	vld [tilespmem:s15+$0x6A00]  }
0x114: {  	v36 =	vimm.f32 $0.0e+00;
	v41 =	vld [tilespmem:s15+$0x69F0]  }
0x115: {  	s5 =	simm.s32 $0x440;
	s16 =	simm.s32 $0x640;
	v43 =	vimm.f32 $0.0e+00;
	v38 =	vadd.f32 v40, v36;
	v40 =	vmul.f32 v40, v40;
	v39 =	vld [tilespmem:s15+$0x200]  }
.LBB2_5:
0x116: {  	p0 =	seq.s32 s16, $0x18E40;
	v36 =	vadd.f32 v37, v36;
	v44 =	vmul.f32 v37, v37  }
0x117: {  	s3 =	sadd.s32 $0x20, s3  }
.Ltmp2:
0x118: {  	v37 =	vld [tilespmem:s15+$0x1F0];
	[tilespmem:s3+$0x0] =	vst v42;
	v43 =	vadd.f32 v44, v43;
	(pc) =	sbr.rel @!p0 .LBB2_5-.Ltmp2, $4  }
0x119: {  	s15 =	sshra.s32 s5, $0x2;
	s5 =	smov.u32 s16;
	[tilespmem:s3+$0xFFFFFFF0] =	vst v41  }
0x11a: {  	v42 =	vld [tilespmem:s15+$0x6A00];
	v38 =	vadd.f32 v39, v38;
	v43 =	vadd.f32 v40, v43;
	v40 =	vmul.f32 v39, v39  }
0x11b: {  	v41 =	vld [tilespmem:s15+$0x69F0]  }
0x11c: {  	s16 =	sadd.s32 $0x200, s16;
	v39 =	vld [tilespmem:s15+$0x200]  }
0x11d: {  	_ = 	snop  }
0x11e: {  	s0 =	sadd.s32 $0x20, s3  }
0x11f: {  	v44 =	vld [tilespmem:s15+$0x1F0];
	[tilespmem:s0+$0x0] =	vst v42  }
0x120: {  	s28 =	sshra.s32 s5, $0x2;
	[tilespmem:s0+$0xFFFFFFF0] =	vst v41  }
0x121: {  	v49 =	vld [tilespmem:s28+$0x6A00]  }
0x122: {  	v50 =	vld [tilespmem:s28+$0x69F0];
	_ =	sdelay $0x2  }
0x123: {  	s0 =	sadd.s32 $0x20, s0;
	v41 =	vld [tilespmem:s28+$0x1F0]  }
0x124: {  	v48 =	vld [tilespmem:s28+$0x200];
	[tilespmem:s0+$0x0] =	vst v49  }
0x125: {  	[tilespmem:s0+$0xFFFFFFF0] =	vst v50  }
0x126: {  	v55 =	vld [tilespmem:$0xCE00]  }
0x127: {  	v56 =	vld [tilespmem:$0xCE10]  }
0x128: {  	v57 =	vld [tilespmem:$0xCE80]  }
0x129: {  	v42 =	vld [tilespmem:$0xCE90]  }
0x12a: {  	v45 =	vmul.f32 v37, v37;
	v58 =	vld [tilespmem:$0xCF00]  }
0x12b: {  	v59 =	vld [tilespmem:$0xCF10]  }
0x12c: {  	v62 =	vadd.f32 v45, v43;
	v45 =	vld [tilespmem:$0xCF80]  }
0x12d: {  	v60 =	vld [tilespmem:$0xCF90]  }
0x12e: {  	v38 =	vadd.f32 v39, v38;
	v47 =	vld [tilespmem:$0xD000]  }
0x12f: {  	v40 =	vadd.f32 v40, v62;
	v63 =	vmul.f32 v44, v44;
	v61 =	vld [tilespmem:$0xD010];
	[tilespmem:$0xEB00] =	vst v55  }
0x130: {  	v46 =	vmul.f32 v39, v39;
	v53 =	vmul.f32 v48, v48;
	v39 =	vadd.f32 v48, v38;
	v48 =	vld [tilespmem:$0xD080];
	[tilespmem:$0xEB10] =	vst v56  }
0x131: {  	v40 =	vadd.f32 v63, v40;
	v62 =	vld [tilespmem:$0xD090];
	[tilespmem:$0xEB20] =	vst v57  }
0x132: {  	v63 =	vld [tilespmem:$0xD100];
	[tilespmem:$0xEB30] =	vst v42  }
0x133: {  	v51 =	vadd.f32 v46, v40;
	v52 =	vmul.f32 v41, v41;
	v49 =	vld [tilespmem:$0xD110];
	[tilespmem:$0xEB40] =	vst v58  }
0x134: {  	v36 =	vadd.f32 v37, v36;
	v50 =	vld [tilespmem:$0xD180];
	[tilespmem:$0xEB50] =	vst v59  }
0x135: {  	v37 =	vadd.f32 v52, v51;
	v51 =	vld [tilespmem:$0x15480];
	[tilespmem:$0xEB60] =	vst v45  }
0x136: {  	v36 =	vadd.f32 v44, v36;
	v52 =	vld [tilespmem:$0x15490];
	[tilespmem:$0xEB70] =	vst v60  }
0x137: {  	v38 =	vld [tilespmem:$0x15500];
	[tilespmem:$0xEB80] =	vst v47  }
0x138: {  	v54 =	vadd.f32 v41, v36;
	v36 =	vadd.f32 v53, v37;
	v37 =	vld [tilespmem:$0x15510];
	[tilespmem:$0xEB90] =	vst v61  }
0x139: {  	v53 =	vld [tilespmem:$0xD190];
	[tilespmem:$0xEBA0] =	vst v48  }
0x13a: {  	s29 =	simm.s32 $0x0;
	[tilespmem:$0xEBB0] =	vst v62;
	v40 =	vadd.f32 v51, v54  }
0x13b: {  	[tilespmem:$0xEBC0] =	vst v63;
	v55 =	vor.u32 s29, v0;
	v39 =	vadd.f32 v52, v39  }
0x13c: {  	[tilespmem:$0xEBD0] =	vst v49;
	v56 =	vshll.u32 v55, $0x7;
	v40 =	vadd.f32 v38, v40  }
0x13d: {  	[tilespmem:$0xEBE0] =	vst v50;
	v42 =	vshll.u32 v55, $0x5;
	v39 =	vadd.f32 v37, v39  }
0x13e: {  	[tilespmem:$0xEBF0] =	vst v53;
	v40 =	vmax.f32 v40, $0.0e+00  }
0x13f: {  	v57 =	vor.u32 $0x1, v42;
	v54 =	vmax.f32 v39, $0.0e+00;
	[tilespmem:v1+s19+$0x0] =	vst.idx.msk $0xffff, v40  }
0x140: {  	[tilespmem:v2+s19+$0x0] =	vst.idx.msk $0xffff, v54  }
0x141: {  	v58 =	vor.u32 $0x2, v42;
	v40 =	vld.idx.msk [tilespmem:v56+s20+$0x0], $0xffff  }
0x142: {  	v59 =	vld.idx.msk [tilespmem:v42+s21+$0x0], $0xffff  }
0x143: {  	v61 =	vor.u32 $0x3, v42;
	v60 =	vld.idx.msk [tilespmem:v6+s19+$0x0], $0xffff  }
0x144: {  	v43 =	vld.idx.msk [tilespmem:v57+s21+$0x0], $0xffff  }
0x145: {  	v48 =	vld.idx.msk [tilespmem:v7+s19+$0x0], $0xffff  }
0x146: {  	vm0 =	vlt.u32 v55, $0xC8;
	v49 =	vor.u32 $0x4, v42;
	v44 =	vld.idx.msk [tilespmem:v58+s21+$0x0], $0xffff  }
0x147: {  	v41 =	vsel vm0, $0x3F800000, v4;
	v50 =	vld.idx.msk [tilespmem:v8+s19+$0x0], $0xffff  }
0x148: {  	v51 =	vor.u32 $0x5, v42;
	v47 =	vld.idx.msk [tilespmem:v61+s21+$0x0], $0xffff;
	v52 =	vmul.f32 v59, v41  }
0x149: {  	v53 =	vor.u32 $0x6, v42;
	v45 =	vmul.f32 v60, v59  }
0x14a: {  	v39 =	vimm.f32 $0.0e+00;
	v62 =	vld.idx.msk [tilespmem:v9+s19+$0x0], $0xffff;
	v54 =	vmul.f32 v43, v41;
	v52 =	vmul.f32 v52, v52  }
0x14b: {  	v49 =	vld.idx.msk [tilespmem:v49+s21+$0x0], $0xffff;
	v43 =	vmul.f32 v48, v43;
	v48 =	vor.u32 $0x7, v42;
	v45 =	vadd.f32 v45, v40  }
0x14c: {  	v55 =	vld.idx.msk [tilespmem:v3+s19+$0x0], $0xffff;
	v56 =	vmul.f32 v44, v41;
	v54 =	vmul.f32 v54, v54;
	v52 =	vadd.f32 v52, v39  }
0x14d: {  	v51 =	vld.idx.msk [tilespmem:v51+s21+$0x0], $0xffff;
	v44 =	vmul.f32 v50, v44;
	v60 =	vmul.f32 v47, v41;
	v43 =	vadd.f32 v43, v45  }
0x14e: {  	v50 =	vld.idx.msk [tilespmem:v10+s19+$0x0], $0xffff;
	v63 =	vmul.f32 v56, v56;
	v45 =	vor.u32 $0x8, v42;
	v52 =	vadd.f32 v54, v52  }
0x14f: {  	v46 =	vor.u32 $0x9, v42;
	v53 =	vld.idx.msk [tilespmem:v53+s21+$0x0], $0xffff;
	v61 =	vmul.f32 v62, v47;
	v43 =	vadd.f32 v44, v43  }
0x150: {  	v47 =	vld.idx.msk [tilespmem:v5+s19+$0x0], $0xffff;
	v62 =	vmul.f32 v60, v60;
	v52 =	vadd.f32 v63, v52;
	v63 =	vmul.f32 v49, v41  }
0x151: {  	v60 =	vmul.f32 v55, v49;
	v48 =	vld.idx.msk [tilespmem:v48+s21+$0x0], $0xffff;
	v43 =	vadd.f32 v61, v43;
	v49 =	vor.u32 $0xA, v42  }
0x152: {  	v55 =	vld.idx.msk [tilespmem:v11+s19+$0x0], $0xffff;
	v52 =	vadd.f32 v62, v52;
	v61 =	vmul.f32 v63, v63;
	v62 =	vmul.f32 v51, v41  }
0x153: {  	v45 =	vld.idx.msk [tilespmem:v45+s21+$0x0], $0xffff;
	v43 =	vadd.f32 v60, v43;
	v63 =	vmul.f32 v50, v51;
	v50 =	vor.u32 $0xB, v42  }
0x154: {  	v51 =	vld.idx.msk [tilespmem:v12+s19+$0x0], $0xffff;
	v52 =	vadd.f32 v61, v52;
	v60 =	vmul.f32 v62, v62;
	v61 =	vmul.f32 v53, v41  }
0x155: {  	v46 =	vld.idx.msk [tilespmem:v46+s21+$0x0], $0xffff;
	v43 =	vadd.f32 v63, v43;
	v62 =	vmul.f32 v47, v53;
	v47 =	vor.u32 $0xC, v42  }
0x156: {  	v53 =	vld.idx.msk [tilespmem:v13+s19+$0x0], $0xffff;
	v52 =	vadd.f32 v60, v52;
	v63 =	vmul.f32 v61, v61;
	v60 =	vmul.f32 v48, v41  }
0x157: {  	v49 =	vld.idx.msk [tilespmem:v49+s21+$0x0], $0xffff;
	v43 =	vadd.f32 v62, v43;
	v61 =	vmul.f32 v55, v48;
	v48 =	vor.u32 $0xD, v42  }
0x158: {  	v55 =	vld.idx.msk [tilespmem:v14+s19+$0x0], $0xffff;
	v52 =	vadd.f32 v63, v52;
	v62 =	vmul.f32 v60, v60;
	v63 =	vmul.f32 v45, v41  }
0x159: {  	v50 =	vld.idx.msk [tilespmem:v50+s21+$0x0], $0xffff;
	v43 =	vadd.f32 v61, v43;
	v60 =	vmul.f32 v51, v45;
	v45 =	vor.u32 $0xE, v42  }
0x15a: {  	v51 =	vld.idx.msk [tilespmem:v15+s19+$0x0], $0xffff;
	v52 =	vadd.f32 v62, v52;
	v61 =	vmul.f32 v63, v63;
	v62 =	vmul.f32 v46, v41  }
0x15b: {  	v47 =	vld.idx.msk [tilespmem:v47+s21+$0x0], $0xffff;
	v43 =	vadd.f32 v60, v43;
	v63 =	vmul.f32 v53, v46;
	v46 =	vor.u32 $0xF, v42  }
0x15c: {  	v53 =	vld.idx.msk [tilespmem:v16+s19+$0x0], $0xffff;
	v52 =	vadd.f32 v61, v52;
	v60 =	vmul.f32 v62, v62;
	v61 =	vmul.f32 v49, v41  }
0x15d: {  	v48 =	vld.idx.msk [tilespmem:v48+s21+$0x0], $0xffff;
	v43 =	vadd.f32 v63, v43;
	v62 =	vmul.f32 v55, v49;
	v49 =	vor.u32 $0x10, v42  }
0x15e: {  	v55 =	vld.idx.msk [tilespmem:v17+s19+$0x0], $0xffff;
	v52 =	vadd.f32 v60, v52;
	v63 =	vmul.f32 v61, v61;
	v60 =	vmul.f32 v50, v41  }
0x15f: {  	v45 =	vld.idx.msk [tilespmem:v45+s21+$0x0], $0xffff;
	v43 =	vadd.f32 v62, v43;
	v61 =	vmul.f32 v51, v50;
	v50 =	vor.u32 $0x11, v42  }
0x160: {  	v51 =	vld.idx.msk [tilespmem:v18+s19+$0x0], $0xffff;
	v52 =	vadd.f32 v63, v52;
	v62 =	vmul.f32 v60, v60;
	v63 =	vmul.f32 v47, v41  }
0x161: {  	v46 =	vld.idx.msk [tilespmem:v46+s21+$0x0], $0xffff;
	v43 =	vadd.f32 v61, v43;
	v60 =	vmul.f32 v53, v47;
	v47 =	vor.u32 $0x12, v42  }
0x162: {  	v53 =	vld.idx.msk [tilespmem:v19+s19+$0x0], $0xffff;
	v52 =	vadd.f32 v62, v52;
	v61 =	vmul.f32 v63, v63;
	v62 =	vmul.f32 v48, v41  }
0x163: {  	v49 =	vld.idx.msk [tilespmem:v49+s21+$0x0], $0xffff;
	v43 =	vadd.f32 v60, v43;
	v63 =	vmul.f32 v55, v48  }
0x164: {  	v48 =	vor.u32 $0x13, v42;
	v55 =	vld.idx.msk [tilespmem:v20+s19+$0x0], $0xffff;
	v52 =	vadd.f32 v61, v52;
	v60 =	vmul.f32 v62, v62  }
0x165: {  	v50 =	vld.idx.msk [tilespmem:v50+s21+$0x0], $0xffff;
	v61 =	vmul.f32 v45, v41;
	v43 =	vadd.f32 v63, v43;
	v62 =	vmul.f32 v51, v45  }
0x166: {  	v45 =	vld.idx.msk [tilespmem:v21+s19+$0x0], $0xffff;
	v51 =	vor.u32 $0x14, v42;
	v52 =	vadd.f32 v60, v52  }
0x167: {  	v47 =	vld.idx.msk [tilespmem:v47+s21+$0x0], $0xffff;
	v63 =	vmul.f32 v61, v61;
	v43 =	vadd.f32 v62, v43;
	v61 =	vmul.f32 v53, v46  }
0x168: {  	v60 =	vmul.f32 v46, v41;
	v46 =	vld.idx.msk [tilespmem:v22+s19+$0x0], $0xffff;
	v53 =	vor.u32 $0x15, v42  }
0x169: {  	v48 =	vld.idx.msk [tilespmem:v48+s21+$0x0], $0xffff;
	v52 =	vadd.f32 v63, v52;
	v43 =	vadd.f32 v61, v43;
	v63 =	vmul.f32 v55, v49  }
0x16a: {  	v56 =	vor.u32 $0x16, v42;
	v62 =	vmul.f32 v60, v60;
	v49 =	vmul.f32 v49, v41;
	v55 =	vld.idx.msk [tilespmem:v23+s19+$0x0], $0xffff  }
0x16b: {  	v54 =	vor.u32 $0x17, v42;
	v51 =	vld.idx.msk [tilespmem:v51+s21+$0x0], $0xffff;
	v59 =	vmul.f32 v45, v50;
	v43 =	vadd.f32 v63, v43  }
0x16c: {  	v61 =	vmul.f32 v50, v41;
	v50 =	vld.idx.msk [tilespmem:v24+s19+$0x0], $0xffff;
	v52 =	vadd.f32 v62, v52;
	v60 =	vmul.f32 v49, v49  }
0x16d: {  	v49 =	vld.idx.msk [tilespmem:v25+s19+$0x0], $0xffff;
	v62 =	vmul.f32 v46, v47;
	v43 =	vadd.f32 v59, v43  }
0x16e: {  	v53 =	vld.idx.msk [tilespmem:v53+s21+$0x0], $0xffff;
	v47 =	vmul.f32 v47, v41;
	v45 =	vadd.f32 v60, v52;
	v60 =	vor.u32 $0x18, v42  }
0x16f: {  	v56 =	vld.idx.msk [tilespmem:v56+s21+$0x0], $0xffff;
	v63 =	vmul.f32 v61, v61;
	v61 =	vmul.f32 v55, v48;
	v43 =	vadd.f32 v62, v43  }
0x170: {  	v46 =	vld.idx.msk [tilespmem:v26+s19+$0x0], $0xffff;
	v47 =	vmul.f32 v47, v47;
	v62 =	vor.u32 $0x19, v42  }
0x171: {  	v54 =	vld.idx.msk [tilespmem:v54+s21+$0x0], $0xffff;
	v45 =	vadd.f32 v63, v45;
	v63 =	vmul.f32 v50, v51;
	v43 =	vadd.f32 v61, v43  }
0x172: {  	v57 =	vor.u32 $0x1A, v42;
	v48 =	vmul.f32 v48, v41;
	v50 =	vld.idx.msk [tilespmem:v27+s19+$0x0], $0xffff  }
0x173: {  	v45 =	vadd.f32 v47, v45;
	v47 =	vld.idx.msk [tilespmem:v60+s21+$0x0], $0xffff;
	v60 =	vmul.f32 v49, v53;
	v43 =	vadd.f32 v63, v43  }
0x174: {  	v52 =	vor.u32 $0x1B, v42;
	v48 =	vmul.f32 v48, v48;
	v61 =	vmul.f32 v51, v41;
	v51 =	vld.idx.msk [tilespmem:v28+s19+$0x0], $0xffff  }
0x175: {  	v55 =	vld.idx.msk [tilespmem:v62+s21+$0x0], $0xffff;
	v62 =	vmul.f32 v46, v56;
	v43 =	vadd.f32 v60, v43  }
0x176: {  	v45 =	vadd.f32 v48, v45;
	v48 =	vld.idx.msk [tilespmem:v29+s19+$0x0], $0xffff;
	v60 =	vor.u32 $0x1C, v42  }
0x177: {  	v57 =	vld.idx.msk [tilespmem:v57+s21+$0x0], $0xffff;
	v63 =	vmul.f32 v61, v61;
	v61 =	vmul.f32 v50, v54;
	v43 =	vadd.f32 v62, v43  }
0x178: {  	v53 =	vmul.f32 v53, v41;
	v46 =	vld.idx.msk [tilespmem:v30+s19+$0x0], $0xffff;
	v50 =	vor.u32 $0x1D, v42  }
0x179: {  	v58 =	vor.u32 $0x1E, v42;
	v52 =	vld.idx.msk [tilespmem:v52+s21+$0x0], $0xffff;
	v62 =	vmul.f32 v51, v47;
	v43 =	vadd.f32 v61, v43  }
0x17a: {  	v53 =	vmul.f32 v53, v53;
	v45 =	vadd.f32 v63, v45;
	v63 =	vmul.f32 v56, v41;
	v56 =	vld.idx.msk [tilespmem:v31+s19+$0x0], $0xffff  }
0x17b: {  	v49 =	vld.idx.msk [tilespmem:v60+s21+$0x0], $0xffff;
	v60 =	vmul.f32 v48, v55;
	v43 =	vadd.f32 v62, v43  }
0x17c: {  	v42 =	vor.u32 $0x1F, v42;
	v45 =	vadd.f32 v53, v45;
	v53 =	vld.idx.msk [tilespmem:v32+s19+$0x0], $0xffff  }
0x17d: {  	v61 =	vmul.f32 v63, v63;
	v50 =	vld.idx.msk [tilespmem:v50+s21+$0x0], $0xffff;
	v63 =	vmul.f32 v46, v57;
	v43 =	vadd.f32 v60, v43  }
0x17e: {  	v48 =	vld.idx.msk [tilespmem:v33+s19+$0x0], $0xffff  }
0x17f: {  	v51 =	vld.idx.msk [tilespmem:v58+s21+$0x0], $0xffff;
	v59 =	vmul.f32 v56, v52;
	v62 =	vmul.f32 v54, v41;
	v43 =	vadd.f32 v63, v43  }
0x180: {  	v47 =	vmul.f32 v47, v41;
	v45 =	vadd.f32 v61, v45;
	v61 =	vld.idx.msk [tilespmem:v34+s19+$0x0], $0xffff  }
0x181: {  	v46 =	vld.idx.msk [tilespmem:v35+s19+$0x0], $0xffff;
	v54 =	vmul.f32 v62, v62;
	v63 =	vmul.f32 v53, v49;
	v43 =	vadd.f32 v59, v43  }
0x182: {  	v42 =	vld.idx.msk [tilespmem:v42+s21+$0x0], $0xffff;
	v60 =	vmul.f32 v47, v47;
	v62 =	vmul.f32 v55, v41  }
0x183: {  	v45 =	vadd.f32 v54, v45;
	v58 =	vmul.f32 v48, v50;
	v43 =	vadd.f32 v63, v43  }
0x184: {  	v56 =	vmul.f32 v62, v62  }
0x185: {  	s30 =	simm.s32 $0x10;
	v45 =	vadd.f32 v60, v45;
	v60 =	vmul.f32 v61, v51;
	v43 =	vadd.f32 v58, v43  }
0x186: {  	v62 =	vmul.f32 v52, v41;
	v52 =	vor.u32 s30, v0;
	v59 =	vmul.f32 v57, v41  }
0x187: {  	v46 =	vmul.f32 v46, v42;
	v63 =	vshll.u32 v52, $0x7;
	v43 =	vadd.f32 v60, v43  }
0x188: {  	v44 =	vshll.u32 v52, $0x5;
	v45 =	vadd.f32 v56, v45;
	v61 =	vmul.f32 v59, v59  }
0x189: {  	v43 =	vadd.f32 v46, v43  }
0x18a: {  	s25 =	simm.s32 $0x15580;
	v45 =	vadd.f32 v61, v45;
	v58 =	vmul.f32 v62, v62;
	v60 =	vor.u32 $0x1, v44  }
0x18b: {  	[tilespmem:s25+$0x0] =	vst v43  }
0x18c: {  	v59 =	vmul.f32 v49, v41;
	v45 =	vadd.f32 v58, v45;
	v58 =	vor.u32 $0x2, v44;
	v43 =	vld.idx.msk [tilespmem:v63+s20+$0x0], $0xffff  }
0x18d: {  	v57 =	vmul.f32 v50, v41;
	v50 =	vld.idx.msk [tilespmem:v44+s21+$0x0], $0xffff  }
0x18e: {  	v56 =	vmul.f32 v59, v59;
	v62 =	vmul.f32 v51, v41;
	v51 =	vld.idx.msk [tilespmem:v6+s19+$0x0], $0xffff;
	v63 =	vor.u32 $0x3, v44  }
0x18f: {  	v46 =	vld.idx.msk [tilespmem:v60+s21+$0x0], $0xffff  }
0x190: {  	v61 =	vmul.f32 v57, v57;
	v45 =	vadd.f32 v56, v45;
	v48 =	vld.idx.msk [tilespmem:v7+s19+$0x0], $0xffff;
	v60 =	vor.u32 $0x4, v44  }
0x191: {  	v42 =	vmul.f32 v42, v41;
	v55 =	vor.u32 $0x5, v44;
	v49 =	vld.idx.msk [tilespmem:v58+s21+$0x0], $0xffff  }
0x192: {  	vm15 =	vlt.u32 v52, $0xC8;
	v59 =	vmul.f32 v62, v62;
	v45 =	vadd.f32 v61, v45;
	v52 =	vld.idx.msk [tilespmem:v8+s19+$0x0], $0xffff  }
0x193: {  	v61 =	vmul.f32 v42, v42;
	v42 =	vsel vm15, $0x3F800000, v4;
	v47 =	vld.idx.msk [tilespmem:v63+s21+$0x0], $0xffff  }
0x194: {  	v45 =	vadd.f32 v59, v45;
	v62 =	vmul.f32 v50, v42;
	v50 =	vmul.f32 v51, v50;
	v51 =	vld.idx.msk [tilespmem:v9+s19+$0x0], $0xffff  }
0x195: {  	v53 =	vor.u32 $0x6, v44;
	v63 =	vmul.f32 v46, v42;
	v54 =	vld.idx.msk [tilespmem:v60+s21+$0x0], $0xffff;
	v46 =	vmul.f32 v48, v46  }
0x196: {  	v55 =	vld.idx.msk [tilespmem:v55+s21+$0x0], $0xffff;
	v45 =	vadd.f32 v61, v45;
	v61 =	vmul.f32 v49, v42;
	v56 =	vmul.f32 v62, v62  }
0x197: {  	v48 =	vor.u32 $0x7, v44;
	v49 =	vmul.f32 v52, v49;
	v52 =	vld.idx.msk [tilespmem:v10+s19+$0x0], $0xffff;
	v50 =	vadd.f32 v50, v43  }
0x198: {  	v58 =	vld.idx.msk [tilespmem:v3+s19+$0x0], $0xffff;
	v60 =	vmul.f32 v63, v63;
	v62 =	vmul.f32 v61, v61;
	v45 =	vadd.f32 v56, v45  }
0x199: {  	v46 =	vadd.f32 v46, v50;
	v50 =	vor.u32 $0x8, v44;
	v63 =	vmul.f32 v47, v42  }
0x19a: {  	v53 =	vld.idx.msk [tilespmem:v53+s21+$0x0], $0xffff;
	v47 =	vmul.f32 v51, v47;
	v61 =	vmul.f32 v54, v42;
	v45 =	vadd.f32 v60, v45  }
0x19b: {  	v51 =	vld.idx.msk [tilespmem:v5+s19+$0x0], $0xffff;
	v46 =	vadd.f32 v49, v46;
	v49 =	vor.u32 $0x9, v44;
	v60 =	vmul.f32 v63, v63  }
0x19c: {  	v48 =	vld.idx.msk [tilespmem:v48+s21+$0x0], $0xffff;
	v63 =	vmul.f32 v61, v61;
	v61 =	vmul.f32 v52, v55;
	v45 =	vadd.f32 v62, v45  }
0x19d: {  	v52 =	vor.u32 $0xB, v44;
	v46 =	vadd.f32 v47, v46;
	v62 =	vmul.f32 v58, v54;
	v58 =	vld.idx.msk [tilespmem:v11+s19+$0x0], $0xffff  }
0x19e: {  	v54 =	vor.u32 $0xA, v44;
	v50 =	vld.idx.msk [tilespmem:v50+s21+$0x0], $0xffff;
	v45 =	vadd.f32 v60, v45;
	v60 =	vmul.f32 v55, v42  }
0x19f: {  	v46 =	vadd.f32 v62, v46;
	v55 =	vld.idx.msk [tilespmem:v12+s19+$0x0], $0xffff  }
0x1a0: {  	v49 =	vld.idx.msk [tilespmem:v49+s21+$0x0], $0xffff;
	v45 =	vadd.f32 v63, v45;
	v62 =	vmul.f32 v60, v60;
	v63 =	vmul.f32 v53, v42  }
0x1a1: {  	v46 =	vadd.f32 v61, v46;
	v60 =	vmul.f32 v51, v53;
	v51 =	vor.u32 $0xC, v44;
	v53 =	vld.idx.msk [tilespmem:v13+s19+$0x0], $0xffff  }
0x1a2: {  	v52 =	vld.idx.msk [tilespmem:v52+s21+$0x0], $0xffff;
	v45 =	vadd.f32 v62, v45;
	v61 =	vmul.f32 v63, v63;
	v62 =	vmul.f32 v48, v42  }
0x1a3: {  	v54 =	vld.idx.msk [tilespmem:v54+s21+$0x0], $0xffff;
	v46 =	vadd.f32 v60, v46;
	v63 =	vmul.f32 v58, v48;
	v48 =	vor.u32 $0xD, v44  }
0x1a4: {  	v58 =	vld.idx.msk [tilespmem:v14+s19+$0x0], $0xffff;
	v45 =	vadd.f32 v61, v45;
	v60 =	vmul.f32 v62, v62;
	v61 =	vmul.f32 v50, v42  }
0x1a5: {  	v46 =	vadd.f32 v63, v46;
	v62 =	vmul.f32 v55, v50;
	v50 =	vor.u32 $0xE, v44;
	v55 =	vld.idx.msk [tilespmem:v15+s19+$0x0], $0xffff  }
0x1a6: {  	v51 =	vld.idx.msk [tilespmem:v51+s21+$0x0], $0xffff;
	v45 =	vadd.f32 v60, v45;
	v63 =	vmul.f32 v61, v61;
	v60 =	vmul.f32 v49, v42  }
0x1a7: {  	v46 =	vadd.f32 v62, v46;
	v61 =	vmul.f32 v53, v49;
	v49 =	vor.u32 $0xF, v44;
	v53 =	vld.idx.msk [tilespmem:v16+s19+$0x0], $0xffff  }
0x1a8: {  	v48 =	vld.idx.msk [tilespmem:v48+s21+$0x0], $0xffff;
	v45 =	vadd.f32 v63, v45;
	v62 =	vmul.f32 v60, v60;
	v63 =	vmul.f32 v54, v42  }
0x1a9: {  	v46 =	vadd.f32 v61, v46;
	v60 =	vmul.f32 v58, v54;
	v54 =	vor.u32 $0x10, v44;
	v58 =	vld.idx.msk [tilespmem:v17+s19+$0x0], $0xffff  }
0x1aa: {  	v50 =	vld.idx.msk [tilespmem:v50+s21+$0x0], $0xffff;
	v45 =	vadd.f32 v62, v45;
	v61 =	vmul.f32 v63, v63;
	v62 =	vmul.f32 v52, v42  }
0x1ab: {  	v46 =	vadd.f32 v60, v46;
	v63 =	vmul.f32 v55, v52;
	v52 =	vor.u32 $0x11, v44;
	v55 =	vld.idx.msk [tilespmem:v18+s19+$0x0], $0xffff  }
0x1ac: {  	v49 =	vld.idx.msk [tilespmem:v49+s21+$0x0], $0xffff;
	v45 =	vadd.f32 v61, v45;
	v60 =	vmul.f32 v62, v62;
	v61 =	vmul.f32 v51, v42  }
0x1ad: {  	v46 =	vadd.f32 v63, v46;
	v62 =	vmul.f32 v53, v51;
	v51 =	vor.u32 $0x12, v44;
	v53 =	vld.idx.msk [tilespmem:v19+s19+$0x0], $0xffff  }
0x1ae: {  	v54 =	vld.idx.msk [tilespmem:v54+s21+$0x0], $0xffff;
	v45 =	vadd.f32 v60, v45;
	v63 =	vmul.f32 v61, v61;
	v60 =	vmul.f32 v48, v42  }
0x1af: {  	v46 =	vadd.f32 v62, v46;
	v61 =	vmul.f32 v58, v48;
	v48 =	vor.u32 $0x13, v44;
	v58 =	vld.idx.msk [tilespmem:v20+s19+$0x0], $0xffff  }
0x1b0: {  	v52 =	vld.idx.msk [tilespmem:v52+s21+$0x0], $0xffff;
	v45 =	vadd.f32 v63, v45;
	v62 =	vmul.f32 v60, v60;
	v63 =	vmul.f32 v50, v42  }
0x1b1: {  	v46 =	vadd.f32 v61, v46;
	v60 =	vmul.f32 v55, v50;
	v50 =	vor.u32 $0x14, v44;
	v55 =	vld.idx.msk [tilespmem:v21+s19+$0x0], $0xffff  }
0x1b2: {  	v51 =	vld.idx.msk [tilespmem:v51+s21+$0x0], $0xffff;
	v45 =	vadd.f32 v62, v45;
	v61 =	vmul.f32 v63, v63;
	v62 =	vmul.f32 v49, v42  }
0x1b3: {  	v46 =	vadd.f32 v60, v46;
	v63 =	vmul.f32 v53, v49;
	v49 =	vor.u32 $0x15, v44;
	v53 =	vld.idx.msk [tilespmem:v22+s19+$0x0], $0xffff  }
0x1b4: {  	v48 =	vld.idx.msk [tilespmem:v48+s21+$0x0], $0xffff;
	v45 =	vadd.f32 v61, v45;
	v60 =	vmul.f32 v62, v62;
	v61 =	vmul.f32 v54, v42  }
0x1b5: {  	v46 =	vadd.f32 v63, v46;
	v62 =	vmul.f32 v58, v54;
	v58 =	vld.idx.msk [tilespmem:v23+s19+$0x0], $0xffff  }
0x1b6: {  	v50 =	vld.idx.msk [tilespmem:v50+s21+$0x0], $0xffff;
	v45 =	vadd.f32 v60, v45;
	v63 =	vmul.f32 v61, v61;
	v60 =	vmul.f32 v52, v42  }
0x1b7: {  	v54 =	vor.u32 $0x16, v44;
	v46 =	vadd.f32 v62, v46;
	v61 =	vmul.f32 v55, v52;
	v55 =	vld.idx.msk [tilespmem:v24+s19+$0x0], $0xffff  }
0x1b8: {  	v45 =	vadd.f32 v63, v45;
	v62 =	vmul.f32 v60, v60;
	v63 =	vmul.f32 v51, v42  }
0x1b9: {  	v52 =	vor.u32 $0x17, v44;
	v47 =	vld.idx.msk [tilespmem:v49+s21+$0x0], $0xffff;
	v46 =	vadd.f32 v61, v46;
	v60 =	vmul.f32 v53, v51  }
0x1ba: {  	v49 =	vor.u32 $0x18, v44;
	v51 =	vld.idx.msk [tilespmem:v25+s19+$0x0], $0xffff;
	v45 =	vadd.f32 v62, v45;
	v61 =	vmul.f32 v63, v63  }
0x1bb: {  	v62 =	vmul.f32 v48, v42;
	v46 =	vadd.f32 v60, v46;
	v48 =	vmul.f32 v58, v48  }
0x1bc: {  	v54 =	vld.idx.msk [tilespmem:v54+s21+$0x0], $0xffff;
	v60 =	vmul.f32 v50, v42;
	v50 =	vmul.f32 v55, v50  }
0x1bd: {  	v57 =	vld.idx.msk [tilespmem:v26+s19+$0x0], $0xffff;
	v45 =	vadd.f32 v61, v45;
	v63 =	vmul.f32 v62, v62;
	v46 =	vadd.f32 v48, v46  }
0x1be: {  	v52 =	vld.idx.msk [tilespmem:v52+s21+$0x0], $0xffff;
	v48 =	vor.u32 $0x19, v44;
	v61 =	vmul.f32 v60, v60;
	v62 =	vmul.f32 v47, v42  }
0x1bf: {  	v55 =	vld.idx.msk [tilespmem:v27+s19+$0x0], $0xffff;
	v47 =	vmul.f32 v51, v47;
	v45 =	vadd.f32 v63, v45;
	v46 =	vadd.f32 v50, v46  }
0x1c0: {  	v49 =	vld.idx.msk [tilespmem:v49+s21+$0x0], $0xffff;
	v50 =	vor.u32 $0x1A, v44;
	v63 =	vmul.f32 v62, v62  }
0x1c1: {  	v60 =	vmul.f32 v54, v42;
	v45 =	vadd.f32 v61, v45;
	v46 =	vadd.f32 v47, v46;
	v47 =	vld.idx.msk [tilespmem:v28+s19+$0x0], $0xffff  }
0x1c2: {  	v56 =	vor.u32 $0x1B, v44;
	v54 =	vmul.f32 v57, v54  }
0x1c3: {  	v61 =	vmul.f32 v60, v60;
	v62 =	vmul.f32 v52, v42;
	v48 =	vld.idx.msk [tilespmem:v48+s21+$0x0], $0xffff;
	v45 =	vadd.f32 v63, v45  }
0x1c4: {  	v52 =	vmul.f32 v55, v52;
	v55 =	vor.u32 $0x1C, v44;
	v46 =	vadd.f32 v54, v46;
	v54 =	vld.idx.msk [tilespmem:v29+s19+$0x0], $0xffff  }
0x1c5: {  	v40 =	vmul.f32 v40, v41;
	v63 =	vmul.f32 v62, v62;
	v50 =	vld.idx.msk [tilespmem:v50+s21+$0x0], $0xffff;
	v45 =	vadd.f32 v61, v45  }
0x1c6: {  	v60 =	vld.idx.msk [tilespmem:v30+s19+$0x0], $0xffff;
	v61 =	vor.u32 $0x1D, v44;
	v47 =	vmul.f32 v47, v49;
	v49 =	vmul.f32 v49, v42  }
0x1c7: {  	v40 =	vmul.f32 v40, v40;
	v41 =	vld.idx.msk [tilespmem:v56+s21+$0x0], $0xffff;
	v56 =	vor.u32 $0x1E, v44;
	v46 =	vadd.f32 v52, v46  }
0x1c8: {  	v62 =	vld.idx.msk [tilespmem:v31+s19+$0x0], $0xffff;
	v45 =	vadd.f32 v63, v45;
	v63 =	vmul.f32 v48, v42;
	v49 =	vmul.f32 v49, v49  }
0x1c9: {  	v44 =	vor.u32 $0x1F, v44;
	v55 =	vld.idx.msk [tilespmem:v55+s21+$0x0], $0xffff;
	v46 =	vadd.f32 v47, v46;
	v48 =	vmul.f32 v54, v48  }
0x1ca: {  	v57 =	vld.idx.msk [tilespmem:v32+s19+$0x0], $0xffff;
	v47 =	vmul.f32 v63, v63;
	v58 =	vmul.f32 v50, v42;
	v45 =	vadd.f32 v49, v45  }
0x1cb: {  	v39 =	vadd.f32 v40, v39;
	v59 =	vmul.f32 v60, v50;
	v40 =	vld.idx.msk [tilespmem:v61+s21+$0x0], $0xffff;
	v46 =	vadd.f32 v48, v46  }
0x1cc: {  	v50 =	vld.idx.msk [tilespmem:v33+s19+$0x0], $0xffff;
	v61 =	vmul.f32 v41, v42;
	v60 =	vmul.f32 v58, v58;
	v45 =	vadd.f32 v47, v45  }
0x1cd: {  	v43 =	vmul.f32 v43, v42;
	v52 =	vld.idx.msk [tilespmem:v56+s21+$0x0], $0xffff;
	v41 =	vmul.f32 v62, v41;
	v46 =	vadd.f32 v59, v46  }
0x1ce: {  	v48 =	vld.idx.msk [tilespmem:v34+s19+$0x0], $0xffff;
	v63 =	vmul.f32 v55, v42;
	v62 =	vmul.f32 v61, v61;
	v45 =	vadd.f32 v60, v45  }
0x1cf: {  	v43 =	vmul.f32 v43, v43;
	v44 =	vld.idx.msk [tilespmem:v44+s21+$0x0], $0xffff;
	v56 =	vmul.f32 v57, v55;
	v41 =	vadd.f32 v41, v46  }
0x1d0: {  	v57 =	vld.idx.msk [tilespmem:v35+s19+$0x0], $0xffff;
	v58 =	vmul.f32 v63, v63;
	v59 =	vmul.f32 v40, v42;
	v45 =	vadd.f32 v62, v45  }
0x1d1: {  	v39 =	vadd.f32 v43, v39;
	v40 =	vmul.f32 v50, v40;
	v41 =	vadd.f32 v56, v41  }
0x1d2: {  	s31 =	simm.s32 $0x20;
	v61 =	vmul.f32 v52, v42;
	v60 =	vmul.f32 v59, v59;
	v45 =	vadd.f32 v58, v45  }
0x1d3: {  	v43 =	vor.u32 s31, v0;
	v62 =	vmul.f32 v48, v52;
	v40 =	vadd.f32 v40, v41  }
0x1d4: {  	v47 =	vmul.f32 v61, v61;
	v63 =	vmul.f32 v44, v42;
	v45 =	vadd.f32 v60, v45  }
0x1d5: {  	v42 =	vshll.u32 v43, $0x7;
	v46 =	vmul.f32 v57, v44;
	v41 =	vadd.f32 v62, v40  }
0x1d6: {  	s26 =	simm.s32 $0x30;
	v40 =	vshll.u32 v43, $0x5;
	v44 =	vadd.f32 v47, v45;
	v45 =	vmul.f32 v63, v63  }
.LBB2_7:
0x1d7: {  	p0 =	sne.s32 s26, $0xC0;
	v41 =	vadd.f32 v46, v41  }
0x1d8: {  	v46 =	vor.u32 $0x1, v40;
	s25 =	sadd.s32 $0x10, s25;
	v44 =	vadd.f32 v45, v44  }
0x1d9: {  	[tilespmem:s25+$0x0] =	vst v41  }
0x1da: {  	v41 =	vor.u32 $0x2, v40;
	v45 =	vld.idx.msk [tilespmem:v42+s20+$0x0], $0xffff  }
0x1db: {  	v47 =	vld.idx.msk [tilespmem:v40+s21+$0x0], $0xffff  }
0x1dc: {  	v42 =	vor.u32 $0x3, v40;
	v48 =	vld.idx.msk [tilespmem:v6+s19+$0x0], $0xffff  }
0x1dd: {  	v46 =	vld.idx.msk [tilespmem:v46+s21+$0x0], $0xffff  }
0x1de: {  	v50 =	vor.u32 $0x4, v40;
	v49 =	vld.idx.msk [tilespmem:v7+s19+$0x0], $0xffff  }
0x1df: {  	vm0 =	vlt.u32 v43, $0xC8;
	v43 =	vld.idx.msk [tilespmem:v41+s21+$0x0], $0xffff  }
0x1e0: {  	v52 =	vor.u32 $0x5, v40;
	v41 =	vsel vm0, $0x3F800000, v4;
	v51 =	vld.idx.msk [tilespmem:v8+s19+$0x0], $0xffff  }
0x1e1: {  	v53 =	vmul.f32 v47, v41;
	v54 =	vld.idx.msk [tilespmem:v42+s21+$0x0], $0xffff;
	v42 =	vmul.f32 v45, v41  }
0x1e2: {  	v55 =	vor.u32 $0x6, v40;
	v47 =	vmul.f32 v48, v47;
	v48 =	vld.idx.msk [tilespmem:v9+s19+$0x0], $0xffff  }
0x1e3: {  	v53 =	vmul.f32 v53, v53;
	v56 =	vmul.f32 v46, v41;
	v50 =	vld.idx.msk [tilespmem:v50+s21+$0x0], $0xffff  }
0x1e4: {  	v45 =	vadd.f32 v47, v45;
	v46 =	vmul.f32 v49, v46;
	v49 =	vor.u32 $0x7, v40;
	v47 =	vld.idx.msk [tilespmem:v3+s19+$0x0], $0xffff  }
0x1e5: {  	v44 =	vadd.f32 v53, v44;
	v53 =	vmul.f32 v56, v56;
	v56 =	vmul.f32 v43, v41;
	v52 =	vld.idx.msk [tilespmem:v52+s21+$0x0], $0xffff  }
0x1e6: {  	v45 =	vadd.f32 v46, v45;
	v43 =	vmul.f32 v51, v43;
	v51 =	vor.u32 $0x8, v40;
	v46 =	vld.idx.msk [tilespmem:v10+s19+$0x0], $0xffff  }
0x1e7: {  	v44 =	vadd.f32 v53, v44;
	v53 =	vmul.f32 v56, v56;
	v56 =	vmul.f32 v54, v41;
	v55 =	vld.idx.msk [tilespmem:v55+s21+$0x0], $0xffff  }
0x1e8: {  	v43 =	vadd.f32 v43, v45;
	v45 =	vmul.f32 v48, v54;
	v54 =	vor.u32 $0x9, v40;
	v48 =	vld.idx.msk [tilespmem:v5+s19+$0x0], $0xffff  }
0x1e9: {  	v44 =	vadd.f32 v53, v44;
	v53 =	vmul.f32 v56, v56;
	v56 =	vmul.f32 v50, v41;
	v49 =	vld.idx.msk [tilespmem:v49+s21+$0x0], $0xffff  }
0x1ea: {  	v43 =	vadd.f32 v45, v43;
	v45 =	vmul.f32 v47, v50;
	v50 =	vor.u32 $0xA, v40;
	v47 =	vld.idx.msk [tilespmem:v11+s19+$0x0], $0xffff  }
0x1eb: {  	v44 =	vadd.f32 v53, v44;
	v53 =	vmul.f32 v56, v56;
	v56 =	vmul.f32 v52, v41;
	v51 =	vld.idx.msk [tilespmem:v51+s21+$0x0], $0xffff  }
0x1ec: {  	v43 =	vadd.f32 v45, v43;
	v45 =	vmul.f32 v46, v52;
	v52 =	vor.u32 $0xB, v40;
	v46 =	vld.idx.msk [tilespmem:v12+s19+$0x0], $0xffff  }
0x1ed: {  	v44 =	vadd.f32 v53, v44;
	v53 =	vmul.f32 v56, v56;
	v56 =	vmul.f32 v55, v41;
	v54 =	vld.idx.msk [tilespmem:v54+s21+$0x0], $0xffff  }
0x1ee: {  	v43 =	vadd.f32 v45, v43;
	v45 =	vmul.f32 v48, v55;
	v55 =	vor.u32 $0xC, v40;
	v48 =	vld.idx.msk [tilespmem:v13+s19+$0x0], $0xffff  }
0x1ef: {  	v44 =	vadd.f32 v53, v44;
	v53 =	vmul.f32 v56, v56;
	v56 =	vmul.f32 v49, v41;
	v50 =	vld.idx.msk [tilespmem:v50+s21+$0x0], $0xffff  }
0x1f0: {  	v43 =	vadd.f32 v45, v43;
	v45 =	vmul.f32 v47, v49;
	v49 =	vor.u32 $0xD, v40;
	v47 =	vld.idx.msk [tilespmem:v14+s19+$0x0], $0xffff  }
0x1f1: {  	v44 =	vadd.f32 v53, v44;
	v53 =	vmul.f32 v56, v56;
	v56 =	vmul.f32 v51, v41;
	v52 =	vld.idx.msk [tilespmem:v52+s21+$0x0], $0xffff  }
0x1f2: {  	v43 =	vadd.f32 v45, v43;
	v45 =	vmul.f32 v46, v51;
	v51 =	vor.u32 $0xE, v40;
	v46 =	vld.idx.msk [tilespmem:v15+s19+$0x0], $0xffff  }
0x1f3: {  	v44 =	vadd.f32 v53, v44;
	v53 =	vmul.f32 v56, v56;
	v56 =	vmul.f32 v54, v41;
	v55 =	vld.idx.msk [tilespmem:v55+s21+$0x0], $0xffff  }
0x1f4: {  	v43 =	vadd.f32 v45, v43;
	v45 =	vmul.f32 v48, v54;
	v54 =	vor.u32 $0xF, v40;
	v48 =	vld.idx.msk [tilespmem:v16+s19+$0x0], $0xffff  }
0x1f5: {  	v44 =	vadd.f32 v53, v44;
	v53 =	vmul.f32 v56, v56;
	v56 =	vmul.f32 v50, v41;
	v49 =	vld.idx.msk [tilespmem:v49+s21+$0x0], $0xffff  }
0x1f6: {  	v43 =	vadd.f32 v45, v43;
	v45 =	vmul.f32 v47, v50;
	v50 =	vor.u32 $0x10, v40;
	v47 =	vld.idx.msk [tilespmem:v17+s19+$0x0], $0xffff  }
0x1f7: {  	v44 =	vadd.f32 v53, v44;
	v53 =	vmul.f32 v56, v56;
	v56 =	vmul.f32 v52, v41;
	v51 =	vld.idx.msk [tilespmem:v51+s21+$0x0], $0xffff  }
0x1f8: {  	v43 =	vadd.f32 v45, v43;
	v45 =	vmul.f32 v46, v52;
	v52 =	vor.u32 $0x11, v40;
	v46 =	vld.idx.msk [tilespmem:v18+s19+$0x0], $0xffff  }
0x1f9: {  	v44 =	vadd.f32 v53, v44;
	v53 =	vmul.f32 v56, v56;
	v56 =	vmul.f32 v55, v41;
	v54 =	vld.idx.msk [tilespmem:v54+s21+$0x0], $0xffff  }
0x1fa: {  	v43 =	vadd.f32 v45, v43;
	v45 =	vmul.f32 v48, v55;
	v55 =	vor.u32 $0x12, v40;
	v48 =	vld.idx.msk [tilespmem:v19+s19+$0x0], $0xffff  }
0x1fb: {  	v44 =	vadd.f32 v53, v44;
	v53 =	vmul.f32 v56, v56;
	v56 =	vmul.f32 v49, v41;
	v50 =	vld.idx.msk [tilespmem:v50+s21+$0x0], $0xffff  }
0x1fc: {  	v43 =	vadd.f32 v45, v43;
	v45 =	vmul.f32 v47, v49;
	v49 =	vor.u32 $0x13, v40;
	v47 =	vld.idx.msk [tilespmem:v20+s19+$0x0], $0xffff  }
0x1fd: {  	v44 =	vadd.f32 v53, v44;
	v53 =	vmul.f32 v56, v56;
	v56 =	vmul.f32 v51, v41;
	v52 =	vld.idx.msk [tilespmem:v52+s21+$0x0], $0xffff  }
0x1fe: {  	v43 =	vadd.f32 v45, v43;
	v45 =	vmul.f32 v46, v51;
	v51 =	vor.u32 $0x14, v40;
	v46 =	vld.idx.msk [tilespmem:v21+s19+$0x0], $0xffff  }
0x1ff: {  	v44 =	vadd.f32 v53, v44;
	v53 =	vmul.f32 v56, v56;
	v56 =	vmul.f32 v54, v41;
	v55 =	vld.idx.msk [tilespmem:v55+s21+$0x0], $0xffff  }
0x200: {  	v43 =	vadd.f32 v45, v43;
	v45 =	vmul.f32 v48, v54;
	v54 =	vor.u32 $0x15, v40;
	v48 =	vld.idx.msk [tilespmem:v22+s19+$0x0], $0xffff  }
0x201: {  	v44 =	vadd.f32 v53, v44;
	v53 =	vmul.f32 v56, v56;
	v56 =	vmul.f32 v50, v41;
	v49 =	vld.idx.msk [tilespmem:v49+s21+$0x0], $0xffff  }
0x202: {  	v43 =	vadd.f32 v45, v43;
	v45 =	vmul.f32 v47, v50;
	v50 =	vor.u32 $0x16, v40;
	v47 =	vld.idx.msk [tilespmem:v23+s19+$0x0], $0xffff  }
0x203: {  	v44 =	vadd.f32 v53, v44;
	v53 =	vmul.f32 v56, v56;
	v56 =	vmul.f32 v52, v41;
	v51 =	vld.idx.msk [tilespmem:v51+s21+$0x0], $0xffff  }
0x204: {  	v43 =	vadd.f32 v45, v43;
	v45 =	vmul.f32 v46, v52;
	v52 =	vor.u32 $0x17, v40;
	v46 =	vld.idx.msk [tilespmem:v24+s19+$0x0], $0xffff  }
0x205: {  	v44 =	vadd.f32 v53, v44;
	v53 =	vmul.f32 v56, v56;
	v56 =	vmul.f32 v55, v41;
	v54 =	vld.idx.msk [tilespmem:v54+s21+$0x0], $0xffff  }
0x206: {  	v43 =	vadd.f32 v45, v43;
	v45 =	vmul.f32 v48, v55;
	v55 =	vor.u32 $0x18, v40;
	v48 =	vld.idx.msk [tilespmem:v25+s19+$0x0], $0xffff  }
0x207: {  	v44 =	vadd.f32 v53, v44;
	v53 =	vmul.f32 v56, v56;
	v56 =	vmul.f32 v49, v41;
	v50 =	vld.idx.msk [tilespmem:v50+s21+$0x0], $0xffff  }
0x208: {  	v43 =	vadd.f32 v45, v43;
	v45 =	vmul.f32 v47, v49;
	v49 =	vor.u32 $0x19, v40;
	v47 =	vld.idx.msk [tilespmem:v26+s19+$0x0], $0xffff  }
0x209: {  	v44 =	vadd.f32 v53, v44;
	v53 =	vmul.f32 v56, v56;
	v56 =	vmul.f32 v51, v41;
	v52 =	vld.idx.msk [tilespmem:v52+s21+$0x0], $0xffff  }
0x20a: {  	v43 =	vadd.f32 v45, v43;
	v45 =	vmul.f32 v46, v51;
	v51 =	vor.u32 $0x1A, v40;
	v46 =	vld.idx.msk [tilespmem:v27+s19+$0x0], $0xffff  }
0x20b: {  	v44 =	vadd.f32 v53, v44;
	v53 =	vmul.f32 v56, v56;
	v56 =	vmul.f32 v54, v41;
	v55 =	vld.idx.msk [tilespmem:v55+s21+$0x0], $0xffff  }
0x20c: {  	v43 =	vadd.f32 v45, v43;
	v45 =	vmul.f32 v48, v54;
	v54 =	vor.u32 $0x1B, v40;
	v48 =	vld.idx.msk [tilespmem:v28+s19+$0x0], $0xffff  }
0x20d: {  	v44 =	vadd.f32 v53, v44;
	v53 =	vmul.f32 v56, v56;
	v56 =	vmul.f32 v50, v41;
	v49 =	vld.idx.msk [tilespmem:v49+s21+$0x0], $0xffff  }
0x20e: {  	v43 =	vadd.f32 v45, v43;
	v45 =	vmul.f32 v47, v50;
	v50 =	vor.u32 $0x1C, v40;
	v47 =	vld.idx.msk [tilespmem:v29+s19+$0x0], $0xffff  }
0x20f: {  	v44 =	vadd.f32 v53, v44;
	v53 =	vmul.f32 v56, v56;
	v56 =	vmul.f32 v52, v41;
	v51 =	vld.idx.msk [tilespmem:v51+s21+$0x0], $0xffff  }
0x210: {  	v43 =	vadd.f32 v45, v43;
	v45 =	vmul.f32 v46, v52;
	v52 =	vor.u32 $0x1D, v40;
	v46 =	vld.idx.msk [tilespmem:v30+s19+$0x0], $0xffff  }
0x211: {  	v44 =	vadd.f32 v53, v44;
	v53 =	vmul.f32 v56, v56;
	v56 =	vmul.f32 v55, v41;
	v54 =	vld.idx.msk [tilespmem:v54+s21+$0x0], $0xffff  }
0x212: {  	v43 =	vadd.f32 v45, v43;
	v45 =	vmul.f32 v48, v55;
	v55 =	vor.u32 $0x1E, v40;
	v48 =	vld.idx.msk [tilespmem:v31+s19+$0x0], $0xffff  }
0x213: {  	v44 =	vadd.f32 v53, v44;
	v53 =	vmul.f32 v56, v56;
	v56 =	vmul.f32 v49, v41;
	v50 =	vld.idx.msk [tilespmem:v50+s21+$0x0], $0xffff  }
0x214: {  	v40 =	vor.u32 $0x1F, v40;
	v43 =	vadd.f32 v45, v43;
	v45 =	vmul.f32 v47, v49;
	v47 =	vld.idx.msk [tilespmem:v32+s19+$0x0], $0xffff  }
0x215: {  	v44 =	vadd.f32 v53, v44;
	v49 =	vmul.f32 v56, v56;
	v53 =	vmul.f32 v51, v41;
	v52 =	vld.idx.msk [tilespmem:v52+s21+$0x0], $0xffff  }
0x216: {  	v42 =	vmul.f32 v42, v42;
	v43 =	vadd.f32 v45, v43;
	v45 =	vmul.f32 v46, v51;
	v46 =	vld.idx.msk [tilespmem:v33+s19+$0x0], $0xffff  }
0x217: {  	v44 =	vadd.f32 v49, v44;
	v49 =	vmul.f32 v53, v53;
	v51 =	vmul.f32 v54, v41;
	v53 =	vld.idx.msk [tilespmem:v55+s21+$0x0], $0xffff  }
0x218: {  	v39 =	vadd.f32 v42, v39;
	v43 =	vadd.f32 v45, v43;
	v45 =	vmul.f32 v48, v54;
	v48 =	vld.idx.msk [tilespmem:v34+s19+$0x0], $0xffff  }
0x219: {  	v42 =	vadd.f32 v49, v44;
	v44 =	vmul.f32 v51, v51;
	v49 =	vmul.f32 v50, v41;
	v40 =	vld.idx.msk [tilespmem:v40+s21+$0x0], $0xffff  }
0x21a: {  	v43 =	vadd.f32 v45, v43;
	v45 =	vmul.f32 v47, v50;
	v47 =	vld.idx.msk [tilespmem:v35+s19+$0x0], $0xffff  }
0x21b: {  	v42 =	vadd.f32 v44, v42;
	v44 =	vmul.f32 v49, v49;
	v49 =	vmul.f32 v52, v41  }
0x21c: {  	v45 =	vadd.f32 v45, v43;
	v46 =	vmul.f32 v46, v52  }
.Ltmp3:
0x21d: {  	v42 =	vadd.f32 v44, v42;
	v44 =	vmul.f32 v49, v49;
	v49 =	vmul.f32 v53, v41;
	(pc) =	sbr.rel @p0 .LBB2_7-.Ltmp3, $4  }
0x21e: {  	v43 =	vor.u32 s26, v0;
	v45 =	vadd.f32 v46, v45;
	v46 =	vmul.f32 v48, v53  }
0x21f: {  	v44 =	vadd.f32 v44, v42;
	v48 =	vmul.f32 v49, v49;
	v49 =	vmul.f32 v40, v41  }
0x220: {  	v42 =	vshll.u32 v43, $0x7;
	v41 =	vadd.f32 v46, v45;
	v46 =	vmul.f32 v47, v40  }
0x221: {  	s26 =	sadd.s32 $0x10, s26;
	v40 =	vshll.u32 v43, $0x5;
	v44 =	vadd.f32 v48, v44;
	v45 =	vmul.f32 v49, v49  }
0x222: {  	_ = 	snop  }
0x223: {  	v41 =	vadd.f32 v46, v41;
	v60 =	vor.u32 $0x1, v40  }
0x224: {  	s25 =	sadd.s32 $0x10, s25  }
0x225: {  	v61 =	vor.u32 $0x2, v40;
	[tilespmem:s25+$0x0] =	vst v41  }
0x226: {  	v47 =	vld.idx.msk [tilespmem:v40+s21+$0x0], $0xffff  }
0x227: {  	v48 =	vor.u32 $0x3, v40  }
0x228: {  	v46 =	vld.idx.msk [tilespmem:v60+s21+$0x0], $0xffff  }
0x229: {  	v49 =	vor.u32 $0x4, v40;
	vm0 =	vlt.u32 v43, $0xC8;
	v42 =	vld.idx.msk [tilespmem:v42+s20+$0x0], $0xffff  }
0x22a: {  	v41 =	vsel vm0, $0x3F800000, v4;
	v43 =	vld.idx.msk [tilespmem:v61+s21+$0x0], $0xffff  }
0x22b: {  	v50 =	vor.u32 $0x5, v40;
	v55 =	vld.idx.msk [tilespmem:v7+s19+$0x0], $0xffff;
	v51 =	vmul.f32 v47, v41  }
0x22c: {  	v44 =	vadd.f32 v45, v44;
	v45 =	vld.idx.msk [tilespmem:v48+s21+$0x0], $0xffff  }
0x22d: {  	v52 =	vor.u32 $0x6, v40;
	v48 =	vld.idx.msk [tilespmem:v6+s19+$0x0], $0xffff;
	v51 =	vmul.f32 v51, v51;
	v53 =	vmul.f32 v46, v41  }
0x22e: {  	v54 =	vor.u32 $0x7, v40;
	v49 =	vld.idx.msk [tilespmem:v49+s21+$0x0], $0xffff  }
0x22f: {  	v57 =	vld.idx.msk [tilespmem:v8+s19+$0x0], $0xffff;
	v63 =	vmul.f32 v43, v41;
	v44 =	vadd.f32 v51, v44;
	v62 =	vmul.f32 v53, v53  }
0x230: {  	v56 =	vor.u32 $0x8, v40;
	v50 =	vld.idx.msk [tilespmem:v50+s21+$0x0], $0xffff  }
0x231: {  	v58 =	vld.idx.msk [tilespmem:v9+s19+$0x0], $0xffff;
	v61 =	vmul.f32 v45, v41;
	v60 =	vmul.f32 v63, v63;
	v44 =	vadd.f32 v62, v44  }
0x232: {  	v47 =	vmul.f32 v48, v47;
	v48 =	vld.idx.msk [tilespmem:v52+s21+$0x0], $0xffff;
	v52 =	vor.u32 $0x9, v40  }
0x233: {  	v54 =	vld.idx.msk [tilespmem:v54+s21+$0x0], $0xffff;
	v63 =	vmul.f32 v49, v41;
	v62 =	vmul.f32 v61, v61;
	v44 =	vadd.f32 v60, v44  }
0x234: {  	v46 =	vmul.f32 v55, v46;
	v55 =	vor.u32 $0xA, v40;
	v47 =	vadd.f32 v47, v42  }
0x235: {  	v59 =	vld.idx.msk [tilespmem:v3+s19+$0x0], $0xffff;
	v61 =	vmul.f32 v50, v41;
	v60 =	vmul.f32 v63, v63;
	v44 =	vadd.f32 v62, v44  }
0x236: {  	v43 =	vmul.f32 v57, v43;
	v46 =	vadd.f32 v46, v47;
	v47 =	vld.idx.msk [tilespmem:v56+s21+$0x0], $0xffff;
	v56 =	vor.u32 $0xB, v40  }
0x237: {  	v57 =	vld.idx.msk [tilespmem:v10+s19+$0x0], $0xffff;
	v63 =	vmul.f32 v48, v41;
	v62 =	vmul.f32 v61, v61;
	v44 =	vadd.f32 v60, v44  }
0x238: {  	v45 =	vmul.f32 v58, v45;
	v43 =	vadd.f32 v43, v46;
	v46 =	vld.idx.msk [tilespmem:v52+s21+$0x0], $0xffff;
	v61 =	vmul.f32 v54, v41  }
0x239: {  	v58 =	vld.idx.msk [tilespmem:v5+s19+$0x0], $0xffff;
	v52 =	vor.u32 $0xC, v40;
	v60 =	vmul.f32 v63, v63;
	v44 =	vadd.f32 v62, v44  }
0x23a: {  	v43 =	vadd.f32 v45, v43;
	v63 =	vmul.f32 v61, v61;
	v62 =	vmul.f32 v59, v49;
	v49 =	vld.idx.msk [tilespmem:v55+s21+$0x0], $0xffff  }
0x23b: {  	v55 =	vor.u32 $0xD, v40;
	v59 =	vld.idx.msk [tilespmem:v11+s19+$0x0], $0xffff;
	v44 =	vadd.f32 v60, v44;
	v60 =	vmul.f32 v47, v41  }
0x23c: {  	v61 =	vmul.f32 v57, v50;
	v50 =	vld.idx.msk [tilespmem:v56+s21+$0x0], $0xffff;
	v56 =	vor.u32 $0xE, v40;
	v43 =	vadd.f32 v62, v43  }
0x23d: {  	v57 =	vld.idx.msk [tilespmem:v12+s19+$0x0], $0xffff;
	v44 =	vadd.f32 v63, v44;
	v62 =	vmul.f32 v60, v60;
	v63 =	vmul.f32 v46, v41  }
0x23e: {  	v43 =	vadd.f32 v61, v43;
	v60 =	vmul.f32 v58, v48;
	v48 =	vld.idx.msk [tilespmem:v52+s21+$0x0], $0xffff;
	v52 =	vor.u32 $0xF, v40  }
0x23f: {  	v58 =	vld.idx.msk [tilespmem:v13+s19+$0x0], $0xffff;
	v44 =	vadd.f32 v62, v44;
	v61 =	vmul.f32 v63, v63;
	v62 =	vmul.f32 v49, v41  }
0x240: {  	v43 =	vadd.f32 v60, v43;
	v63 =	vmul.f32 v59, v54;
	v54 =	vld.idx.msk [tilespmem:v55+s21+$0x0], $0xffff;
	v55 =	vor.u32 $0x10, v40  }
0x241: {  	v59 =	vld.idx.msk [tilespmem:v14+s19+$0x0], $0xffff;
	v44 =	vadd.f32 v61, v44;
	v60 =	vmul.f32 v62, v62;
	v61 =	vmul.f32 v50, v41  }
0x242: {  	v43 =	vadd.f32 v63, v43;
	v62 =	vmul.f32 v57, v47;
	v47 =	vld.idx.msk [tilespmem:v56+s21+$0x0], $0xffff;
	v56 =	vor.u32 $0x11, v40  }
0x243: {  	v57 =	vld.idx.msk [tilespmem:v15+s19+$0x0], $0xffff;
	v44 =	vadd.f32 v60, v44;
	v63 =	vmul.f32 v61, v61;
	v60 =	vmul.f32 v48, v41  }
0x244: {  	v43 =	vadd.f32 v62, v43;
	v61 =	vmul.f32 v58, v46;
	v46 =	vld.idx.msk [tilespmem:v52+s21+$0x0], $0xffff;
	v52 =	vor.u32 $0x12, v40  }
0x245: {  	v58 =	vld.idx.msk [tilespmem:v16+s19+$0x0], $0xffff;
	v44 =	vadd.f32 v63, v44;
	v62 =	vmul.f32 v60, v60;
	v63 =	vmul.f32 v54, v41  }
0x246: {  	v43 =	vadd.f32 v61, v43;
	v60 =	vmul.f32 v59, v49;
	v49 =	vld.idx.msk [tilespmem:v55+s21+$0x0], $0xffff;
	v55 =	vor.u32 $0x13, v40  }
0x247: {  	v59 =	vld.idx.msk [tilespmem:v17+s19+$0x0], $0xffff;
	v44 =	vadd.f32 v62, v44;
	v61 =	vmul.f32 v63, v63;
	v62 =	vmul.f32 v47, v41  }
0x248: {  	v43 =	vadd.f32 v60, v43;
	v63 =	vmul.f32 v57, v50;
	v50 =	vld.idx.msk [tilespmem:v56+s21+$0x0], $0xffff;
	v56 =	vor.u32 $0x14, v40  }
0x249: {  	v57 =	vld.idx.msk [tilespmem:v18+s19+$0x0], $0xffff;
	v44 =	vadd.f32 v61, v44;
	v60 =	vmul.f32 v62, v62;
	v61 =	vmul.f32 v46, v41  }
0x24a: {  	v43 =	vadd.f32 v63, v43;
	v62 =	vmul.f32 v58, v48;
	v48 =	vld.idx.msk [tilespmem:v52+s21+$0x0], $0xffff;
	v52 =	vor.u32 $0x15, v40  }
0x24b: {  	v58 =	vld.idx.msk [tilespmem:v19+s19+$0x0], $0xffff;
	v44 =	vadd.f32 v60, v44;
	v63 =	vmul.f32 v61, v61;
	v60 =	vmul.f32 v49, v41  }
0x24c: {  	v43 =	vadd.f32 v62, v43;
	v61 =	vmul.f32 v59, v54;
	v54 =	vld.idx.msk [tilespmem:v55+s21+$0x0], $0xffff;
	v55 =	vor.u32 $0x16, v40  }
0x24d: {  	v59 =	vld.idx.msk [tilespmem:v20+s19+$0x0], $0xffff;
	v44 =	vadd.f32 v63, v44;
	v62 =	vmul.f32 v60, v60;
	v63 =	vmul.f32 v50, v41  }
0x24e: {  	v43 =	vadd.f32 v61, v43;
	v60 =	vmul.f32 v57, v47;
	v47 =	vld.idx.msk [tilespmem:v56+s21+$0x0], $0xffff;
	v56 =	vor.u32 $0x17, v40  }
0x24f: {  	v57 =	vld.idx.msk [tilespmem:v21+s19+$0x0], $0xffff;
	v44 =	vadd.f32 v62, v44;
	v61 =	vmul.f32 v63, v63;
	v62 =	vmul.f32 v48, v41  }
0x250: {  	v43 =	vadd.f32 v60, v43;
	v63 =	vmul.f32 v58, v46;
	v46 =	vld.idx.msk [tilespmem:v52+s21+$0x0], $0xffff;
	v52 =	vor.u32 $0x18, v40  }
0x251: {  	v58 =	vld.idx.msk [tilespmem:v22+s19+$0x0], $0xffff;
	v44 =	vadd.f32 v61, v44;
	v60 =	vmul.f32 v62, v62;
	v61 =	vmul.f32 v54, v41  }
0x252: {  	v43 =	vadd.f32 v63, v43;
	v62 =	vmul.f32 v59, v49;
	v49 =	vld.idx.msk [tilespmem:v55+s21+$0x0], $0xffff;
	v55 =	vor.u32 $0x19, v40  }
0x253: {  	v59 =	vld.idx.msk [tilespmem:v23+s19+$0x0], $0xffff;
	v44 =	vadd.f32 v60, v44;
	v63 =	vmul.f32 v61, v61;
	v60 =	vmul.f32 v47, v41  }
0x254: {  	v43 =	vadd.f32 v62, v43;
	v61 =	vmul.f32 v57, v50;
	v50 =	vld.idx.msk [tilespmem:v56+s21+$0x0], $0xffff;
	v56 =	vor.u32 $0x1A, v40  }
0x255: {  	v57 =	vld.idx.msk [tilespmem:v24+s19+$0x0], $0xffff;
	v44 =	vadd.f32 v63, v44;
	v62 =	vmul.f32 v60, v60;
	v63 =	vmul.f32 v46, v41  }
0x256: {  	v43 =	vadd.f32 v61, v43;
	v60 =	vmul.f32 v58, v48;
	v48 =	vld.idx.msk [tilespmem:v52+s21+$0x0], $0xffff;
	v52 =	vor.u32 $0x1B, v40  }
0x257: {  	v58 =	vld.idx.msk [tilespmem:v25+s19+$0x0], $0xffff;
	v44 =	vadd.f32 v62, v44;
	v61 =	vmul.f32 v63, v63;
	v62 =	vmul.f32 v49, v41  }
0x258: {  	v43 =	vadd.f32 v60, v43;
	v63 =	vmul.f32 v59, v54;
	v54 =	vld.idx.msk [tilespmem:v55+s21+$0x0], $0xffff;
	v55 =	vor.u32 $0x1C, v40  }
0x259: {  	v59 =	vld.idx.msk [tilespmem:v26+s19+$0x0], $0xffff;
	v44 =	vadd.f32 v61, v44;
	v60 =	vmul.f32 v62, v62;
	v61 =	vmul.f32 v50, v41  }
0x25a: {  	v43 =	vadd.f32 v63, v43;
	v62 =	vmul.f32 v57, v47;
	v47 =	vld.idx.msk [tilespmem:v56+s21+$0x0], $0xffff;
	v56 =	vor.u32 $0x1D, v40  }
0x25b: {  	v57 =	vld.idx.msk [tilespmem:v27+s19+$0x0], $0xffff;
	v44 =	vadd.f32 v60, v44;
	v63 =	vmul.f32 v61, v61;
	v60 =	vmul.f32 v48, v41  }
0x25c: {  	v43 =	vadd.f32 v62, v43;
	v61 =	vmul.f32 v58, v46;
	v46 =	vld.idx.msk [tilespmem:v52+s21+$0x0], $0xffff;
	v52 =	vor.u32 $0x1E, v40  }
0x25d: {  	v58 =	vld.idx.msk [tilespmem:v28+s19+$0x0], $0xffff;
	v44 =	vadd.f32 v63, v44;
	v62 =	vmul.f32 v60, v60;
	v63 =	vmul.f32 v54, v41  }
0x25e: {  	v40 =	vor.u32 $0x1F, v40;
	v43 =	vadd.f32 v61, v43;
	v60 =	vmul.f32 v59, v49;
	v49 =	vld.idx.msk [tilespmem:v55+s21+$0x0], $0xffff  }
0x25f: {  	v55 =	vld.idx.msk [tilespmem:v29+s19+$0x0], $0xffff;
	v44 =	vadd.f32 v62, v44;
	v61 =	vmul.f32 v63, v63;
	v62 =	vmul.f32 v47, v41  }
0x260: {  	v43 =	vadd.f32 v60, v43;
	v63 =	vmul.f32 v57, v50;
	v50 =	vld.idx.msk [tilespmem:v56+s21+$0x0], $0xffff  }
0x261: {  	v56 =	vld.idx.msk [tilespmem:v30+s19+$0x0], $0xffff;
	v59 =	vmul.f32 v46, v41;
	v44 =	vadd.f32 v61, v44;
	v57 =	vmul.f32 v62, v62  }
0x262: {  	v60 =	vmul.f32 v58, v48;
	v48 =	vld.idx.msk [tilespmem:v52+s21+$0x0], $0xffff;
	v43 =	vadd.f32 v63, v43  }
0x263: {  	v52 =	vld.idx.msk [tilespmem:v31+s19+$0x0], $0xffff;
	v61 =	vmul.f32 v59, v59;
	v62 =	vmul.f32 v49, v41;
	v44 =	vadd.f32 v57, v44  }
0x264: {  	v40 =	vld.idx.msk [tilespmem:v40+s21+$0x0], $0xffff;
	v63 =	vmul.f32 v55, v54;
	v43 =	vadd.f32 v60, v43  }
0x265: {  	v54 =	vld.idx.msk [tilespmem:v32+s19+$0x0], $0xffff;
	v57 =	vmul.f32 v62, v62;
	v58 =	vmul.f32 v50, v41;
	v44 =	vadd.f32 v61, v44  }
0x266: {  	v59 =	vmul.f32 v56, v47;
	v43 =	vadd.f32 v63, v43  }
0x267: {  	v61 =	vmul.f32 v48, v41;
	v60 =	vmul.f32 v58, v58;
	v44 =	vadd.f32 v57, v44  }
0x268: {  	v47 =	vld.idx.msk [tilespmem:v33+s19+$0x0], $0xffff;
	v62 =	vmul.f32 v52, v46;
	v43 =	vadd.f32 v59, v43  }
0x269: {  	v56 =	vmul.f32 v61, v61;
	v57 =	vmul.f32 v40, v41;
	v44 =	vadd.f32 v60, v44  }
0x26a: {  	v63 =	vld.idx.msk [tilespmem:v34+s19+$0x0], $0xffff;
	v58 =	vmul.f32 v54, v49;
	v41 =	vmul.f32 v42, v41  }
0x26b: {  	v43 =	vadd.f32 v62, v43;
	v60 =	vmul.f32 v57, v57;
	v59 =	vadd.f32 v56, v44  }
0x26c: {  	v61 =	vld.idx.msk [tilespmem:v35+s19+$0x0], $0xffff;
	v41 =	vmul.f32 v41, v41  }
0x26d: {  	v62 =	vmul.f32 v47, v50;
	v43 =	vadd.f32 v58, v43;
	v42 =	vadd.f32 v60, v59  }
0x26e: {  	v39 =	vadd.f32 v41, v39  }
0x26f: {  	v63 =	vmul.f32 v63, v48;
	v43 =	vadd.f32 v62, v43;
	v36 =	vadd.f32 v42, v36  }
0x270: {  	v38 =	vmul.f32 v38, v38  }
0x271: {  	v40 =	vmul.f32 v61, v40;
	v48 =	vadd.f32 v63, v43;
	v36 =	vadd.f32 v39, v36;
	_ =	sdelay $0x1  }
0x272: {  	v37 =	vmul.f32 v37, v37;
	v49 =	vadd.f32 v40, v48;
	v36 =	vadd.f32 v36, v38  }
0x273: {  	s0 =	sadd.s32 $0x10, s25  }
0x274: {  	[tilespmem:s0+$0x0] =	vst v49;
	v36 =	vadd.f32 v36, v37  }
0x275: {  	[tilespmem:$0x15710] =	vst v4  }
0x276: {  	[tilespmem:$0x15700] =	vst v36  }
0x277: {  	v50 =	vld [tilespmem:$0x15701];
	_ =	sdelay $0x1  }
0x278: {  	v51 =	vld [tilespmem:$0x15702];
	_ =	sdelay $0x1  }
0x279: {  	v39 =	vld [tilespmem:$0x15703]  }
0x27a: {  	v36 =	vadd.f32 v50, v36  }
0x27b: {  	v52 =	vld [tilespmem:$0x15704]  }
0x27c: {  	v36 =	vadd.f32 v51, v36  }
0x27d: {  	v53 =	vld [tilespmem:$0x15705]  }
0x27e: {  	v36 =	vadd.f32 v39, v36  }
0x27f: {  	v54 =	vld [tilespmem:$0x15706]  }
0x280: {  	v36 =	vadd.f32 v52, v36  }
0x281: {  	v55 =	vld [tilespmem:$0x15707]  }
0x282: {  	v36 =	vadd.f32 v53, v36  }
0x283: {  	v56 =	vld [tilespmem:$0x15708]  }
0x284: {  	v36 =	vadd.f32 v54, v36  }
0x285: {  	v57 =	vld [tilespmem:$0x15709]  }
0x286: {  	v36 =	vadd.f32 v55, v36  }
0x287: {  	v58 =	vld [tilespmem:$0x1570A]  }
0x288: {  	v36 =	vadd.f32 v56, v36  }
0x289: {  	v59 =	vld [tilespmem:$0x1570B]  }
0x28a: {  	v36 =	vadd.f32 v57, v36  }
0x28b: {  	v60 =	vld [tilespmem:$0x1570C]  }
0x28c: {  	v36 =	vadd.f32 v58, v36  }
0x28d: {  	v61 =	vld [tilespmem:$0x1570D]  }
0x28e: {  	v36 =	vadd.f32 v59, v36  }
0x28f: {  	v62 =	vld [tilespmem:$0x1570E]  }
0x290: {  	v36 =	vadd.f32 v60, v36  }
0x291: {  	v63 =	vld [tilespmem:$0x1570F]  }
0x292: {  	v36 =	vadd.f32 v61, v36;
	_ =	sdelay $0x1  }
0x293: {  	v36 =	vadd.f32 v62, v36;
	_ =	sdelay $0x1  }
0x294: {  	v36 =	vadd.f32 v63, v36;
	_ =	sdelay $0x1  }
0x295: {  	v36 =	vmul.f32 $5.000000000e-01, v36;
	_ =	sdelay $0x1  }
0x296: {  	s30 =	simm.s32 $0x15580;
	[tilespmem:$0x15680] =	vst v36  }
0x297: {  	[hbm4b:s6+s8] =	stream.linear.scatter [tilespmem:s30], [sflag:$0x2], $0xC8, $0x38;
	[tilespmem:$0x15800] =	vst v63  }
0x298: {  	s24 =	sadd.s32 $0x1, s24;
	_ =	swait.ge [sflag:s14], $0xC8  }
0x299: {  	p0 =	sne.s32 s24, s13;
	[sflag:s14] =	ssyncset.done $0x0  }
.Ltmp4:
0x29a: {  	s31 =	simm.s32 $0x15680;
	[sflag:s14] =	ssyncadd.s32 $0xFFFFFF38;
	(pc) =	sbr.rel @p0 .LBB2_2-.Ltmp4, $4  }
0x29b: {  	[hbm4b:s7+s8] =	stream.linear.scatter [tilespmem:s31], [sflag:$0x2], $0x80, $0x38;
	[tilespmem:$0x15800] =	vst v63  }
0x29c: {  	_ =	swait.ge [sflag:s14], $0x80  }
0x29d: {  	[sflag:s14] =	ssyncset.done $0x0  }
0x29e: {  	[sflag:s14] =	ssyncadd.s32 $0xFFFFFF80  }
.LBB2_9:
0x29f: {  	_ =	sfence.sel $0x180000  }
0x2a0: {  	[bflag:$0x0] =	sbarrier.arrive $0xFFFF  }
0x2a1: {  	_ =	strace $0x90000047  }
0x2a2: {  	s0 =	stileid.u32;
	[bflag:$0x2] =	sbarrier.arrive $0xFFFF  }
0x2a3: {  	p0 =	sne.s32 s0, $0x0;
	s0 =	rddreg [dreg:$0x7]  }
0x2a4: {  	s0 =	sadd.s32 @!p0 $0x100000, s0  }
0x2a5: {  	[sflag:s0] =	ssyncadd.tile.s32 @!p0 $0x1;
	_ =	shalt  }
.Lfunc_end2:
_tile_overlayer_lowered:
.L_overlay_start_2:
0x2a6: {  	(tag) =	ssettag $0x2  }
0x2a7: {  	s0 =	rddreg [dreg:$0x0];
	s2 =	stileid.u32  }
0x2a8: {  	s1 =	rddreg [dreg:$0x1];
	p0 =	sne.s32 s2, $0x0  }
0x2a9: {  	s3 =	rddreg [dreg:$0x2];
	[bflag:$0x3] =	sbarrier.arrive $0xFFFF;
	s2 =	simm.s32 @!p0 $0x1C02  }
0x2aa: {  	[timem:s3], [sflag:s2] =	dma.local @!p0 [hbm:s0], s1  }
0x2ab: {  	s0 =	simm.s32 @!p0 $0x2  }
0x2ac: {  	_ =	swait.ge @!p0 [sflag:s0], s1  }
0x2ad: {  	s1 =	ssub.s32 @!p0 $0x0, s1;
	[sflag:s0] =	ssyncset.done @!p0 $0x0  }
0x2ae: {  	[sflag:s0] =	ssyncadd.s32 @!p0 s1  }
0x2af: {  	[bflag:$0x3] =	sbarrier.arrive $0xFFFF  }
0x2b0: {  	_ =	shalt  }

</sc_bundles>
